<compile_context>
chip_gen: v7x
topology: tpu7x:2x2x1
jax: 0.10.2.dev20260603
libtpu: 0.0.44.dev20260713+nightly
codegen_flags: <defaults>
</compile_context>

<pallas_src>
import functools

import jax
import jax.numpy as jnp
from jax import lax
from jax.experimental import pallas as pl
from jax.experimental.pallas import tpu as pltpu
from jax.experimental.pallas import tpu_sc as plsc

_N = 10000
_E = 320000
_D = 128
_H = _D // 2
_G = 64

_NC = 2
_NS = 16
_EW = _E // _NS
_K = 125
_CH = _EW // _K
_NBUF = 4
_NP = 10240
_RPT = _NP // _NS


@functools.lru_cache(maxsize=2)
def _make_segsum_sc(nph):
    mesh = plsc.VectorSubcoreMesh(
        core_axis_name="c", subcore_axis_name="s", num_cores=_NC, num_subcores=_NS
    )

    def body(*args):
        tables = args[:2 * nph]
        srcw, dstw, zrows, out = args[2 * nph:2 * nph + 4]
        src_v, dst_v, rows, acc, gsem, ssem = args[2 * nph + 4:]
        c = lax.axis_index("c")
        s_ = lax.axis_index("s")
        slab = pl.ds(s_ * _RPT, _RPT)

        pltpu.sync_copy(srcw.at[s_], src_v)
        pltpu.sync_copy(dstw.at[s_], dst_v)
        pltpu.sync_copy(zrows, acc.at[slab])
        plsc.subcore_barrier()

        for ph in range(nph):
            t_even, t_odd = tables[2 * ph], tables[2 * ph + 1]

            if ph:
                pltpu.sync_copy(zrows, acc.at[slab])
                plsc.subcore_barrier()

            def issue_gather(i, b, t_even=t_even, t_odd=t_odd):
                @pl.when(c == 0)
                def _gl():
                    pltpu.async_copy(t_even.at[src_v.at[i]], rows[b], gsem[b])

                @pl.when(c == 1)
                def _gr():
                    pltpu.async_copy(t_odd.at[src_v.at[i]], rows[b], gsem[b])

            for b in range(_NBUF):
                issue_gather(b, b)

            def round_body(rnd, carry, t_even=t_even, issue_gather=issue_gather):
                base = rnd * _NBUF
                for b in range(_NBUF):
                    i = base + b
                    pltpu.make_async_copy(
                        t_even.at[src_v.at[i]], rows[b], gsem[b]).wait()
                    pltpu.async_copy(rows[b], acc.at[dst_v.at[i]], ssem[b], add=True)
                for b in range(_NBUF):
                    i2 = base + _NBUF + b
                    pltpu.make_async_copy(
                        rows[b], acc.at[dst_v.at[0]], ssem[b]).wait()

                    @pl.when(i2 < _CH)
                    def _issue_next():
                        issue_gather(i2, b)

                return carry

            lax.fori_loop(0, _CH // _NBUF, round_body, None)

            plsc.subcore_barrier()
            pltpu.sync_copy(acc.at[slab], out.at[ph, c, slab])

    return pl.kernel(
        body,
        out_type=jax.ShapeDtypeStruct((nph, _NC, _NP, _H), jnp.float32),
        mesh=mesh,
        scratch_types=[
            pltpu.VMEM((_CH, _K), jnp.int32),
            pltpu.VMEM((_CH, _K), jnp.int32),
            [pltpu.VMEM((_K, _H), jnp.float32) for _ in range(_NBUF)],
            pltpu.VMEM_SHARED((_NP, _H), jnp.float32),
            [pltpu.SemaphoreType.DMA for _ in range(_NBUF)],
            [pltpu.SemaphoreType.DMA for _ in range(_NBUF)],
        ],
        compiler_params=pltpu.CompilerParams(use_tc_tiling_on_sc=False, skip_device_barrier=True),
    )


def _segsum_sc(*tables_then_idx):
    nph = (len(tables_then_idx) - 3) // 2
    return _make_segsum_sc(nph)(*tables_then_idx)


_BLK = 2000
_NBLK = _N // _BLK


def _mid_body(part_ref, x_ref, w1r_ref, b1_ref, w1s_ref, w2s_ref,
              q0_ref, q1_ref, q2_ref, q3_ref, r_ref):
    w1r = w1r_ref[...]
    h1 = jnp.maximum(
        jnp.dot(part_ref[0], w1r[:_H], preferred_element_type=jnp.float32)
        + jnp.dot(part_ref[1], w1r[_H:], preferred_element_type=jnp.float32)
        + b1_ref[...]
        + jnp.dot(x_ref[...], w1s_ref[...], preferred_element_type=jnp.float32),
        0.0,
    )
    q0_ref[...] = h1[:, 0 * _H:1 * _H]
    q1_ref[...] = h1[:, 1 * _H:2 * _H]
    q2_ref[...] = h1[:, 2 * _H:3 * _H]
    q3_ref[...] = h1[:, 3 * _H:4 * _H]
    r_ref[...] = jnp.dot(h1, w2s_ref[...], preferred_element_type=jnp.float32)


def _final_body(part_ref, r_ref, w2r_ref, b2_ref, batch_ref,
                ws1_ref, bs1_ref, ws2_ref, bs2_ref, ws3_ref, bs3_ref,
                wd1_ref, bd1_ref, wd2_ref, bd2_ref, wd3_ref, bd3_ref,
                h3_ref, xo_ref, sums, cnts):
    i = pl.program_id(0)

    @pl.when(i == 0)
    def _():
        sums[...] = jnp.zeros_like(sums)
        cnts[...] = jnp.zeros_like(cnts)

    agg2 = jnp.concatenate(
        [part_ref[0, 0], part_ref[0, 1], part_ref[1, 0], part_ref[1, 1]], axis=1)
    h2 = jnp.maximum(
        jnp.dot(agg2, w2r_ref[...], preferred_element_type=jnp.float32)
        + b2_ref[...] + r_ref[...], 0.0)
    gids = lax.broadcasted_iota(jnp.int32, (_G, _BLK), 0)
    onehot_t = (gids == batch_ref[0]).astype(jnp.float32)
    sums[...] += jnp.dot(onehot_t, h2, preferred_element_type=jnp.float32,
                         precision=jax.lax.Precision.HIGHEST)
    cnts[...] += jnp.broadcast_to(
        jnp.sum(onehot_t, axis=1, keepdims=True), (_G, _D)
    )

    @pl.when(i == _NBLK - 1)
    def _():
        h3 = sums[...] / jnp.maximum(cnts[...], 1.0)
        h3_ref[...] = h3
        s1 = jnp.maximum(jnp.dot(h3, ws1_ref[...], preferred_element_type=jnp.float32) + bs1_ref[...], 0.0)
        s2 = jnp.maximum(jnp.dot(s1, ws2_ref[...], preferred_element_type=jnp.float32) + bs2_ref[...], 0.0)
        z = jnp.dot(s2, ws3_ref[...], preferred_element_type=jnp.float32) + bs3_ref[...]
        d1 = jnp.maximum(jnp.dot(z, wd1_ref[...], preferred_element_type=jnp.float32) + bd1_ref[...], 0.0)
        d2 = jnp.maximum(jnp.dot(d1, wd2_ref[...], preferred_element_type=jnp.float32) + bd2_ref[...], 0.0)
        xo_ref[...] = jnp.dot(d2, wd3_ref[...], preferred_element_type=jnp.float32) + bd3_ref[...]


def _full(spec):
    return pl.BlockSpec(spec, lambda i: tuple(0 for _ in spec))


def kernel(x, edge_index, batch, W1_rel, b1, W1_root, W2_rel, b2, W2_root,
           Ws1, bs1, Ws2, bs2, Ws3, bs3, Wd1, bd1, Wd2, bd2, Wd3, bd3):
    srcw = edge_index[0].reshape(_NS, _CH, _K)
    dstw = edge_index[1].reshape(_NS, _CH, _K)
    zrows = jnp.zeros((_RPT, _H), jnp.float32)
    batch_r = batch.reshape(_NBLK, 1, _BLK)

    part1 = _segsum_sc(x[:, :_H], x[:, _H:], srcw, dstw, zrows)[0]

    q0, q1, q2, q3, r = pl.pallas_call(
        _mid_body,
        grid=(_NBLK,),
        in_specs=[
            pl.BlockSpec((_NC, _BLK, _H), lambda i: (0, i, 0)),
            pl.BlockSpec((_BLK, _D), lambda i: (i, 0)),
            _full((_D, 2 * _D)),
            _full((1, 2 * _D)),
            _full((_D, 2 * _D)),
            _full((2 * _D, _D)),
        ],
        out_specs=[
            pl.BlockSpec((_BLK, _H), lambda i: (i, 0)),
            pl.BlockSpec((_BLK, _H), lambda i: (i, 0)),
            pl.BlockSpec((_BLK, _H), lambda i: (i, 0)),
            pl.BlockSpec((_BLK, _H), lambda i: (i, 0)),
            pl.BlockSpec((_BLK, _D), lambda i: (i, 0)),
        ],
        out_shape=[
            jax.ShapeDtypeStruct((_N, _H), jnp.float32),
            jax.ShapeDtypeStruct((_N, _H), jnp.float32),
            jax.ShapeDtypeStruct((_N, _H), jnp.float32),
            jax.ShapeDtypeStruct((_N, _H), jnp.float32),
            jax.ShapeDtypeStruct((_N, _D), jnp.float32),
        ],
    )(part1, x, W1_rel, b1.reshape(1, -1), W1_root, W2_root)

    part2 = _segsum_sc(q0, q1, q2, q3, srcw, dstw, zrows)

    h3, x_ = pl.pallas_call(
        _final_body,
        grid=(_NBLK,),
        in_specs=[
            pl.BlockSpec((2, _NC, _BLK, _H), lambda i: (0, 0, i, 0)),
            pl.BlockSpec((_BLK, _D), lambda i: (i, 0)),
            _full((2 * _D, _D)),
            _full((1, _D)),
            pl.BlockSpec((1, 1, _BLK), lambda i: (i, 0, 0)),
            _full((_D, 8)), _full((1, 8)),
            _full((8, 4)), _full((1, 4)),
            _full((4, 1)), _full((1, 1)),
            _full((1, 4)), _full((1, 4)),
            _full((4, 8)), _full((1, 8)),
            _full((8, _D)), _full((1, _D)),
        ],
        out_specs=[
            pl.BlockSpec((_G, _D), lambda i: (0, 0)),
            pl.BlockSpec((_G, _D), lambda i: (0, 0)),
        ],
        out_shape=[
            jax.ShapeDtypeStruct((_G, _D), jnp.float32),
            jax.ShapeDtypeStruct((_G, _D), jnp.float32),
        ],
        scratch_shapes=[
            pltpu.VMEM((_G, _D), jnp.float32),
            pltpu.VMEM((_G, _D), jnp.float32),
        ],
    )(part2, r, W2_rel, b2.reshape(1, -1), batch_r,
      Ws1, bs1.reshape(1, -1), Ws2, bs2.reshape(1, -1), Ws3, bs3.reshape(1, -1),
      Wd1, bd1.reshape(1, -1), Wd2, bd2.reshape(1, -1), Wd3, bd3.reshape(1, -1))

    return (h3, x_)

# --- scband reference (transcript-rebuilt; emitter-appended) ---
"""Pipeline reference for scband-gae-69827578298829 (READ-ONLY COPY).

The authoritative reference and input builder live on the scoring server;
editing this copy changes nothing except your own understanding.
"""

import jax, jax.numpy as jnp
import numpy as np

N = 10000
E = 320000
D_IN = 128
D_OUT = 128
G = 64


def setup_inputs(seed: int = 0) -> dict:
    key = jax.random.key(seed)
    ks = jax.random.split(key, 16)
    x = jax.random.normal(ks[0], (N, D_IN), dtype=jnp.float32)
    edge_index = jax.random.randint(ks[1], (2, E), 0, N, dtype=jnp.int32)
    batch = jnp.sort(jax.random.randint(ks[2], (N,), 0, G, dtype=jnp.int32))
    # GraphConv1: in=128 -> 2*out=256 (lin_rel has bias, lin_root no bias)
    W1_rel = jax.random.normal(ks[3], (D_IN, 2 * D_OUT), dtype=jnp.float32) / np.sqrt(D_IN)
    b1 = jnp.zeros((2 * D_OUT,), dtype=jnp.float32)
    W1_root = jax.random.normal(ks[4], (D_IN, 2 * D_OUT), dtype=jnp.float32) / np.sqrt(D_IN)
    # GraphConv2: 256 -> 128
    W2_rel = jax.random.normal(ks[5], (2 * D_OUT, D_OUT), dtype=jnp.float32) / np.sqrt(2 * D_OUT)
    b2 = jnp.zeros((D_OUT,), dtype=jnp.float32)
    W2_root = jax.random.normal(ks[6], (2 * D_OUT, D_OUT), dtype=jnp.float32) / np.sqrt(2 * D_OUT)
    # encoder_S: 128 -> 8 -> 4 -> 1
    Ws1 = jax.random.normal(ks[7], (D_OUT, 8), dtype=jnp.float32) / np.sqrt(D_OUT)
    bs1 = jnp.zeros((8,), dtype=jnp.float32)
    Ws2 = jax.random.normal(ks[8], (8, 4), dtype=jnp.float32) / np.sqrt(8)
    bs2 = jnp.zeros((4,), dtype=jnp.float32)
    Ws3 = jax.random.normal(ks[9], (4, 1), dtype=jnp.float32) / np.sqrt(4)
    bs3 = jnp.zeros((1,), dtype=jnp.float32)
    # decoder: original torch code uses Linear(2,4) but z has dim 1 (bug);
    # corrected to in_features=1 so the module is runnable.
    Wd1 = jax.random.normal(ks[10], (1, 4), dtype=jnp.float32)
    bd1 = jnp.zeros((4,), dtype=jnp.float32)
    Wd2 = jax.random.normal(ks[11], (4, 8), dtype=jnp.float32) / np.sqrt(4)
    bd2 = jnp.zeros((8,), dtype=jnp.float32)
    Wd3 = jax.random.normal(ks[12], (8, D_OUT), dtype=jnp.float32) / np.sqrt(8)
    bd3 = jnp.zeros((D_OUT,), dtype=jnp.float32)
    return {
        "x": x, "edge_index": edge_index, "batch": batch,
        "W1_rel": W1_rel, "b1": b1, "W1_root": W1_root,
        "W2_rel": W2_rel, "b2": b2, "W2_root": W2_root,
        "Ws1": Ws1, "bs1": bs1, "Ws2": Ws2, "bs2": bs2, "Ws3": Ws3, "bs3": bs3,
        "Wd1": Wd1, "bd1": bd1, "Wd2": Wd2, "bd2": bd2, "Wd3": Wd3, "bd3": bd3,
    }


def _graph_conv(x, src, dst, W_rel, b_rel, W_root):
    # PyG GraphConv (aggr='add'): out = lin_rel(sum_{j in N(i)} x_j) + lin_root(x_i)
    agg = jax.ops.segment_sum(x[src], dst, num_segments=N)
    return agg @ W_rel + b_rel + x @ W_root


def reference(x, edge_index, batch, W1_rel, b1, W1_root, W2_rel, b2, W2_root,
              Ws1, bs1, Ws2, bs2, Ws3, bs3, Wd1, bd1, Wd2, bd2, Wd3, bd3):
    src = edge_index[0]
    dst = edge_index[1]
    h1 = jax.nn.relu(_graph_conv(x, src, dst, W1_rel, b1, W1_root))
    h2 = jax.nn.relu(_graph_conv(h1, src, dst, W2_rel, b2, W2_root))
    # global_mean_pool over graph ids
    sums = jax.ops.segment_sum(h2, batch, num_segments=G)
    counts = jax.ops.segment_sum(jnp.ones((N, 1), dtype=jnp.float32), batch, num_segments=G)
    h3 = sums / jnp.maximum(counts, 1.0)
    # encoder_S
    s = jax.nn.relu(h3 @ Ws1 + bs1)
    s = jax.nn.relu(s @ Ws2 + bs2)
    z = s @ Ws3 + bs3
    # decoder
    d = jax.nn.relu(z @ Wd1 + bd1)
    d = jax.nn.relu(d @ Wd2 + bd2)
    x_ = d @ Wd3 + bd3
    return (h3, x_)

if __name__ == "__main__":
    import jax
    _d = setup_inputs()
    print(jax.jit(kernel)(*tuple(_d.values())))

</pallas_src>

<mosaic_0001>
#map = affine_map<(d0, d1) -> (0, 0)>
#map1 = affine_map<(d0, d1) -> (0, 0, 0)>
#map2 = affine_map<(d0, d1) -> (0, 0, 0, 0)>
module attributes {stable_mosaic.version = 14 : i64} {
  func.func @body(%arg0: i32, %arg1: i32, %arg2: memref<10000x64xf32, #tpu.memory_space<hbm>>, %arg3: memref<10000x64xf32, #tpu.memory_space<hbm>>, %arg4: memref<16x160x125xi32, #tpu.memory_space<hbm>>, %arg5: memref<16x160x125xi32, #tpu.memory_space<hbm>>, %arg6: memref<640x64xf32, #tpu.memory_space<hbm>>, %arg7: memref<1x2x10240x64xf32, #tpu.memory_space<hbm>>, %arg8: memref<160x125xi32, #tpu.memory_space<vmem>>, %arg9: memref<160x125xi32, #tpu.memory_space<vmem>>, %arg10: memref<125x64xf32, #tpu.memory_space<vmem>>, %arg11: memref<125x64xf32, #tpu.memory_space<vmem>>, %arg12: memref<125x64xf32, #tpu.memory_space<vmem>>, %arg13: memref<125x64xf32, #tpu.memory_space<vmem>>, %arg14: memref<10240x64xf32, #tpu.memory_space<vmem_shared>>, %arg15: memref<!tpu.dma_semaphore, #tpu.memory_space<semaphore_mem>>, %arg16: memref<!tpu.dma_semaphore, #tpu.memory_space<semaphore_mem>>, %arg17: memref<!tpu.dma_semaphore, #tpu.memory_space<semaphore_mem>>, %arg18: memref<!tpu.dma_semaphore, #tpu.memory_space<semaphore_mem>>, %arg19: memref<!tpu.dma_semaphore, #tpu.memory_space<semaphore_mem>>, %arg20: memref<!tpu.dma_semaphore, #tpu.memory_space<semaphore_mem>>, %arg21: memref<!tpu.dma_semaphore, #tpu.memory_space<semaphore_mem>>, %arg22: memref<!tpu.dma_semaphore, #tpu.memory_space<semaphore_mem>>) attributes {dimension_semantics = [#tpu.dimension_semantics<core_parallel>, #tpu.dimension_semantics<subcore_parallel>], iteration_bounds = array<i64: 2, 16>, scalar_prefetch = 0 : i64, scratch_operands = 15 : i64, tpu.core_type = #tpu.core_type<sc_vector_subcore>, window_params = [{transform_indices = #map}, {transform_indices = #map}, {transform_indices = #map1}, {transform_indices = #map1}, {transform_indices = #map}, {transform_indices = #map2}]} {
    %mul3A = arith.constant 640 : i32
    %mul3A_0 = arith.muli %arg1, %mul3A : i32
    "tpu.region"() ({
      %run_scoped3A_43 = tpu.sem_alloc : memref<!tpu.dma_semaphore, #tpu.memory_space<semaphore_mem>>
      %dma_start3A = arith.constant 0 : i32
      %dma_start3A_44 = arith.constant 0 : i32
      %dma_start3A_45 = tpu.memref_slice %arg4[%arg1, %dma_start3A, %dma_start3A_44] : memref<16x160x125xi32, #tpu.memory_space<hbm>> -> memref<1x160x125xi32, #tpu.memory_space<hbm>>
      %dma_start3A_46 = tpu.memref_squeeze %dma_start3A_45 : memref<1x160x125xi32, #tpu.memory_space<hbm>> -> memref<160x125xi32, #tpu.memory_space<hbm>>
      %dma_start3A_47 = arith.constant 0 : i32
      %dma_start3A_48 = arith.constant 0 : i32
      %dma_start3A_49 = tpu.memref_slice %arg4[%arg1, %dma_start3A_47, %dma_start3A_48] : memref<16x160x125xi32, #tpu.memory_space<hbm>> -> memref<1x160x125xi32, #tpu.memory_space<hbm>>
      %dma_start3A_50 = tpu.memref_squeeze %dma_start3A_49 : memref<1x160x125xi32, #tpu.memory_space<hbm>> -> memref<160x125xi32, #tpu.memory_space<hbm>>
      tpu.enqueue_dma source(%dma_start3A_50 : memref<160x125xi32, #tpu.memory_space<hbm>>) target(%arg8 : memref<160x125xi32, #tpu.memory_space<vmem>>) target_semaphore(%run_scoped3A_43 : memref<!tpu.dma_semaphore, #tpu.memory_space<semaphore_mem>>)
      %dma_wait3A = arith.constant 0 : i32
      %dma_wait3A_51 = arith.constant 0 : i32
      %dma_wait3A_52 = tpu.memref_slice %arg4[%arg1, %dma_wait3A, %dma_wait3A_51] : memref<16x160x125xi32, #tpu.memory_space<hbm>> -> memref<1x160x125xi32, #tpu.memory_space<hbm>>
      %dma_wait3A_53 = tpu.memref_squeeze %dma_wait3A_52 : memref<1x160x125xi32, #tpu.memory_space<hbm>> -> memref<160x125xi32, #tpu.memory_space<hbm>>
      %dma_wait3A_54 = arith.constant 0 : i32
      %dma_wait3A_55 = arith.constant 0 : i32
      %dma_wait3A_56 = tpu.memref_slice %arg4[%arg1, %dma_wait3A_54, %dma_wait3A_55] : memref<16x160x125xi32, #tpu.memory_space<hbm>> -> memref<1x160x125xi32, #tpu.memory_space<hbm>>
      %dma_wait3A_57 = tpu.memref_squeeze %dma_wait3A_56 : memref<1x160x125xi32, #tpu.memory_space<hbm>> -> memref<160x125xi32, #tpu.memory_space<hbm>>
      tpu.wait_dma2 semaphore(%run_scoped3A_43 : memref<!tpu.dma_semaphore, #tpu.memory_space<semaphore_mem>>) src(%dma_wait3A_57 : memref<160x125xi32, #tpu.memory_space<hbm>>) dst(%arg8 : memref<160x125xi32, #tpu.memory_space<vmem>>)
      tpu.yield
    }) : () -> ()
    "tpu.region"() ({
      %run_scoped3A_43 = tpu.sem_alloc : memref<!tpu.dma_semaphore, #tpu.memory_space<semaphore_mem>>
      %dma_start3A = arith.constant 0 : i32
      %dma_start3A_44 = arith.constant 0 : i32
      %dma_start3A_45 = tpu.memref_slice %arg5[%arg1, %dma_start3A, %dma_start3A_44] : memref<16x160x125xi32, #tpu.memory_space<hbm>> -> memref<1x160x125xi32, #tpu.memory_space<hbm>>
      %dma_start3A_46 = tpu.memref_squeeze %dma_start3A_45 : memref<1x160x125xi32, #tpu.memory_space<hbm>> -> memref<160x125xi32, #tpu.memory_space<hbm>>
      %dma_start3A_47 = arith.constant 0 : i32
      %dma_start3A_48 = arith.constant 0 : i32
      %dma_start3A_49 = tpu.memref_slice %arg5[%arg1, %dma_start3A_47, %dma_start3A_48] : memref<16x160x125xi32, #tpu.memory_space<hbm>> -> memref<1x160x125xi32, #tpu.memory_space<hbm>>
      %dma_start3A_50 = tpu.memref_squeeze %dma_start3A_49 : memref<1x160x125xi32, #tpu.memory_space<hbm>> -> memref<160x125xi32, #tpu.memory_space<hbm>>
      tpu.enqueue_dma source(%dma_start3A_50 : memref<160x125xi32, #tpu.memory_space<hbm>>) target(%arg9 : memref<160x125xi32, #tpu.memory_space<vmem>>) target_semaphore(%run_scoped3A_43 : memref<!tpu.dma_semaphore, #tpu.memory_space<semaphore_mem>>)
      %dma_wait3A = arith.constant 0 : i32
      %dma_wait3A_51 = arith.constant 0 : i32
      %dma_wait3A_52 = tpu.memref_slice %arg5[%arg1, %dma_wait3A, %dma_wait3A_51] : memref<16x160x125xi32, #tpu.memory_space<hbm>> -> memref<1x160x125xi32, #tpu.memory_space<hbm>>
      %dma_wait3A_53 = tpu.memref_squeeze %dma_wait3A_52 : memref<1x160x125xi32, #tpu.memory_space<hbm>> -> memref<160x125xi32, #tpu.memory_space<hbm>>
      %dma_wait3A_54 = arith.constant 0 : i32
      %dma_wait3A_55 = arith.constant 0 : i32
      %dma_wait3A_56 = tpu.memref_slice %arg5[%arg1, %dma_wait3A_54, %dma_wait3A_55] : memref<16x160x125xi32, #tpu.memory_space<hbm>> -> memref<1x160x125xi32, #tpu.memory_space<hbm>>
      %dma_wait3A_57 = tpu.memref_squeeze %dma_wait3A_56 : memref<1x160x125xi32, #tpu.memory_space<hbm>> -> memref<160x125xi32, #tpu.memory_space<hbm>>
      tpu.wait_dma2 semaphore(%run_scoped3A_43 : memref<!tpu.dma_semaphore, #tpu.memory_space<semaphore_mem>>) src(%dma_wait3A_57 : memref<160x125xi32, #tpu.memory_space<hbm>>) dst(%arg9 : memref<160x125xi32, #tpu.memory_space<vmem>>)
      tpu.yield
    }) : () -> ()
    "tpu.region"() ({
      %run_scoped3A_43 = tpu.sem_alloc : memref<!tpu.dma_semaphore, #tpu.memory_space<semaphore_mem>>
      %dma_start3A = arith.constant 0 : i32
      %dma_start3A_44 = tpu.memref_slice %arg14[%mul3A_0, %dma_start3A] : memref<10240x64xf32, #tpu.memory_space<vmem_shared>> -> memref<640x64xf32, #tpu.memory_space<vmem_shared>>
      tpu.enqueue_dma source(%arg6 : memref<640x64xf32, #tpu.memory_space<hbm>>) target(%dma_start3A_44 : memref<640x64xf32, #tpu.memory_space<vmem_shared>>) target_semaphore(%run_scoped3A_43 : memref<!tpu.dma_semaphore, #tpu.memory_space<semaphore_mem>>)
      %dma_wait3A = arith.constant 0 : i32
      %dma_wait3A_45 = tpu.memref_slice %arg14[%mul3A_0, %dma_wait3A] : memref<10240x64xf32, #tpu.memory_space<vmem_shared>> -> memref<640x64xf32, #tpu.memory_space<vmem_shared>>
      tpu.wait_dma2 semaphore(%run_scoped3A_43 : memref<!tpu.dma_semaphore, #tpu.memory_space<semaphore_mem>>) src(%arg6 : memref<640x64xf32, #tpu.memory_space<hbm>>) dst(%dma_wait3A_45 : memref<640x64xf32, #tpu.memory_space<vmem_shared>>)
      tpu.yield
    }) : () -> ()
    %barrier3A = arith.constant 0 : index
    tpu.barrier barrier_id(%barrier3A)
    %eq3A = arith.constant 0 : i32
    %eq3A_1 = arith.cmpi eq, %arg0, %eq3A : i32
    %convert_element_type3A = arith.extui %eq3A_1 : i1 to i32
    %cond3A = arith.constant 0 : i32
    %cond3A_2 = arith.cmpi ne, %convert_element_type3A, %cond3A : i32
    scf.if %cond3A_2 {
      %dma_start3A = arith.constant 0 : i32
      %dma_start3A_43 = arith.constant 0 : i32
      %dma_start3A_44 = tpu.memref_slice %arg8[%dma_start3A, %dma_start3A_43] : memref<160x125xi32, #tpu.memory_space<vmem>> -> memref<1x125xi32, #tpu.memory_space<vmem>>
      %dma_start3A_45 = tpu.memref_squeeze %dma_start3A_44 : memref<1x125xi32, #tpu.memory_space<vmem>> -> memref<125xi32, #tpu.memory_space<vmem>>
      %dma_start3A_46 = arith.constant 0 : i32
      %dma_start3A_47 = arith.constant 0 : i32
      %dma_start3A_48 = tpu.memref_slice %arg2[%dma_start3A_46, %dma_start3A_47] : memref<10000x64xf32, #tpu.memory_space<hbm>> -> memref<10000x64xf32, #tpu.memory_space<hbm>>
      tpu.enqueue_indirect_dma source(%dma_start3A_48 : memref<10000x64xf32, #tpu.memory_space<hbm>>) target(%arg10 : memref<125x64xf32, #tpu.memory_space<vmem>>) offsets(%dma_start3A_45 : memref<125xi32, #tpu.memory_space<vmem>>) semaphore(%arg15 : memref<!tpu.dma_semaphore, #tpu.memory_space<semaphore_mem>>)
    } else {
    }
    %eq3A_3 = arith.constant 1 : i32
    %eq3A_4 = arith.cmpi eq, %arg0, %eq3A_3 : i32
    %convert_element_type3A_5 = arith.extui %eq3A_4 : i1 to i32
    %cond3A_6 = arith.constant 0 : i32
    %cond3A_7 = arith.cmpi ne, %convert_element_type3A_5, %cond3A_6 : i32
    scf.if %cond3A_7 {
      %dma_start3A = arith.constant 0 : i32
      %dma_start3A_43 = arith.constant 0 : i32
      %dma_start3A_44 = tpu.memref_slice %arg8[%dma_start3A, %dma_start3A_43] : memref<160x125xi32, #tpu.memory_space<vmem>> -> memref<1x125xi32, #tpu.memory_space<vmem>>
      %dma_start3A_45 = tpu.memref_squeeze %dma_start3A_44 : memref<1x125xi32, #tpu.memory_space<vmem>> -> memref<125xi32, #tpu.memory_space<vmem>>
      %dma_start3A_46 = arith.constant 0 : i32
      %dma_start3A_47 = arith.constant 0 : i32
      %dma_start3A_48 = tpu.memref_slice %arg3[%dma_start3A_46, %dma_start3A_47] : memref<10000x64xf32, #tpu.memory_space<hbm>> -> memref<10000x64xf32, #tpu.memory_space<hbm>>
      tpu.enqueue_indirect_dma source(%dma_start3A_48 : memref<10000x64xf32, #tpu.memory_space<hbm>>) target(%arg10 : memref<125x64xf32, #tpu.memory_space<vmem>>) offsets(%dma_start3A_45 : memref<125xi32, #tpu.memory_space<vmem>>) semaphore(%arg15 : memref<!tpu.dma_semaphore, #tpu.memory_space<semaphore_mem>>)
    } else {
    }
    %eq3A_8 = arith.constant 0 : i32
    %eq3A_9 = arith.cmpi eq, %arg0, %eq3A_8 : i32
    %convert_element_type3A_10 = arith.extui %eq3A_9 : i1 to i32
    %cond3A_11 = arith.constant 0 : i32
    %cond3A_12 = arith.cmpi ne, %convert_element_type3A_10, %cond3A_11 : i32
    scf.if %cond3A_12 {
      %dma_start3A = arith.constant 1 : i32
      %dma_start3A_43 = arith.constant 0 : i32
      %dma_start3A_44 = tpu.memref_slice %arg8[%dma_start3A, %dma_start3A_43] : memref<160x125xi32, #tpu.memory_space<vmem>> -> memref<1x125xi32, #tpu.memory_space<vmem>>
      %dma_start3A_45 = tpu.memref_squeeze %dma_start3A_44 : memref<1x125xi32, #tpu.memory_space<vmem>> -> memref<125xi32, #tpu.memory_space<vmem>>
      %dma_start3A_46 = arith.constant 0 : i32
      %dma_start3A_47 = arith.constant 0 : i32
      %dma_start3A_48 = tpu.memref_slice %arg2[%dma_start3A_46, %dma_start3A_47] : memref<10000x64xf32, #tpu.memory_space<hbm>> -> memref<10000x64xf32, #tpu.memory_space<hbm>>
      tpu.enqueue_indirect_dma source(%dma_start3A_48 : memref<10000x64xf32, #tpu.memory_space<hbm>>) target(%arg11 : memref<125x64xf32, #tpu.memory_space<vmem>>) offsets(%dma_start3A_45 : memref<125xi32, #tpu.memory_space<vmem>>) semaphore(%arg16 : memref<!tpu.dma_semaphore, #tpu.memory_space<semaphore_mem>>)
    } else {
    }
    %eq3A_13 = arith.constant 1 : i32
    %eq3A_14 = arith.cmpi eq, %arg0, %eq3A_13 : i32
    %convert_element_type3A_15 = arith.extui %eq3A_14 : i1 to i32
    %cond3A_16 = arith.constant 0 : i32
    %cond3A_17 = arith.cmpi ne, %convert_element_type3A_15, %cond3A_16 : i32
    scf.if %cond3A_17 {
      %dma_start3A = arith.constant 1 : i32
      %dma_start3A_43 = arith.constant 0 : i32
      %dma_start3A_44 = tpu.memref_slice %arg8[%dma_start3A, %dma_start3A_43] : memref<160x125xi32, #tpu.memory_space<vmem>> -> memref<1x125xi32, #tpu.memory_space<vmem>>
      %dma_start3A_45 = tpu.memref_squeeze %dma_start3A_44 : memref<1x125xi32, #tpu.memory_space<vmem>> -> memref<125xi32, #tpu.memory_space<vmem>>
      %dma_start3A_46 = arith.constant 0 : i32
      %dma_start3A_47 = arith.constant 0 : i32
      %dma_start3A_48 = tpu.memref_slice %arg3[%dma_start3A_46, %dma_start3A_47] : memref<10000x64xf32, #tpu.memory_space<hbm>> -> memref<10000x64xf32, #tpu.memory_space<hbm>>
      tpu.enqueue_indirect_dma source(%dma_start3A_48 : memref<10000x64xf32, #tpu.memory_space<hbm>>) target(%arg11 : memref<125x64xf32, #tpu.memory_space<vmem>>) offsets(%dma_start3A_45 : memref<125xi32, #tpu.memory_space<vmem>>) semaphore(%arg16 : memref<!tpu.dma_semaphore, #tpu.memory_space<semaphore_mem>>)
    } else {
    }
    %eq3A_18 = arith.constant 0 : i32
    %eq3A_19 = arith.cmpi eq, %arg0, %eq3A_18 : i32
    %convert_element_type3A_20 = arith.extui %eq3A_19 : i1 to i32
    %cond3A_21 = arith.constant 0 : i32
    %cond3A_22 = arith.cmpi ne, %convert_element_type3A_20, %cond3A_21 : i32
    scf.if %cond3A_22 {
      %dma_start3A = arith.constant 2 : i32
      %dma_start3A_43 = arith.constant 0 : i32
      %dma_start3A_44 = tpu.memref_slice %arg8[%dma_start3A, %dma_start3A_43] : memref<160x125xi32, #tpu.memory_space<vmem>> -> memref<1x125xi32, #tpu.memory_space<vmem>>
      %dma_start3A_45 = tpu.memref_squeeze %dma_start3A_44 : memref<1x125xi32, #tpu.memory_space<vmem>> -> memref<125xi32, #tpu.memory_space<vmem>>
      %dma_start3A_46 = arith.constant 0 : i32
      %dma_start3A_47 = arith.constant 0 : i32
      %dma_start3A_48 = tpu.memref_slice %arg2[%dma_start3A_46, %dma_start3A_47] : memref<10000x64xf32, #tpu.memory_space<hbm>> -> memref<10000x64xf32, #tpu.memory_space<hbm>>
      tpu.enqueue_indirect_dma source(%dma_start3A_48 : memref<10000x64xf32, #tpu.memory_space<hbm>>) target(%arg12 : memref<125x64xf32, #tpu.memory_space<vmem>>) offsets(%dma_start3A_45 : memref<125xi32, #tpu.memory_space<vmem>>) semaphore(%arg17 : memref<!tpu.dma_semaphore, #tpu.memory_space<semaphore_mem>>)
    } else {
    }
    %eq3A_23 = arith.constant 1 : i32
    %eq3A_24 = arith.cmpi eq, %arg0, %eq3A_23 : i32
    %convert_element_type3A_25 = arith.extui %eq3A_24 : i1 to i32
    %cond3A_26 = arith.constant 0 : i32
    %cond3A_27 = arith.cmpi ne, %convert_element_type3A_25, %cond3A_26 : i32
    scf.if %cond3A_27 {
      %dma_start3A = arith.constant 2 : i32
      %dma_start3A_43 = arith.constant 0 : i32
      %dma_start3A_44 = tpu.memref_slice %arg8[%dma_start3A, %dma_start3A_43] : memref<160x125xi32, #tpu.memory_space<vmem>> -> memref<1x125xi32, #tpu.memory_space<vmem>>
      %dma_start3A_45 = tpu.memref_squeeze %dma_start3A_44 : memref<1x125xi32, #tpu.memory_space<vmem>> -> memref<125xi32, #tpu.memory_space<vmem>>
      %dma_start3A_46 = arith.constant 0 : i32
      %dma_start3A_47 = arith.constant 0 : i32
      %dma_start3A_48 = tpu.memref_slice %arg3[%dma_start3A_46, %dma_start3A_47] : memref<10000x64xf32, #tpu.memory_space<hbm>> -> memref<10000x64xf32, #tpu.memory_space<hbm>>
      tpu.enqueue_indirect_dma source(%dma_start3A_48 : memref<10000x64xf32, #tpu.memory_space<hbm>>) target(%arg12 : memref<125x64xf32, #tpu.memory_space<vmem>>) offsets(%dma_start3A_45 : memref<125xi32, #tpu.memory_space<vmem>>) semaphore(%arg17 : memref<!tpu.dma_semaphore, #tpu.memory_space<semaphore_mem>>)
    } else {
    }
    %eq3A_28 = arith.constant 0 : i32
    %eq3A_29 = arith.cmpi eq, %arg0, %eq3A_28 : i32
    %convert_element_type3A_30 = arith.extui %eq3A_29 : i1 to i32
    %cond3A_31 = arith.constant 0 : i32
    %cond3A_32 = arith.cmpi ne, %convert_element_type3A_30, %cond3A_31 : i32
    scf.if %cond3A_32 {
      %dma_start3A = arith.constant 3 : i32
      %dma_start3A_43 = arith.constant 0 : i32
      %dma_start3A_44 = tpu.memref_slice %arg8[%dma_start3A, %dma_start3A_43] : memref<160x125xi32, #tpu.memory_space<vmem>> -> memref<1x125xi32, #tpu.memory_space<vmem>>
      %dma_start3A_45 = tpu.memref_squeeze %dma_start3A_44 : memref<1x125xi32, #tpu.memory_space<vmem>> -> memref<125xi32, #tpu.memory_space<vmem>>
      %dma_start3A_46 = arith.constant 0 : i32
      %dma_start3A_47 = arith.constant 0 : i32
      %dma_start3A_48 = tpu.memref_slice %arg2[%dma_start3A_46, %dma_start3A_47] : memref<10000x64xf32, #tpu.memory_space<hbm>> -> memref<10000x64xf32, #tpu.memory_space<hbm>>
      tpu.enqueue_indirect_dma source(%dma_start3A_48 : memref<10000x64xf32, #tpu.memory_space<hbm>>) target(%arg13 : memref<125x64xf32, #tpu.memory_space<vmem>>) offsets(%dma_start3A_45 : memref<125xi32, #tpu.memory_space<vmem>>) semaphore(%arg18 : memref<!tpu.dma_semaphore, #tpu.memory_space<semaphore_mem>>)
    } else {
    }
    %eq3A_33 = arith.constant 1 : i32
    %eq3A_34 = arith.cmpi eq, %arg0, %eq3A_33 : i32
    %convert_element_type3A_35 = arith.extui %eq3A_34 : i1 to i32
    %cond3A_36 = arith.constant 0 : i32
    %cond3A_37 = arith.cmpi ne, %convert_element_type3A_35, %cond3A_36 : i32
    scf.if %cond3A_37 {
      %dma_start3A = arith.constant 3 : i32
      %dma_start3A_43 = arith.constant 0 : i32
      %dma_start3A_44 = tpu.memref_slice %arg8[%dma_start3A, %dma_start3A_43] : memref<160x125xi32, #tpu.memory_space<vmem>> -> memref<1x125xi32, #tpu.memory_space<vmem>>
      %dma_start3A_45 = tpu.memref_squeeze %dma_start3A_44 : memref<1x125xi32, #tpu.memory_space<vmem>> -> memref<125xi32, #tpu.memory_space<vmem>>
      %dma_start3A_46 = arith.constant 0 : i32
      %dma_start3A_47 = arith.constant 0 : i32
      %dma_start3A_48 = tpu.memref_slice %arg3[%dma_start3A_46, %dma_start3A_47] : memref<10000x64xf32, #tpu.memory_space<hbm>> -> memref<10000x64xf32, #tpu.memory_space<hbm>>
      tpu.enqueue_indirect_dma source(%dma_start3A_48 : memref<10000x64xf32, #tpu.memory_space<hbm>>) target(%arg13 : memref<125x64xf32, #tpu.memory_space<vmem>>) offsets(%dma_start3A_45 : memref<125xi32, #tpu.memory_space<vmem>>) semaphore(%arg18 : memref<!tpu.dma_semaphore, #tpu.memory_space<semaphore_mem>>)
    } else {
    }
    %scan3A = arith.constant 0 : i32
    %scan3A_38 = arith.constant 40 : i32
    %scan3A_39 = arith.addi %scan3A, %scan3A_38 : i32
    %scan3A_40 = arith.constant 1 : i32
    scf.for %scan3A_43 = %scan3A to %scan3A_39 step %scan3A_40  : i32 {
      %mul3A_44 = arith.constant 4 : i32
      %mul3A_45 = arith.muli %scan3A_43, %mul3A_44 : i32
      %add3A = arith.constant 0 : i32
      %add3A_46 = arith.addi %mul3A_45, %add3A : i32
      %dma_wait3A = arith.constant 0 : i32
      %dma_wait3A_47 = tpu.memref_slice %arg8[%add3A_46, %dma_wait3A] : memref<160x125xi32, #tpu.memory_space<vmem>> -> memref<1x125xi32, #tpu.memory_space<vmem>>
      %dma_wait3A_48 = tpu.memref_squeeze %dma_wait3A_47 : memref<1x125xi32, #tpu.memory_space<vmem>> -> memref<125xi32, #tpu.memory_space<vmem>>
      %dma_wait3A_49 = arith.constant 0 : i32
      %dma_wait3A_50 = arith.constant 0 : i32
      %dma_wait3A_51 = tpu.memref_slice %arg2[%dma_wait3A_49, %dma_wait3A_50] : memref<10000x64xf32, #tpu.memory_space<hbm>> -> memref<10000x64xf32, #tpu.memory_space<hbm>>
      tpu.wait_indirect_dma semaphore(%arg15 : memref<!tpu.dma_semaphore, #tpu.memory_space<semaphore_mem>>) src(%dma_wait3A_51 : memref<10000x64xf32, #tpu.memory_space<hbm>>) dst(%arg10 : memref<125x64xf32, #tpu.memory_space<vmem>>)
      %dma_start3A = arith.constant 0 : i32
      %dma_start3A_52 = tpu.memref_slice %arg9[%add3A_46, %dma_start3A] : memref<160x125xi32, #tpu.memory_space<vmem>> -> memref<1x125xi32, #tpu.memory_space<vmem>>
      %dma_start3A_53 = tpu.memref_squeeze %dma_start3A_52 : memref<1x125xi32, #tpu.memory_space<vmem>> -> memref<125xi32, #tpu.memory_space<vmem>>
      %dma_start3A_54 = arith.constant 0 : i32
      %dma_start3A_55 = arith.constant 0 : i32
      %dma_start3A_56 = tpu.memref_slice %arg14[%dma_start3A_54, %dma_start3A_55] : memref<10240x64xf32, #tpu.memory_space<vmem_shared>> -> memref<10240x64xf32, #tpu.memory_space<vmem_shared>>
      tpu.enqueue_indirect_dma source(%arg10 : memref<125x64xf32, #tpu.memory_space<vmem>>) target(%dma_start3A_56 : memref<10240x64xf32, #tpu.memory_space<vmem_shared>>) offsets(%dma_start3A_53 : memref<125xi32, #tpu.memory_space<vmem>>) semaphore(%arg19 : memref<!tpu.dma_semaphore, #tpu.memory_space<semaphore_mem>>) {add = true}
      %add3A_57 = arith.constant 1 : i32
      %add3A_58 = arith.addi %mul3A_45, %add3A_57 : i32
      %dma_wait3A_59 = arith.constant 0 : i32
      %dma_wait3A_60 = tpu.memref_slice %arg8[%add3A_58, %dma_wait3A_59] : memref<160x125xi32, #tpu.memory_space<vmem>> -> memref<1x125xi32, #tpu.memory_space<vmem>>
      %dma_wait3A_61 = tpu.memref_squeeze %dma_wait3A_60 : memref<1x125xi32, #tpu.memory_space<vmem>> -> memref<125xi32, #tpu.memory_space<vmem>>
      %dma_wait3A_62 = arith.constant 0 : i32
      %dma_wait3A_63 = arith.constant 0 : i32
      %dma_wait3A_64 = tpu.memref_slice %arg2[%dma_wait3A_62, %dma_wait3A_63] : memref<10000x64xf32, #tpu.memory_space<hbm>> -> memref<10000x64xf32, #tpu.memory_space<hbm>>
      tpu.wait_indirect_dma semaphore(%arg16 : memref<!tpu.dma_semaphore, #tpu.memory_space<semaphore_mem>>) src(%dma_wait3A_64 : memref<10000x64xf32, #tpu.memory_space<hbm>>) dst(%arg11 : memref<125x64xf32, #tpu.memory_space<vmem>>)
      %dma_start3A_65 = arith.constant 0 : i32
      %dma_start3A_66 = tpu.memref_slice %arg9[%add3A_58, %dma_start3A_65] : memref<160x125xi32, #tpu.memory_space<vmem>> -> memref<1x125xi32, #tpu.memory_space<vmem>>
      %dma_start3A_67 = tpu.memref_squeeze %dma_start3A_66 : memref<1x125xi32, #tpu.memory_space<vmem>> -> memref<125xi32, #tpu.memory_space<vmem>>
      %dma_start3A_68 = arith.constant 0 : i32
      %dma_start3A_69 = arith.constant 0 : i32
      %dma_start3A_70 = tpu.memref_slice %arg14[%dma_start3A_68, %dma_start3A_69] : memref<10240x64xf32, #tpu.memory_space<vmem_shared>> -> memref<10240x64xf32, #tpu.memory_space<vmem_shared>>
      tpu.enqueue_indirect_dma source(%arg11 : memref<125x64xf32, #tpu.memory_space<vmem>>) target(%dma_start3A_70 : memref<10240x64xf32, #tpu.memory_space<vmem_shared>>) offsets(%dma_start3A_67 : memref<125xi32, #tpu.memory_space<vmem>>) semaphore(%arg20 : memref<!tpu.dma_semaphore, #tpu.memory_space<semaphore_mem>>) {add = true}
      %add3A_71 = arith.constant 2 : i32
      %add3A_72 = arith.addi %mul3A_45, %add3A_71 : i32
      %dma_wait3A_73 = arith.constant 0 : i32
      %dma_wait3A_74 = tpu.memref_slice %arg8[%add3A_72, %dma_wait3A_73] : memref<160x125xi32, #tpu.memory_space<vmem>> -> memref<1x125xi32, #tpu.memory_space<vmem>>
      %dma_wait3A_75 = tpu.memref_squeeze %dma_wait3A_74 : memref<1x125xi32, #tpu.memory_space<vmem>> -> memref<125xi32, #tpu.memory_space<vmem>>
      %dma_wait3A_76 = arith.constant 0 : i32
      %dma_wait3A_77 = arith.constant 0 : i32
      %dma_wait3A_78 = tpu.memref_slice %arg2[%dma_wait3A_76, %dma_wait3A_77] : memref<10000x64xf32, #tpu.memory_space<hbm>> -> memref<10000x64xf32, #tpu.memory_space<hbm>>
      tpu.wait_indirect_dma semaphore(%arg17 : memref<!tpu.dma_semaphore, #tpu.memory_space<semaphore_mem>>) src(%dma_wait3A_78 : memref<10000x64xf32, #tpu.memory_space<hbm>>) dst(%arg12 : memref<125x64xf32, #tpu.memory_space<vmem>>)
      %dma_start3A_79 = arith.constant 0 : i32
      %dma_start3A_80 = tpu.memref_slice %arg9[%add3A_72, %dma_start3A_79] : memref<160x125xi32, #tpu.memory_space<vmem>> -> memref<1x125xi32, #tpu.memory_space<vmem>>
      %dma_start3A_81 = tpu.memref_squeeze %dma_start3A_80 : memref<1x125xi32, #tpu.memory_space<vmem>> -> memref<125xi32, #tpu.memory_space<vmem>>
      %dma_start3A_82 = arith.constant 0 : i32
      %dma_start3A_83 = arith.constant 0 : i32
      %dma_start3A_84 = tpu.memref_slice %arg14[%dma_start3A_82, %dma_start3A_83] : memref<10240x64xf32, #tpu.memory_space<vmem_shared>> -> memref<10240x64xf32, #tpu.memory_space<vmem_shared>>
      tpu.enqueue_indirect_dma source(%arg12 : memref<125x64xf32, #tpu.memory_space<vmem>>) target(%dma_start3A_84 : memref<10240x64xf32, #tpu.memory_space<vmem_shared>>) offsets(%dma_start3A_81 : memref<125xi32, #tpu.memory_space<vmem>>) semaphore(%arg21 : memref<!tpu.dma_semaphore, #tpu.memory_space<semaphore_mem>>) {add = true}
      %add3A_85 = arith.constant 3 : i32
      %add3A_86 = arith.addi %mul3A_45, %add3A_85 : i32
      %dma_wait3A_87 = arith.constant 0 : i32
      %dma_wait3A_88 = tpu.memref_slice %arg8[%add3A_86, %dma_wait3A_87] : memref<160x125xi32, #tpu.memory_space<vmem>> -> memref<1x125xi32, #tpu.memory_space<vmem>>
      %dma_wait3A_89 = tpu.memref_squeeze %dma_wait3A_88 : memref<1x125xi32, #tpu.memory_space<vmem>> -> memref<125xi32, #tpu.memory_space<vmem>>
      %dma_wait3A_90 = arith.constant 0 : i32
      %dma_wait3A_91 = arith.constant 0 : i32
      %dma_wait3A_92 = tpu.memref_slice %arg2[%dma_wait3A_90, %dma_wait3A_91] : memref<10000x64xf32, #tpu.memory_space<hbm>> -> memref<10000x64xf32, #tpu.memory_space<hbm>>
      tpu.wait_indirect_dma semaphore(%arg18 : memref<!tpu.dma_semaphore, #tpu.memory_space<semaphore_mem>>) src(%dma_wait3A_92 : memref<10000x64xf32, #tpu.memory_space<hbm>>) dst(%arg13 : memref<125x64xf32, #tpu.memory_space<vmem>>)
      %dma_start3A_93 = arith.constant 0 : i32
      %dma_start3A_94 = tpu.memref_slice %arg9[%add3A_86, %dma_start3A_93] : memref<160x125xi32, #tpu.memory_space<vmem>> -> memref<1x125xi32, #tpu.memory_space<vmem>>
      %dma_start3A_95 = tpu.memref_squeeze %dma_start3A_94 : memref<1x125xi32, #tpu.memory_space<vmem>> -> memref<125xi32, #tpu.memory_space<vmem>>
      %dma_start3A_96 = arith.constant 0 : i32
      %dma_start3A_97 = arith.constant 0 : i32
      %dma_start3A_98 = tpu.memref_slice %arg14[%dma_start3A_96, %dma_start3A_97] : memref<10240x64xf32, #tpu.memory_space<vmem_shared>> -> memref<10240x64xf32, #tpu.memory_space<vmem_shared>>
      tpu.enqueue_indirect_dma source(%arg13 : memref<125x64xf32, #tpu.memory_space<vmem>>) target(%dma_start3A_98 : memref<10240x64xf32, #tpu.memory_space<vmem_shared>>) offsets(%dma_start3A_95 : memref<125xi32, #tpu.memory_space<vmem>>) semaphore(%arg22 : memref<!tpu.dma_semaphore, #tpu.memory_space<semaphore_mem>>) {add = true}
      %add3A_99 = arith.constant 4 : i32
      %add3A_100 = arith.addi %mul3A_45, %add3A_99 : i32
      %add3A_101 = arith.constant 0 : i32
      %add3A_102 = arith.addi %add3A_100, %add3A_101 : i32
      %dma_wait3A_103 = arith.constant 0 : i32
      %dma_wait3A_104 = arith.constant 0 : i32
      %dma_wait3A_105 = tpu.memref_slice %arg9[%dma_wait3A_103, %dma_wait3A_104] : memref<160x125xi32, #tpu.memory_space<vmem>> -> memref<1x125xi32, #tpu.memory_space<vmem>>
      %dma_wait3A_106 = tpu.memref_squeeze %dma_wait3A_105 : memref<1x125xi32, #tpu.memory_space<vmem>> -> memref<125xi32, #tpu.memory_space<vmem>>
      %dma_wait3A_107 = arith.constant 0 : i32
      %dma_wait3A_108 = arith.constant 0 : i32
      %dma_wait3A_109 = tpu.memref_slice %arg14[%dma_wait3A_107, %dma_wait3A_108] : memref<10240x64xf32, #tpu.memory_space<vmem_shared>> -> memref<10240x64xf32, #tpu.memory_space<vmem_shared>>
      tpu.wait_indirect_dma semaphore(%arg19 : memref<!tpu.dma_semaphore, #tpu.memory_space<semaphore_mem>>) src(%arg10 : memref<125x64xf32, #tpu.memory_space<vmem>>) dst(%dma_wait3A_109 : memref<10240x64xf32, #tpu.memory_space<vmem_shared>>)
      %lt3A = arith.constant 160 : i32
      %lt3A_110 = arith.cmpi slt, %add3A_102, %lt3A : i32
      %convert_element_type3A_111 = arith.extui %lt3A_110 : i1 to i32
      %cond3A_112 = arith.constant 0 : i32
      %cond3A_113 = arith.cmpi ne, %convert_element_type3A_111, %cond3A_112 : i32
      scf.if %cond3A_113 {
        %eq3A_162 = arith.constant 0 : i32
        %eq3A_163 = arith.cmpi eq, %arg0, %eq3A_162 : i32
        %convert_element_type3A_164 = arith.extui %eq3A_163 : i1 to i32
        %cond3A_165 = arith.constant 0 : i32
        %cond3A_166 = arith.cmpi ne, %convert_element_type3A_164, %cond3A_165 : i32
        scf.if %cond3A_166 {
          %dma_start3A_172 = arith.constant 0 : i32
          %dma_start3A_173 = tpu.memref_slice %arg8[%add3A_102, %dma_start3A_172] : memref<160x125xi32, #tpu.memory_space<vmem>> -> memref<1x125xi32, #tpu.memory_space<vmem>>
          %dma_start3A_174 = tpu.memref_squeeze %dma_start3A_173 : memref<1x125xi32, #tpu.memory_space<vmem>> -> memref<125xi32, #tpu.memory_space<vmem>>
          %dma_start3A_175 = arith.constant 0 : i32
          %dma_start3A_176 = arith.constant 0 : i32
          %dma_start3A_177 = tpu.memref_slice %arg2[%dma_start3A_175, %dma_start3A_176] : memref<10000x64xf32, #tpu.memory_space<hbm>> -> memref<10000x64xf32, #tpu.memory_space<hbm>>
          tpu.enqueue_indirect_dma source(%dma_start3A_177 : memref<10000x64xf32, #tpu.memory_space<hbm>>) target(%arg10 : memref<125x64xf32, #tpu.memory_space<vmem>>) offsets(%dma_start3A_174 : memref<125xi32, #tpu.memory_space<vmem>>) semaphore(%arg15 : memref<!tpu.dma_semaphore, #tpu.memory_space<semaphore_mem>>)
        } else {
        }
        %eq3A_167 = arith.constant 1 : i32
        %eq3A_168 = arith.cmpi eq, %arg0, %eq3A_167 : i32
        %convert_element_type3A_169 = arith.extui %eq3A_168 : i1 to i32
        %cond3A_170 = arith.constant 0 : i32
        %cond3A_171 = arith.cmpi ne, %convert_element_type3A_169, %cond3A_170 : i32
        scf.if %cond3A_171 {
          %dma_start3A_172 = arith.constant 0 : i32
          %dma_start3A_173 = tpu.memref_slice %arg8[%add3A_102, %dma_start3A_172] : memref<160x125xi32, #tpu.memory_space<vmem>> -> memref<1x125xi32, #tpu.memory_space<vmem>>
          %dma_start3A_174 = tpu.memref_squeeze %dma_start3A_173 : memref<1x125xi32, #tpu.memory_space<vmem>> -> memref<125xi32, #tpu.memory_space<vmem>>
          %dma_start3A_175 = arith.constant 0 : i32
          %dma_start3A_176 = arith.constant 0 : i32
          %dma_start3A_177 = tpu.memref_slice %arg3[%dma_start3A_175, %dma_start3A_176] : memref<10000x64xf32, #tpu.memory_space<hbm>> -> memref<10000x64xf32, #tpu.memory_space<hbm>>
          tpu.enqueue_indirect_dma source(%dma_start3A_177 : memref<10000x64xf32, #tpu.memory_space<hbm>>) target(%arg10 : memref<125x64xf32, #tpu.memory_space<vmem>>) offsets(%dma_start3A_174 : memref<125xi32, #tpu.memory_space<vmem>>) semaphore(%arg15 : memref<!tpu.dma_semaphore, #tpu.memory_space<semaphore_mem>>)
        } else {
        }
      } else {
      }
      %add3A_114 = arith.constant 4 : i32
      %add3A_115 = arith.addi %mul3A_45, %add3A_114 : i32
      %add3A_116 = arith.constant 1 : i32
      %add3A_117 = arith.addi %add3A_115, %add3A_116 : i32
      %dma_wait3A_118 = arith.constant 0 : i32
      %dma_wait3A_119 = arith.constant 0 : i32
      %dma_wait3A_120 = tpu.memref_slice %arg9[%dma_wait3A_118, %dma_wait3A_119] : memref<160x125xi32, #tpu.memory_space<vmem>> -> memref<1x125xi32, #tpu.memory_space<vmem>>
      %dma_wait3A_121 = tpu.memref_squeeze %dma_wait3A_120 : memref<1x125xi32, #tpu.memory_space<vmem>> -> memref<125xi32, #tpu.memory_space<vmem>>
      %dma_wait3A_122 = arith.constant 0 : i32
      %dma_wait3A_123 = arith.constant 0 : i32
      %dma_wait3A_124 = tpu.memref_slice %arg14[%dma_wait3A_122, %dma_wait3A_123] : memref<10240x64xf32, #tpu.memory_space<vmem_shared>> -> memref<10240x64xf32, #tpu.memory_space<vmem_shared>>
      tpu.wait_indirect_dma semaphore(%arg20 : memref<!tpu.dma_semaphore, #tpu.memory_space<semaphore_mem>>) src(%arg11 : memref<125x64xf32, #tpu.memory_space<vmem>>) dst(%dma_wait3A_124 : memref<10240x64xf32, #tpu.memory_space<vmem_shared>>)
      %lt3A_125 = arith.constant 160 : i32
      %lt3A_126 = arith.cmpi slt, %add3A_117, %lt3A_125 : i32
      %convert_element_type3A_127 = arith.extui %lt3A_126 : i1 to i32
      %cond3A_128 = arith.constant 0 : i32
      %cond3A_129 = arith.cmpi ne, %convert_element_type3A_127, %cond3A_128 : i32
      scf.if %cond3A_129 {
        %eq3A_162 = arith.constant 0 : i32
        %eq3A_163 = arith.cmpi eq, %arg0, %eq3A_162 : i32
        %convert_element_type3A_164 = arith.extui %eq3A_163 : i1 to i32
        %cond3A_165 = arith.constant 0 : i32
        %cond3A_166 = arith.cmpi ne, %convert_element_type3A_164, %cond3A_165 : i32
        scf.if %cond3A_166 {
          %dma_start3A_172 = arith.constant 0 : i32
          %dma_start3A_173 = tpu.memref_slice %arg8[%add3A_117, %dma_start3A_172] : memref<160x125xi32, #tpu.memory_space<vmem>> -> memref<1x125xi32, #tpu.memory_space<vmem>>
          %dma_start3A_174 = tpu.memref_squeeze %dma_start3A_173 : memref<1x125xi32, #tpu.memory_space<vmem>> -> memref<125xi32, #tpu.memory_space<vmem>>
          %dma_start3A_175 = arith.constant 0 : i32
          %dma_start3A_176 = arith.constant 0 : i32
          %dma_start3A_177 = tpu.memref_slice %arg2[%dma_start3A_175, %dma_start3A_176] : memref<10000x64xf32, #tpu.memory_space<hbm>> -> memref<10000x64xf32, #tpu.memory_space<hbm>>
          tpu.enqueue_indirect_dma source(%dma_start3A_177 : memref<10000x64xf32, #tpu.memory_space<hbm>>) target(%arg11 : memref<125x64xf32, #tpu.memory_space<vmem>>) offsets(%dma_start3A_174 : memref<125xi32, #tpu.memory_space<vmem>>) semaphore(%arg16 : memref<!tpu.dma_semaphore, #tpu.memory_space<semaphore_mem>>)
        } else {
        }
        %eq3A_167 = arith.constant 1 : i32
        %eq3A_168 = arith.cmpi eq, %arg0, %eq3A_167 : i32
        %convert_element_type3A_169 = arith.extui %eq3A_168 : i1 to i32
        %cond3A_170 = arith.constant 0 : i32
        %cond3A_171 = arith.cmpi ne, %convert_element_type3A_169, %cond3A_170 : i32
        scf.if %cond3A_171 {
          %dma_start3A_172 = arith.constant 0 : i32
          %dma_start3A_173 = tpu.memref_slice %arg8[%add3A_117, %dma_start3A_172] : memref<160x125xi32, #tpu.memory_space<vmem>> -> memref<1x125xi32, #tpu.memory_space<vmem>>
          %dma_start3A_174 = tpu.memref_squeeze %dma_start3A_173 : memref<1x125xi32, #tpu.memory_space<vmem>> -> memref<125xi32, #tpu.memory_space<vmem>>
          %dma_start3A_175 = arith.constant 0 : i32
          %dma_start3A_176 = arith.constant 0 : i32
          %dma_start3A_177 = tpu.memref_slice %arg3[%dma_start3A_175, %dma_start3A_176] : memref<10000x64xf32, #tpu.memory_space<hbm>> -> memref<10000x64xf32, #tpu.memory_space<hbm>>
          tpu.enqueue_indirect_dma source(%dma_start3A_177 : memref<10000x64xf32, #tpu.memory_space<hbm>>) target(%arg11 : memref<125x64xf32, #tpu.memory_space<vmem>>) offsets(%dma_start3A_174 : memref<125xi32, #tpu.memory_space<vmem>>) semaphore(%arg16 : memref<!tpu.dma_semaphore, #tpu.memory_space<semaphore_mem>>)
        } else {
        }
      } else {
      }
      %add3A_130 = arith.constant 4 : i32
      %add3A_131 = arith.addi %mul3A_45, %add3A_130 : i32
      %add3A_132 = arith.constant 2 : i32
      %add3A_133 = arith.addi %add3A_131, %add3A_132 : i32
      %dma_wait3A_134 = arith.constant 0 : i32
      %dma_wait3A_135 = arith.constant 0 : i32
      %dma_wait3A_136 = tpu.memref_slice %arg9[%dma_wait3A_134, %dma_wait3A_135] : memref<160x125xi32, #tpu.memory_space<vmem>> -> memref<1x125xi32, #tpu.memory_space<vmem>>
      %dma_wait3A_137 = tpu.memref_squeeze %dma_wait3A_136 : memref<1x125xi32, #tpu.memory_space<vmem>> -> memref<125xi32, #tpu.memory_space<vmem>>
      %dma_wait3A_138 = arith.constant 0 : i32
      %dma_wait3A_139 = arith.constant 0 : i32
      %dma_wait3A_140 = tpu.memref_slice %arg14[%dma_wait3A_138, %dma_wait3A_139] : memref<10240x64xf32, #tpu.memory_space<vmem_shared>> -> memref<10240x64xf32, #tpu.memory_space<vmem_shared>>
      tpu.wait_indirect_dma semaphore(%arg21 : memref<!tpu.dma_semaphore, #tpu.memory_space<semaphore_mem>>) src(%arg12 : memref<125x64xf32, #tpu.memory_space<vmem>>) dst(%dma_wait3A_140 : memref<10240x64xf32, #tpu.memory_space<vmem_shared>>)
      %lt3A_141 = arith.constant 160 : i32
      %lt3A_142 = arith.cmpi slt, %add3A_133, %lt3A_141 : i32
      %convert_element_type3A_143 = arith.extui %lt3A_142 : i1 to i32
      %cond3A_144 = arith.constant 0 : i32
      %cond3A_145 = arith.cmpi ne, %convert_element_type3A_143, %cond3A_144 : i32
      scf.if %cond3A_145 {
        %eq3A_162 = arith.constant 0 : i32
        %eq3A_163 = arith.cmpi eq, %arg0, %eq3A_162 : i32
        %convert_element_type3A_164 = arith.extui %eq3A_163 : i1 to i32
        %cond3A_165 = arith.constant 0 : i32
        %cond3A_166 = arith.cmpi ne, %convert_element_type3A_164, %cond3A_165 : i32
        scf.if %cond3A_166 {
          %dma_start3A_172 = arith.constant 0 : i32
          %dma_start3A_173 = tpu.memref_slice %arg8[%add3A_133, %dma_start3A_172] : memref<160x125xi32, #tpu.memory_space<vmem>> -> memref<1x125xi32, #tpu.memory_space<vmem>>
          %dma_start3A_174 = tpu.memref_squeeze %dma_start3A_173 : memref<1x125xi32, #tpu.memory_space<vmem>> -> memref<125xi32, #tpu.memory_space<vmem>>
          %dma_start3A_175 = arith.constant 0 : i32
          %dma_start3A_176 = arith.constant 0 : i32
          %dma_start3A_177 = tpu.memref_slice %arg2[%dma_start3A_175, %dma_start3A_176] : memref<10000x64xf32, #tpu.memory_space<hbm>> -> memref<10000x64xf32, #tpu.memory_space<hbm>>
          tpu.enqueue_indirect_dma source(%dma_start3A_177 : memref<10000x64xf32, #tpu.memory_space<hbm>>) target(%arg12 : memref<125x64xf32, #tpu.memory_space<vmem>>) offsets(%dma_start3A_174 : memref<125xi32, #tpu.memory_space<vmem>>) semaphore(%arg17 : memref<!tpu.dma_semaphore, #tpu.memory_space<semaphore_mem>>)
        } else {
        }
        %eq3A_167 = arith.constant 1 : i32
        %eq3A_168 = arith.cmpi eq, %arg0, %eq3A_167 : i32
        %convert_element_type3A_169 = arith.extui %eq3A_168 : i1 to i32
        %cond3A_170 = arith.constant 0 : i32
        %cond3A_171 = arith.cmpi ne, %convert_element_type3A_169, %cond3A_170 : i32
        scf.if %cond3A_171 {
          %dma_start3A_172 = arith.constant 0 : i32
          %dma_start3A_173 = tpu.memref_slice %arg8[%add3A_133, %dma_start3A_172] : memref<160x125xi32, #tpu.memory_space<vmem>> -> memref<1x125xi32, #tpu.memory_space<vmem>>
          %dma_start3A_174 = tpu.memref_squeeze %dma_start3A_173 : memref<1x125xi32, #tpu.memory_space<vmem>> -> memref<125xi32, #tpu.memory_space<vmem>>
          %dma_start3A_175 = arith.constant 0 : i32
          %dma_start3A_176 = arith.constant 0 : i32
          %dma_start3A_177 = tpu.memref_slice %arg3[%dma_start3A_175, %dma_start3A_176] : memref<10000x64xf32, #tpu.memory_space<hbm>> -> memref<10000x64xf32, #tpu.memory_space<hbm>>
          tpu.enqueue_indirect_dma source(%dma_start3A_177 : memref<10000x64xf32, #tpu.memory_space<hbm>>) target(%arg12 : memref<125x64xf32, #tpu.memory_space<vmem>>) offsets(%dma_start3A_174 : memref<125xi32, #tpu.memory_space<vmem>>) semaphore(%arg17 : memref<!tpu.dma_semaphore, #tpu.memory_space<semaphore_mem>>)
        } else {
        }
      } else {
      }
      %add3A_146 = arith.constant 4 : i32
      %add3A_147 = arith.addi %mul3A_45, %add3A_146 : i32
      %add3A_148 = arith.constant 3 : i32
      %add3A_149 = arith.addi %add3A_147, %add3A_148 : i32
      %dma_wait3A_150 = arith.constant 0 : i32
      %dma_wait3A_151 = arith.constant 0 : i32
      %dma_wait3A_152 = tpu.memref_slice %arg9[%dma_wait3A_150, %dma_wait3A_151] : memref<160x125xi32, #tpu.memory_space<vmem>> -> memref<1x125xi32, #tpu.memory_space<vmem>>
      %dma_wait3A_153 = tpu.memref_squeeze %dma_wait3A_152 : memref<1x125xi32, #tpu.memory_space<vmem>> -> memref<125xi32, #tpu.memory_space<vmem>>
      %dma_wait3A_154 = arith.constant 0 : i32
      %dma_wait3A_155 = arith.constant 0 : i32
      %dma_wait3A_156 = tpu.memref_slice %arg14[%dma_wait3A_154, %dma_wait3A_155] : memref<10240x64xf32, #tpu.memory_space<vmem_shared>> -> memref<10240x64xf32, #tpu.memory_space<vmem_shared>>
      tpu.wait_indirect_dma semaphore(%arg22 : memref<!tpu.dma_semaphore, #tpu.memory_space<semaphore_mem>>) src(%arg13 : memref<125x64xf32, #tpu.memory_space<vmem>>) dst(%dma_wait3A_156 : memref<10240x64xf32, #tpu.memory_space<vmem_shared>>)
      %lt3A_157 = arith.constant 160 : i32
      %lt3A_158 = arith.cmpi slt, %add3A_149, %lt3A_157 : i32
      %convert_element_type3A_159 = arith.extui %lt3A_158 : i1 to i32
      %cond3A_160 = arith.constant 0 : i32
      %cond3A_161 = arith.cmpi ne, %convert_element_type3A_159, %cond3A_160 : i32
      scf.if %cond3A_161 {
        %eq3A_162 = arith.constant 0 : i32
        %eq3A_163 = arith.cmpi eq, %arg0, %eq3A_162 : i32
        %convert_element_type3A_164 = arith.extui %eq3A_163 : i1 to i32
        %cond3A_165 = arith.constant 0 : i32
        %cond3A_166 = arith.cmpi ne, %convert_element_type3A_164, %cond3A_165 : i32
        scf.if %cond3A_166 {
          %dma_start3A_172 = arith.constant 0 : i32
          %dma_start3A_173 = tpu.memref_slice %arg8[%add3A_149, %dma_start3A_172] : memref<160x125xi32, #tpu.memory_space<vmem>> -> memref<1x125xi32, #tpu.memory_space<vmem>>
          %dma_start3A_174 = tpu.memref_squeeze %dma_start3A_173 : memref<1x125xi32, #tpu.memory_space<vmem>> -> memref<125xi32, #tpu.memory_space<vmem>>
          %dma_start3A_175 = arith.constant 0 : i32
          %dma_start3A_176 = arith.constant 0 : i32
          %dma_start3A_177 = tpu.memref_slice %arg2[%dma_start3A_175, %dma_start3A_176] : memref<10000x64xf32, #tpu.memory_space<hbm>> -> memref<10000x64xf32, #tpu.memory_space<hbm>>
          tpu.enqueue_indirect_dma source(%dma_start3A_177 : memref<10000x64xf32, #tpu.memory_space<hbm>>) target(%arg13 : memref<125x64xf32, #tpu.memory_space<vmem>>) offsets(%dma_start3A_174 : memref<125xi32, #tpu.memory_space<vmem>>) semaphore(%arg18 : memref<!tpu.dma_semaphore, #tpu.memory_space<semaphore_mem>>)
        } else {
        }
        %eq3A_167 = arith.constant 1 : i32
        %eq3A_168 = arith.cmpi eq, %arg0, %eq3A_167 : i32
        %convert_element_type3A_169 = arith.extui %eq3A_168 : i1 to i32
        %cond3A_170 = arith.constant 0 : i32
        %cond3A_171 = arith.cmpi ne, %convert_element_type3A_169, %cond3A_170 : i32
        scf.if %cond3A_171 {
          %dma_start3A_172 = arith.constant 0 : i32
          %dma_start3A_173 = tpu.memref_slice %arg8[%add3A_149, %dma_start3A_172] : memref<160x125xi32, #tpu.memory_space<vmem>> -> memref<1x125xi32, #tpu.memory_space<vmem>>
          %dma_start3A_174 = tpu.memref_squeeze %dma_start3A_173 : memref<1x125xi32, #tpu.memory_space<vmem>> -> memref<125xi32, #tpu.memory_space<vmem>>
          %dma_start3A_175 = arith.constant 0 : i32
          %dma_start3A_176 = arith.constant 0 : i32
          %dma_start3A_177 = tpu.memref_slice %arg3[%dma_start3A_175, %dma_start3A_176] : memref<10000x64xf32, #tpu.memory_space<hbm>> -> memref<10000x64xf32, #tpu.memory_space<hbm>>
          tpu.enqueue_indirect_dma source(%dma_start3A_177 : memref<10000x64xf32, #tpu.memory_space<hbm>>) target(%arg13 : memref<125x64xf32, #tpu.memory_space<vmem>>) offsets(%dma_start3A_174 : memref<125xi32, #tpu.memory_space<vmem>>) semaphore(%arg18 : memref<!tpu.dma_semaphore, #tpu.memory_space<semaphore_mem>>)
        } else {
        }
      } else {
      }
    }
    %scan3A_41 = arith.constant 40 : i32
    %barrier3A_42 = arith.constant 0 : index
    tpu.barrier barrier_id(%barrier3A_42)
    %run_scoped3A = arith.constant 0 : i32
    "tpu.region"() ({
      %run_scoped3A_43 = tpu.sem_alloc : memref<!tpu.dma_semaphore, #tpu.memory_space<semaphore_mem>>
      %dma_start3A = arith.constant 0 : i32
      %dma_start3A_44 = tpu.memref_slice %arg7[%run_scoped3A, %arg0, %mul3A_0, %dma_start3A] : memref<1x2x10240x64xf32, #tpu.memory_space<hbm>> -> memref<1x1x640x64xf32, #tpu.memory_space<hbm>>
      %dma_start3A_45 = tpu.memref_squeeze %dma_start3A_44 : memref<1x1x640x64xf32, #tpu.memory_space<hbm>> -> memref<640x64xf32, #tpu.memory_space<hbm>>
      %dma_start3A_46 = arith.constant 0 : i32
      %dma_start3A_47 = tpu.memref_slice %arg14[%mul3A_0, %dma_start3A_46] : memref<10240x64xf32, #tpu.memory_space<vmem_shared>> -> memref<640x64xf32, #tpu.memory_space<vmem_shared>>
      tpu.enqueue_dma source(%dma_start3A_47 : memref<640x64xf32, #tpu.memory_space<vmem_shared>>) target(%dma_start3A_45 : memref<640x64xf32, #tpu.memory_space<hbm>>) target_semaphore(%run_scoped3A_43 : memref<!tpu.dma_semaphore, #tpu.memory_space<semaphore_mem>>)
      %dma_wait3A = arith.constant 0 : i32
      %dma_wait3A_48 = tpu.memref_slice %arg7[%run_scoped3A, %arg0, %mul3A_0, %dma_wait3A] : memref<1x2x10240x64xf32, #tpu.memory_space<hbm>> -> memref<1x1x640x64xf32, #tpu.memory_space<hbm>>
      %dma_wait3A_49 = tpu.memref_squeeze %dma_wait3A_48 : memref<1x1x640x64xf32, #tpu.memory_space<hbm>> -> memref<640x64xf32, #tpu.memory_space<hbm>>
      %dma_wait3A_50 = arith.constant 0 : i32
      %dma_wait3A_51 = tpu.memref_slice %arg14[%mul3A_0, %dma_wait3A_50] : memref<10240x64xf32, #tpu.memory_space<vmem_shared>> -> memref<640x64xf32, #tpu.memory_space<vmem_shared>>
      tpu.wait_dma2 semaphore(%run_scoped3A_43 : memref<!tpu.dma_semaphore, #tpu.memory_space<semaphore_mem>>) src(%dma_wait3A_51 : memref<640x64xf32, #tpu.memory_space<vmem_shared>>) dst(%dma_wait3A_49 : memref<640x64xf32, #tpu.memory_space<hbm>>)
      tpu.yield
    }) : () -> ()
    return
  }
}

#map = affine_map<(d0, d1) -> (0, 0)>
#map1 = affine_map<(d0, d1) -> (0, 0, 0)>
#map2 = affine_map<(d0, d1) -> (0, 0, 0, 0)>
module attributes {stable_mosaic.version = 14 : i64} {
  func.func @body(%arg0: i32, %arg1: i32, %arg2: memref<10000x64xf32, #tpu.memory_space<hbm>>, %arg3: memref<10000x64xf32, #tpu.memory_space<hbm>>, %arg4: memref<10000x64xf32, #tpu.memory_space<hbm>>, %arg5: memref<10000x64xf32, #tpu.memory_space<hbm>>, %arg6: memref<16x160x125xi32, #tpu.memory_space<hbm>>, %arg7: memref<16x160x125xi32, #tpu.memory_space<hbm>>, %arg8: memref<640x64xf32, #tpu.memory_space<hbm>>, %arg9: memref<2x2x10240x64xf32, #tpu.memory_space<hbm>>, %arg10: memref<160x125xi32, #tpu.memory_space<vmem>>, %arg11: memref<160x125xi32, #tpu.memory_space<vmem>>, %arg12: memref<125x64xf32, #tpu.memory_space<vmem>>, %arg13: memref<125x64xf32, #tpu.memory_space<vmem>>, %arg14: memref<125x64xf32, #tpu.memory_space<vmem>>, %arg15: memref<125x64xf32, #tpu.memory_space<vmem>>, %arg16: memref<10240x64xf32, #tpu.memory_space<vmem_shared>>, %arg17: memref<!tpu.dma_semaphore, #tpu.memory_space<semaphore_mem>>, %arg18: memref<!tpu.dma_semaphore, #tpu.memory_space<semaphore_mem>>, %arg19: memref<!tpu.dma_semaphore, #tpu.memory_space<semaphore_mem>>, %arg20: memref<!tpu.dma_semaphore, #tpu.memory_space<semaphore_mem>>, %arg21: memref<!tpu.dma_semaphore, #tpu.memory_space<semaphore_mem>>, %arg22: memref<!tpu.dma_semaphore, #tpu.memory_space<semaphore_mem>>, %arg23: memref<!tpu.dma_semaphore, #tpu.memory_space<semaphore_mem>>, %arg24: memref<!tpu.dma_semaphore, #tpu.memory_space<semaphore_mem>>) attributes {dimension_semantics = [#tpu.dimension_semantics<core_parallel>, #tpu.dimension_semantics<subcore_parallel>], iteration_bounds = array<i64: 2, 16>, scalar_prefetch = 0 : i64, scratch_operands = 15 : i64, tpu.core_type = #tpu.core_type<sc_vector_subcore>, window_params = [{transform_indices = #map}, {transform_indices = #map}, {transform_indices = #map}, {transform_indices = #map}, {transform_indices = #map1}, {transform_indices = #map1}, {transform_indices = #map}, {transform_indices = #map2}]} {
    %mul3A = arith.constant 640 : i32
    %mul3A_0 = arith.muli %arg1, %mul3A : i32
    "tpu.region"() ({
      %run_scoped3A_91 = tpu.sem_alloc : memref<!tpu.dma_semaphore, #tpu.memory_space<semaphore_mem>>
      %dma_start3A = arith.constant 0 : i32
      %dma_start3A_92 = arith.constant 0 : i32
      %dma_start3A_93 = tpu.memref_slice %arg6[%arg1, %dma_start3A, %dma_start3A_92] : memref<16x160x125xi32, #tpu.memory_space<hbm>> -> memref<1x160x125xi32, #tpu.memory_space<hbm>>
      %dma_start3A_94 = tpu.memref_squeeze %dma_start3A_93 : memref<1x160x125xi32, #tpu.memory_space<hbm>> -> memref<160x125xi32, #tpu.memory_space<hbm>>
      %dma_start3A_95 = arith.constant 0 : i32
      %dma_start3A_96 = arith.constant 0 : i32
      %dma_start3A_97 = tpu.memref_slice %arg6[%arg1, %dma_start3A_95, %dma_start3A_96] : memref<16x160x125xi32, #tpu.memory_space<hbm>> -> memref<1x160x125xi32, #tpu.memory_space<hbm>>
      %dma_start3A_98 = tpu.memref_squeeze %dma_start3A_97 : memref<1x160x125xi32, #tpu.memory_space<hbm>> -> memref<160x125xi32, #tpu.memory_space<hbm>>
      tpu.enqueue_dma source(%dma_start3A_98 : memref<160x125xi32, #tpu.memory_space<hbm>>) target(%arg10 : memref<160x125xi32, #tpu.memory_space<vmem>>) target_semaphore(%run_scoped3A_91 : memref<!tpu.dma_semaphore, #tpu.memory_space<semaphore_mem>>)
      %dma_wait3A = arith.constant 0 : i32
      %dma_wait3A_99 = arith.constant 0 : i32
      %dma_wait3A_100 = tpu.memref_slice %arg6[%arg1, %dma_wait3A, %dma_wait3A_99] : memref<16x160x125xi32, #tpu.memory_space<hbm>> -> memref<1x160x125xi32, #tpu.memory_space<hbm>>
      %dma_wait3A_101 = tpu.memref_squeeze %dma_wait3A_100 : memref<1x160x125xi32, #tpu.memory_space<hbm>> -> memref<160x125xi32, #tpu.memory_space<hbm>>
      %dma_wait3A_102 = arith.constant 0 : i32
      %dma_wait3A_103 = arith.constant 0 : i32
      %dma_wait3A_104 = tpu.memref_slice %arg6[%arg1, %dma_wait3A_102, %dma_wait3A_103] : memref<16x160x125xi32, #tpu.memory_space<hbm>> -> memref<1x160x125xi32, #tpu.memory_space<hbm>>
      %dma_wait3A_105 = tpu.memref_squeeze %dma_wait3A_104 : memref<1x160x125xi32, #tpu.memory_space<hbm>> -> memref<160x125xi32, #tpu.memory_space<hbm>>
      tpu.wait_dma2 semaphore(%run_scoped3A_91 : memref<!tpu.dma_semaphore, #tpu.memory_space<semaphore_mem>>) src(%dma_wait3A_105 : memref<160x125xi32, #tpu.memory_space<hbm>>) dst(%arg10 : memref<160x125xi32, #tpu.memory_space<vmem>>)
      tpu.yield
    }) : () -> ()
    "tpu.region"() ({
      %run_scoped3A_91 = tpu.sem_alloc : memref<!tpu.dma_semaphore, #tpu.memory_space<semaphore_mem>>
      %dma_start3A = arith.constant 0 : i32
      %dma_start3A_92 = arith.constant 0 : i32
      %dma_start3A_93 = tpu.memref_slice %arg7[%arg1, %dma_start3A, %dma_start3A_92] : memref<16x160x125xi32, #tpu.memory_space<hbm>> -> memref<1x160x125xi32, #tpu.memory_space<hbm>>
      %dma_start3A_94 = tpu.memref_squeeze %dma_start3A_93 : memref<1x160x125xi32, #tpu.memory_space<hbm>> -> memref<160x125xi32, #tpu.memory_space<hbm>>
      %dma_start3A_95 = arith.constant 0 : i32
      %dma_start3A_96 = arith.constant 0 : i32
      %dma_start3A_97 = tpu.memref_slice %arg7[%arg1, %dma_start3A_95, %dma_start3A_96] : memref<16x160x125xi32, #tpu.memory_space<hbm>> -> memref<1x160x125xi32, #tpu.memory_space<hbm>>
      %dma_start3A_98 = tpu.memref_squeeze %dma_start3A_97 : memref<1x160x125xi32, #tpu.memory_space<hbm>> -> memref<160x125xi32, #tpu.memory_space<hbm>>
      tpu.enqueue_dma source(%dma_start3A_98 : memref<160x125xi32, #tpu.memory_space<hbm>>) target(%arg11 : memref<160x125xi32, #tpu.memory_space<vmem>>) target_semaphore(%run_scoped3A_91 : memref<!tpu.dma_semaphore, #tpu.memory_space<semaphore_mem>>)
      %dma_wait3A = arith.constant 0 : i32
      %dma_wait3A_99 = arith.constant 0 : i32
      %dma_wait3A_100 = tpu.memref_slice %arg7[%arg1, %dma_wait3A, %dma_wait3A_99] : memref<16x160x125xi32, #tpu.memory_space<hbm>> -> memref<1x160x125xi32, #tpu.memory_space<hbm>>
      %dma_wait3A_101 = tpu.memref_squeeze %dma_wait3A_100 : memref<1x160x125xi32, #tpu.memory_space<hbm>> -> memref<160x125xi32, #tpu.memory_space<hbm>>
      %dma_wait3A_102 = arith.constant 0 : i32
      %dma_wait3A_103 = arith.constant 0 : i32
      %dma_wait3A_104 = tpu.memref_slice %arg7[%arg1, %dma_wait3A_102, %dma_wait3A_103] : memref<16x160x125xi32, #tpu.memory_space<hbm>> -> memref<1x160x125xi32, #tpu.memory_space<hbm>>
      %dma_wait3A_105 = tpu.memref_squeeze %dma_wait3A_104 : memref<1x160x125xi32, #tpu.memory_space<hbm>> -> memref<160x125xi32, #tpu.memory_space<hbm>>
      tpu.wait_dma2 semaphore(%run_scoped3A_91 : memref<!tpu.dma_semaphore, #tpu.memory_space<semaphore_mem>>) src(%dma_wait3A_105 : memref<160x125xi32, #tpu.memory_space<hbm>>) dst(%arg11 : memref<160x125xi32, #tpu.memory_space<vmem>>)
      tpu.yield
    }) : () -> ()
    "tpu.region"() ({
      %run_scoped3A_91 = tpu.sem_alloc : memref<!tpu.dma_semaphore, #tpu.memory_space<semaphore_mem>>
      %dma_start3A = arith.constant 0 : i32
      %dma_start3A_92 = tpu.memref_slice %arg16[%mul3A_0, %dma_start3A] : memref<10240x64xf32, #tpu.memory_space<vmem_shared>> -> memref<640x64xf32, #tpu.memory_space<vmem_shared>>
      tpu.enqueue_dma source(%arg8 : memref<640x64xf32, #tpu.memory_space<hbm>>) target(%dma_start3A_92 : memref<640x64xf32, #tpu.memory_space<vmem_shared>>) target_semaphore(%run_scoped3A_91 : memref<!tpu.dma_semaphore, #tpu.memory_space<semaphore_mem>>)
      %dma_wait3A = arith.constant 0 : i32
      %dma_wait3A_93 = tpu.memref_slice %arg16[%mul3A_0, %dma_wait3A] : memref<10240x64xf32, #tpu.memory_space<vmem_shared>> -> memref<640x64xf32, #tpu.memory_space<vmem_shared>>
      tpu.wait_dma2 semaphore(%run_scoped3A_91 : memref<!tpu.dma_semaphore, #tpu.memory_space<semaphore_mem>>) src(%arg8 : memref<640x64xf32, #tpu.memory_space<hbm>>) dst(%dma_wait3A_93 : memref<640x64xf32, #tpu.memory_space<vmem_shared>>)
      tpu.yield
    }) : () -> ()
    %barrier3A = arith.constant 0 : index
    tpu.barrier barrier_id(%barrier3A)
    %eq3A = arith.constant 0 : i32
    %eq3A_1 = arith.cmpi eq, %arg0, %eq3A : i32
    %convert_element_type3A = arith.extui %eq3A_1 : i1 to i32
    %cond3A = arith.constant 0 : i32
    %cond3A_2 = arith.cmpi ne, %convert_element_type3A, %cond3A : i32
    scf.if %cond3A_2 {
      %dma_start3A = arith.constant 0 : i32
      %dma_start3A_91 = arith.constant 0 : i32
      %dma_start3A_92 = tpu.memref_slice %arg10[%dma_start3A, %dma_start3A_91] : memref<160x125xi32, #tpu.memory_space<vmem>> -> memref<1x125xi32, #tpu.memory_space<vmem>>
      %dma_start3A_93 = tpu.memref_squeeze %dma_start3A_92 : memref<1x125xi32, #tpu.memory_space<vmem>> -> memref<125xi32, #tpu.memory_space<vmem>>
      %dma_start3A_94 = arith.constant 0 : i32
      %dma_start3A_95 = arith.constant 0 : i32
      %dma_start3A_96 = tpu.memref_slice %arg2[%dma_start3A_94, %dma_start3A_95] : memref<10000x64xf32, #tpu.memory_space<hbm>> -> memref<10000x64xf32, #tpu.memory_space<hbm>>
      tpu.enqueue_indirect_dma source(%dma_start3A_96 : memref<10000x64xf32, #tpu.memory_space<hbm>>) target(%arg12 : memref<125x64xf32, #tpu.memory_space<vmem>>) offsets(%dma_start3A_93 : memref<125xi32, #tpu.memory_space<vmem>>) semaphore(%arg17 : memref<!tpu.dma_semaphore, #tpu.memory_space<semaphore_mem>>)
    } else {
    }
    %eq3A_3 = arith.constant 1 : i32
    %eq3A_4 = arith.cmpi eq, %arg0, %eq3A_3 : i32
    %convert_element_type3A_5 = arith.extui %eq3A_4 : i1 to i32
    %cond3A_6 = arith.constant 0 : i32
    %cond3A_7 = arith.cmpi ne, %convert_element_type3A_5, %cond3A_6 : i32
    scf.if %cond3A_7 {
      %dma_start3A = arith.constant 0 : i32
      %dma_start3A_91 = arith.constant 0 : i32
      %dma_start3A_92 = tpu.memref_slice %arg10[%dma_start3A, %dma_start3A_91] : memref<160x125xi32, #tpu.memory_space<vmem>> -> memref<1x125xi32, #tpu.memory_space<vmem>>
      %dma_start3A_93 = tpu.memref_squeeze %dma_start3A_92 : memref<1x125xi32, #tpu.memory_space<vmem>> -> memref<125xi32, #tpu.memory_space<vmem>>
      %dma_start3A_94 = arith.constant 0 : i32
      %dma_start3A_95 = arith.constant 0 : i32
      %dma_start3A_96 = tpu.memref_slice %arg3[%dma_start3A_94, %dma_start3A_95] : memref<10000x64xf32, #tpu.memory_space<hbm>> -> memref<10000x64xf32, #tpu.memory_space<hbm>>
      tpu.enqueue_indirect_dma source(%dma_start3A_96 : memref<10000x64xf32, #tpu.memory_space<hbm>>) target(%arg12 : memref<125x64xf32, #tpu.memory_space<vmem>>) offsets(%dma_start3A_93 : memref<125xi32, #tpu.memory_space<vmem>>) semaphore(%arg17 : memref<!tpu.dma_semaphore, #tpu.memory_space<semaphore_mem>>)
    } else {
    }
    %eq3A_8 = arith.constant 0 : i32
    %eq3A_9 = arith.cmpi eq, %arg0, %eq3A_8 : i32
    %convert_element_type3A_10 = arith.extui %eq3A_9 : i1 to i32
    %cond3A_11 = arith.constant 0 : i32
    %cond3A_12 = arith.cmpi ne, %convert_element_type3A_10, %cond3A_11 : i32
    scf.if %cond3A_12 {
      %dma_start3A = arith.constant 1 : i32
      %dma_start3A_91 = arith.constant 0 : i32
      %dma_start3A_92 = tpu.memref_slice %arg10[%dma_start3A, %dma_start3A_91] : memref<160x125xi32, #tpu.memory_space<vmem>> -> memref<1x125xi32, #tpu.memory_space<vmem>>
      %dma_start3A_93 = tpu.memref_squeeze %dma_start3A_92 : memref<1x125xi32, #tpu.memory_space<vmem>> -> memref<125xi32, #tpu.memory_space<vmem>>
      %dma_start3A_94 = arith.constant 0 : i32
      %dma_start3A_95 = arith.constant 0 : i32
      %dma_start3A_96 = tpu.memref_slice %arg2[%dma_start3A_94, %dma_start3A_95] : memref<10000x64xf32, #tpu.memory_space<hbm>> -> memref<10000x64xf32, #tpu.memory_space<hbm>>
      tpu.enqueue_indirect_dma source(%dma_start3A_96 : memref<10000x64xf32, #tpu.memory_space<hbm>>) target(%arg13 : memref<125x64xf32, #tpu.memory_space<vmem>>) offsets(%dma_start3A_93 : memref<125xi32, #tpu.memory_space<vmem>>) semaphore(%arg18 : memref<!tpu.dma_semaphore, #tpu.memory_space<semaphore_mem>>)
    } else {
    }
    %eq3A_13 = arith.constant 1 : i32
    %eq3A_14 = arith.cmpi eq, %arg0, %eq3A_13 : i32
    %convert_element_type3A_15 = arith.extui %eq3A_14 : i1 to i32
    %cond3A_16 = arith.constant 0 : i32
    %cond3A_17 = arith.cmpi ne, %convert_element_type3A_15, %cond3A_16 : i32
    scf.if %cond3A_17 {
      %dma_start3A = arith.constant 1 : i32
      %dma_start3A_91 = arith.constant 0 : i32
      %dma_start3A_92 = tpu.memref_slice %arg10[%dma_start3A, %dma_start3A_91] : memref<160x125xi32, #tpu.memory_space<vmem>> -> memref<1x125xi32, #tpu.memory_space<vmem>>
      %dma_start3A_93 = tpu.memref_squeeze %dma_start3A_92 : memref<1x125xi32, #tpu.memory_space<vmem>> -> memref<125xi32, #tpu.memory_space<vmem>>
      %dma_start3A_94 = arith.constant 0 : i32
      %dma_start3A_95 = arith.constant 0 : i32
      %dma_start3A_96 = tpu.memref_slice %arg3[%dma_start3A_94, %dma_start3A_95] : memref<10000x64xf32, #tpu.memory_space<hbm>> -> memref<10000x64xf32, #tpu.memory_space<hbm>>
      tpu.enqueue_indirect_dma source(%dma_start3A_96 : memref<10000x64xf32, #tpu.memory_space<hbm>>) target(%arg13 : memref<125x64xf32, #tpu.memory_space<vmem>>) offsets(%dma_start3A_93 : memref<125xi32, #tpu.memory_space<vmem>>) semaphore(%arg18 : memref<!tpu.dma_semaphore, #tpu.memory_space<semaphore_mem>>)
    } else {
    }
    %eq3A_18 = arith.constant 0 : i32
    %eq3A_19 = arith.cmpi eq, %arg0, %eq3A_18 : i32
    %convert_element_type3A_20 = arith.extui %eq3A_19 : i1 to i32
    %cond3A_21 = arith.constant 0 : i32
    %cond3A_22 = arith.cmpi ne, %convert_element_type3A_20, %cond3A_21 : i32
    scf.if %cond3A_22 {
      %dma_start3A = arith.constant 2 : i32
      %dma_start3A_91 = arith.constant 0 : i32
      %dma_start3A_92 = tpu.memref_slice %arg10[%dma_start3A, %dma_start3A_91] : memref<160x125xi32, #tpu.memory_space<vmem>> -> memref<1x125xi32, #tpu.memory_space<vmem>>
      %dma_start3A_93 = tpu.memref_squeeze %dma_start3A_92 : memref<1x125xi32, #tpu.memory_space<vmem>> -> memref<125xi32, #tpu.memory_space<vmem>>
      %dma_start3A_94 = arith.constant 0 : i32
      %dma_start3A_95 = arith.constant 0 : i32
      %dma_start3A_96 = tpu.memref_slice %arg2[%dma_start3A_94, %dma_start3A_95] : memref<10000x64xf32, #tpu.memory_space<hbm>> -> memref<10000x64xf32, #tpu.memory_space<hbm>>
      tpu.enqueue_indirect_dma source(%dma_start3A_96 : memref<10000x64xf32, #tpu.memory_space<hbm>>) target(%arg14 : memref<125x64xf32, #tpu.memory_space<vmem>>) offsets(%dma_start3A_93 : memref<125xi32, #tpu.memory_space<vmem>>) semaphore(%arg19 : memref<!tpu.dma_semaphore, #tpu.memory_space<semaphore_mem>>)
    } else {
    }
    %eq3A_23 = arith.constant 1 : i32
    %eq3A_24 = arith.cmpi eq, %arg0, %eq3A_23 : i32
    %convert_element_type3A_25 = arith.extui %eq3A_24 : i1 to i32
    %cond3A_26 = arith.constant 0 : i32
    %cond3A_27 = arith.cmpi ne, %convert_element_type3A_25, %cond3A_26 : i32
    scf.if %cond3A_27 {
      %dma_start3A = arith.constant 2 : i32
      %dma_start3A_91 = arith.constant 0 : i32
      %dma_start3A_92 = tpu.memref_slice %arg10[%dma_start3A, %dma_start3A_91] : memref<160x125xi32, #tpu.memory_space<vmem>> -> memref<1x125xi32, #tpu.memory_space<vmem>>
      %dma_start3A_93 = tpu.memref_squeeze %dma_start3A_92 : memref<1x125xi32, #tpu.memory_space<vmem>> -> memref<125xi32, #tpu.memory_space<vmem>>
      %dma_start3A_94 = arith.constant 0 : i32
      %dma_start3A_95 = arith.constant 0 : i32
      %dma_start3A_96 = tpu.memref_slice %arg3[%dma_start3A_94, %dma_start3A_95] : memref<10000x64xf32, #tpu.memory_space<hbm>> -> memref<10000x64xf32, #tpu.memory_space<hbm>>
      tpu.enqueue_indirect_dma source(%dma_start3A_96 : memref<10000x64xf32, #tpu.memory_space<hbm>>) target(%arg14 : memref<125x64xf32, #tpu.memory_space<vmem>>) offsets(%dma_start3A_93 : memref<125xi32, #tpu.memory_space<vmem>>) semaphore(%arg19 : memref<!tpu.dma_semaphore, #tpu.memory_space<semaphore_mem>>)
    } else {
    }
    %eq3A_28 = arith.constant 0 : i32
    %eq3A_29 = arith.cmpi eq, %arg0, %eq3A_28 : i32
    %convert_element_type3A_30 = arith.extui %eq3A_29 : i1 to i32
    %cond3A_31 = arith.constant 0 : i32
    %cond3A_32 = arith.cmpi ne, %convert_element_type3A_30, %cond3A_31 : i32
    scf.if %cond3A_32 {
      %dma_start3A = arith.constant 3 : i32
      %dma_start3A_91 = arith.constant 0 : i32
      %dma_start3A_92 = tpu.memref_slice %arg10[%dma_start3A, %dma_start3A_91] : memref<160x125xi32, #tpu.memory_space<vmem>> -> memref<1x125xi32, #tpu.memory_space<vmem>>
      %dma_start3A_93 = tpu.memref_squeeze %dma_start3A_92 : memref<1x125xi32, #tpu.memory_space<vmem>> -> memref<125xi32, #tpu.memory_space<vmem>>
      %dma_start3A_94 = arith.constant 0 : i32
      %dma_start3A_95 = arith.constant 0 : i32
      %dma_start3A_96 = tpu.memref_slice %arg2[%dma_start3A_94, %dma_start3A_95] : memref<10000x64xf32, #tpu.memory_space<hbm>> -> memref<10000x64xf32, #tpu.memory_space<hbm>>
      tpu.enqueue_indirect_dma source(%dma_start3A_96 : memref<10000x64xf32, #tpu.memory_space<hbm>>) target(%arg15 : memref<125x64xf32, #tpu.memory_space<vmem>>) offsets(%dma_start3A_93 : memref<125xi32, #tpu.memory_space<vmem>>) semaphore(%arg20 : memref<!tpu.dma_semaphore, #tpu.memory_space<semaphore_mem>>)
    } else {
    }
    %eq3A_33 = arith.constant 1 : i32
    %eq3A_34 = arith.cmpi eq, %arg0, %eq3A_33 : i32
    %convert_element_type3A_35 = arith.extui %eq3A_34 : i1 to i32
    %cond3A_36 = arith.constant 0 : i32
    %cond3A_37 = arith.cmpi ne, %convert_element_type3A_35, %cond3A_36 : i32
    scf.if %cond3A_37 {
      %dma_start3A = arith.constant 3 : i32
      %dma_start3A_91 = arith.constant 0 : i32
      %dma_start3A_92 = tpu.memref_slice %arg10[%dma_start3A, %dma_start3A_91] : memref<160x125xi32, #tpu.memory_space<vmem>> -> memref<1x125xi32, #tpu.memory_space<vmem>>
      %dma_start3A_93 = tpu.memref_squeeze %dma_start3A_92 : memref<1x125xi32, #tpu.memory_space<vmem>> -> memref<125xi32, #tpu.memory_space<vmem>>
      %dma_start3A_94 = arith.constant 0 : i32
      %dma_start3A_95 = arith.constant 0 : i32
      %dma_start3A_96 = tpu.memref_slice %arg3[%dma_start3A_94, %dma_start3A_95] : memref<10000x64xf32, #tpu.memory_space<hbm>> -> memref<10000x64xf32, #tpu.memory_space<hbm>>
      tpu.enqueue_indirect_dma source(%dma_start3A_96 : memref<10000x64xf32, #tpu.memory_space<hbm>>) target(%arg15 : memref<125x64xf32, #tpu.memory_space<vmem>>) offsets(%dma_start3A_93 : memref<125xi32, #tpu.memory_space<vmem>>) semaphore(%arg20 : memref<!tpu.dma_semaphore, #tpu.memory_space<semaphore_mem>>)
    } else {
    }
    %scan3A = arith.constant 0 : i32
    %scan3A_38 = arith.constant 40 : i32
    %scan3A_39 = arith.addi %scan3A, %scan3A_38 : i32
    %scan3A_40 = arith.constant 1 : i32
    scf.for %scan3A_91 = %scan3A to %scan3A_39 step %scan3A_40  : i32 {
      %mul3A_92 = arith.constant 4 : i32
      %mul3A_93 = arith.muli %scan3A_91, %mul3A_92 : i32
      %add3A = arith.constant 0 : i32
      %add3A_94 = arith.addi %mul3A_93, %add3A : i32
      %dma_wait3A = arith.constant 0 : i32
      %dma_wait3A_95 = tpu.memref_slice %arg10[%add3A_94, %dma_wait3A] : memref<160x125xi32, #tpu.memory_space<vmem>> -> memref<1x125xi32, #tpu.memory_space<vmem>>
      %dma_wait3A_96 = tpu.memref_squeeze %dma_wait3A_95 : memref<1x125xi32, #tpu.memory_space<vmem>> -> memref<125xi32, #tpu.memory_space<vmem>>
      %dma_wait3A_97 = arith.constant 0 : i32
      %dma_wait3A_98 = arith.constant 0 : i32
      %dma_wait3A_99 = tpu.memref_slice %arg2[%dma_wait3A_97, %dma_wait3A_98] : memref<10000x64xf32, #tpu.memory_space<hbm>> -> memref<10000x64xf32, #tpu.memory_space<hbm>>
      tpu.wait_indirect_dma semaphore(%arg17 : memref<!tpu.dma_semaphore, #tpu.memory_space<semaphore_mem>>) src(%dma_wait3A_99 : memref<10000x64xf32, #tpu.memory_space<hbm>>) dst(%arg12 : memref<125x64xf32, #tpu.memory_space<vmem>>)
      %dma_start3A = arith.constant 0 : i32
      %dma_start3A_100 = tpu.memref_slice %arg11[%add3A_94, %dma_start3A] : memref<160x125xi32, #tpu.memory_space<vmem>> -> memref<1x125xi32, #tpu.memory_space<vmem>>
      %dma_start3A_101 = tpu.memref_squeeze %dma_start3A_100 : memref<1x125xi32, #tpu.memory_space<vmem>> -> memref<125xi32, #tpu.memory_space<vmem>>
      %dma_start3A_102 = arith.constant 0 : i32
      %dma_start3A_103 = arith.constant 0 : i32
      %dma_start3A_104 = tpu.memref_slice %arg16[%dma_start3A_102, %dma_start3A_103] : memref<10240x64xf32, #tpu.memory_space<vmem_shared>> -> memref<10240x64xf32, #tpu.memory_space<vmem_shared>>
      tpu.enqueue_indirect_dma source(%arg12 : memref<125x64xf32, #tpu.memory_space<vmem>>) target(%dma_start3A_104 : memref<10240x64xf32, #tpu.memory_space<vmem_shared>>) offsets(%dma_start3A_101 : memref<125xi32, #tpu.memory_space<vmem>>) semaphore(%arg21 : memref<!tpu.dma_semaphore, #tpu.memory_space<semaphore_mem>>) {add = true}
      %add3A_105 = arith.constant 1 : i32
      %add3A_106 = arith.addi %mul3A_93, %add3A_105 : i32
      %dma_wait3A_107 = arith.constant 0 : i32
      %dma_wait3A_108 = tpu.memref_slice %arg10[%add3A_106, %dma_wait3A_107] : memref<160x125xi32, #tpu.memory_space<vmem>> -> memref<1x125xi32, #tpu.memory_space<vmem>>
      %dma_wait3A_109 = tpu.memref_squeeze %dma_wait3A_108 : memref<1x125xi32, #tpu.memory_space<vmem>> -> memref<125xi32, #tpu.memory_space<vmem>>
      %dma_wait3A_110 = arith.constant 0 : i32
      %dma_wait3A_111 = arith.constant 0 : i32
      %dma_wait3A_112 = tpu.memref_slice %arg2[%dma_wait3A_110, %dma_wait3A_111] : memref<10000x64xf32, #tpu.memory_space<hbm>> -> memref<10000x64xf32, #tpu.memory_space<hbm>>
      tpu.wait_indirect_dma semaphore(%arg18 : memref<!tpu.dma_semaphore, #tpu.memory_space<semaphore_mem>>) src(%dma_wait3A_112 : memref<10000x64xf32, #tpu.memory_space<hbm>>) dst(%arg13 : memref<125x64xf32, #tpu.memory_space<vmem>>)
      %dma_start3A_113 = arith.constant 0 : i32
      %dma_start3A_114 = tpu.memref_slice %arg11[%add3A_106, %dma_start3A_113] : memref<160x125xi32, #tpu.memory_space<vmem>> -> memref<1x125xi32, #tpu.memory_space<vmem>>
      %dma_start3A_115 = tpu.memref_squeeze %dma_start3A_114 : memref<1x125xi32, #tpu.memory_space<vmem>> -> memref<125xi32, #tpu.memory_space<vmem>>
      %dma_start3A_116 = arith.constant 0 : i32
      %dma_start3A_117 = arith.constant 0 : i32
      %dma_start3A_118 = tpu.memref_slice %arg16[%dma_start3A_116, %dma_start3A_117] : memref<10240x64xf32, #tpu.memory_space<vmem_shared>> -> memref<10240x64xf32, #tpu.memory_space<vmem_shared>>
      tpu.enqueue_indirect_dma source(%arg13 : memref<125x64xf32, #tpu.memory_space<vmem>>) target(%dma_start3A_118 : memref<10240x64xf32, #tpu.memory_space<vmem_shared>>) offsets(%dma_start3A_115 : memref<125xi32, #tpu.memory_space<vmem>>) semaphore(%arg22 : memref<!tpu.dma_semaphore, #tpu.memory_space<semaphore_mem>>) {add = true}
      %add3A_119 = arith.constant 2 : i32
      %add3A_120 = arith.addi %mul3A_93, %add3A_119 : i32
      %dma_wait3A_121 = arith.constant 0 : i32
      %dma_wait3A_122 = tpu.memref_slice %arg10[%add3A_120, %dma_wait3A_121] : memref<160x125xi32, #tpu.memory_space<vmem>> -> memref<1x125xi32, #tpu.memory_space<vmem>>
      %dma_wait3A_123 = tpu.memref_squeeze %dma_wait3A_122 : memref<1x125xi32, #tpu.memory_space<vmem>> -> memref<125xi32, #tpu.memory_space<vmem>>
      %dma_wait3A_124 = arith.constant 0 : i32
      %dma_wait3A_125 = arith.constant 0 : i32
      %dma_wait3A_126 = tpu.memref_slice %arg2[%dma_wait3A_124, %dma_wait3A_125] : memref<10000x64xf32, #tpu.memory_space<hbm>> -> memref<10000x64xf32, #tpu.memory_space<hbm>>
      tpu.wait_indirect_dma semaphore(%arg19 : memref<!tpu.dma_semaphore, #tpu.memory_space<semaphore_mem>>) src(%dma_wait3A_126 : memref<10000x64xf32, #tpu.memory_space<hbm>>) dst(%arg14 : memref<125x64xf32, #tpu.memory_space<vmem>>)
      %dma_start3A_127 = arith.constant 0 : i32
      %dma_start3A_128 = tpu.memref_slice %arg11[%add3A_120, %dma_start3A_127] : memref<160x125xi32, #tpu.memory_space<vmem>> -> memref<1x125xi32, #tpu.memory_space<vmem>>
      %dma_start3A_129 = tpu.memref_squeeze %dma_start3A_128 : memref<1x125xi32, #tpu.memory_space<vmem>> -> memref<125xi32, #tpu.memory_space<vmem>>
      %dma_start3A_130 = arith.constant 0 : i32
      %dma_start3A_131 = arith.constant 0 : i32
      %dma_start3A_132 = tpu.memref_slice %arg16[%dma_start3A_130, %dma_start3A_131] : memref<10240x64xf32, #tpu.memory_space<vmem_shared>> -> memref<10240x64xf32, #tpu.memory_space<vmem_shared>>
      tpu.enqueue_indirect_dma source(%arg14 : memref<125x64xf32, #tpu.memory_space<vmem>>) target(%dma_start3A_132 : memref<10240x64xf32, #tpu.memory_space<vmem_shared>>) offsets(%dma_start3A_129 : memref<125xi32, #tpu.memory_space<vmem>>) semaphore(%arg23 : memref<!tpu.dma_semaphore, #tpu.memory_space<semaphore_mem>>) {add = true}
      %add3A_133 = arith.constant 3 : i32
      %add3A_134 = arith.addi %mul3A_93, %add3A_133 : i32
      %dma_wait3A_135 = arith.constant 0 : i32
      %dma_wait3A_136 = tpu.memref_slice %arg10[%add3A_134, %dma_wait3A_135] : memref<160x125xi32, #tpu.memory_space<vmem>> -> memref<1x125xi32, #tpu.memory_space<vmem>>
      %dma_wait3A_137 = tpu.memref_squeeze %dma_wait3A_136 : memref<1x125xi32, #tpu.memory_space<vmem>> -> memref<125xi32, #tpu.memory_space<vmem>>
      %dma_wait3A_138 = arith.constant 0 : i32
      %dma_wait3A_139 = arith.constant 0 : i32
      %dma_wait3A_140 = tpu.memref_slice %arg2[%dma_wait3A_138, %dma_wait3A_139] : memref<10000x64xf32, #tpu.memory_space<hbm>> -> memref<10000x64xf32, #tpu.memory_space<hbm>>
      tpu.wait_indirect_dma semaphore(%arg20 : memref<!tpu.dma_semaphore, #tpu.memory_space<semaphore_mem>>) src(%dma_wait3A_140 : memref<10000x64xf32, #tpu.memory_space<hbm>>) dst(%arg15 : memref<125x64xf32, #tpu.memory_space<vmem>>)
      %dma_start3A_141 = arith.constant 0 : i32
      %dma_start3A_142 = tpu.memref_slice %arg11[%add3A_134, %dma_start3A_141] : memref<160x125xi32, #tpu.memory_space<vmem>> -> memref<1x125xi32, #tpu.memory_space<vmem>>
      %dma_start3A_143 = tpu.memref_squeeze %dma_start3A_142 : memref<1x125xi32, #tpu.memory_space<vmem>> -> memref<125xi32, #tpu.memory_space<vmem>>
      %dma_start3A_144 = arith.constant 0 : i32
      %dma_start3A_145 = arith.constant 0 : i32
      %dma_start3A_146 = tpu.memref_slice %arg16[%dma_start3A_144, %dma_start3A_145] : memref<10240x64xf32, #tpu.memory_space<vmem_shared>> -> memref<10240x64xf32, #tpu.memory_space<vmem_shared>>
      tpu.enqueue_indirect_dma source(%arg15 : memref<125x64xf32, #tpu.memory_space<vmem>>) target(%dma_start3A_146 : memref<10240x64xf32, #tpu.memory_space<vmem_shared>>) offsets(%dma_start3A_143 : memref<125xi32, #tpu.memory_space<vmem>>) semaphore(%arg24 : memref<!tpu.dma_semaphore, #tpu.memory_space<semaphore_mem>>) {add = true}
      %add3A_147 = arith.constant 4 : i32
      %add3A_148 = arith.addi %mul3A_93, %add3A_147 : i32
      %add3A_149 = arith.constant 0 : i32
      %add3A_150 = arith.addi %add3A_148, %add3A_149 : i32
      %dma_wait3A_151 = arith.constant 0 : i32
      %dma_wait3A_152 = arith.constant 0 : i32
      %dma_wait3A_153 = tpu.memref_slice %arg11[%dma_wait3A_151, %dma_wait3A_152] : memref<160x125xi32, #tpu.memory_space<vmem>> -> memref<1x125xi32, #tpu.memory_space<vmem>>
      %dma_wait3A_154 = tpu.memref_squeeze %dma_wait3A_153 : memref<1x125xi32, #tpu.memory_space<vmem>> -> memref<125xi32, #tpu.memory_space<vmem>>
      %dma_wait3A_155 = arith.constant 0 : i32
      %dma_wait3A_156 = arith.constant 0 : i32
      %dma_wait3A_157 = tpu.memref_slice %arg16[%dma_wait3A_155, %dma_wait3A_156] : memref<10240x64xf32, #tpu.memory_space<vmem_shared>> -> memref<10240x64xf32, #tpu.memory_space<vmem_shared>>
      tpu.wait_indirect_dma semaphore(%arg21 : memref<!tpu.dma_semaphore, #tpu.memory_space<semaphore_mem>>) src(%arg12 : memref<125x64xf32, #tpu.memory_space<vmem>>) dst(%dma_wait3A_157 : memref<10240x64xf32, #tpu.memory_space<vmem_shared>>)
      %lt3A = arith.constant 160 : i32
      %lt3A_158 = arith.cmpi slt, %add3A_150, %lt3A : i32
      %convert_element_type3A_159 = arith.extui %lt3A_158 : i1 to i32
      %cond3A_160 = arith.constant 0 : i32
      %cond3A_161 = arith.cmpi ne, %convert_element_type3A_159, %cond3A_160 : i32
      scf.if %cond3A_161 {
        %eq3A_210 = arith.constant 0 : i32
        %eq3A_211 = arith.cmpi eq, %arg0, %eq3A_210 : i32
        %convert_element_type3A_212 = arith.extui %eq3A_211 : i1 to i32
        %cond3A_213 = arith.constant 0 : i32
        %cond3A_214 = arith.cmpi ne, %convert_element_type3A_212, %cond3A_213 : i32
        scf.if %cond3A_214 {
          %dma_start3A_220 = arith.constant 0 : i32
          %dma_start3A_221 = tpu.memref_slice %arg10[%add3A_150, %dma_start3A_220] : memref<160x125xi32, #tpu.memory_space<vmem>> -> memref<1x125xi32, #tpu.memory_space<vmem>>
          %dma_start3A_222 = tpu.memref_squeeze %dma_start3A_221 : memref<1x125xi32, #tpu.memory_space<vmem>> -> memref<125xi32, #tpu.memory_space<vmem>>
          %dma_start3A_223 = arith.constant 0 : i32
          %dma_start3A_224 = arith.constant 0 : i32
          %dma_start3A_225 = tpu.memref_slice %arg2[%dma_start3A_223, %dma_start3A_224] : memref<10000x64xf32, #tpu.memory_space<hbm>> -> memref<10000x64xf32, #tpu.memory_space<hbm>>
          tpu.enqueue_indirect_dma source(%dma_start3A_225 : memref<10000x64xf32, #tpu.memory_space<hbm>>) target(%arg12 : memref<125x64xf32, #tpu.memory_space<vmem>>) offsets(%dma_start3A_222 : memref<125xi32, #tpu.memory_space<vmem>>) semaphore(%arg17 : memref<!tpu.dma_semaphore, #tpu.memory_space<semaphore_mem>>)
        } else {
        }
        %eq3A_215 = arith.constant 1 : i32
        %eq3A_216 = arith.cmpi eq, %arg0, %eq3A_215 : i32
        %convert_element_type3A_217 = arith.extui %eq3A_216 : i1 to i32
        %cond3A_218 = arith.constant 0 : i32
        %cond3A_219 = arith.cmpi ne, %convert_element_type3A_217, %cond3A_218 : i32
        scf.if %cond3A_219 {
          %dma_start3A_220 = arith.constant 0 : i32
          %dma_start3A_221 = tpu.memref_slice %arg10[%add3A_150, %dma_start3A_220] : memref<160x125xi32, #tpu.memory_space<vmem>> -> memref<1x125xi32, #tpu.memory_space<vmem>>
          %dma_start3A_222 = tpu.memref_squeeze %dma_start3A_221 : memref<1x125xi32, #tpu.memory_space<vmem>> -> memref<125xi32, #tpu.memory_space<vmem>>
          %dma_start3A_223 = arith.constant 0 : i32
          %dma_start3A_224 = arith.constant 0 : i32
          %dma_start3A_225 = tpu.memref_slice %arg3[%dma_start3A_223, %dma_start3A_224] : memref<10000x64xf32, #tpu.memory_space<hbm>> -> memref<10000x64xf32, #tpu.memory_space<hbm>>
          tpu.enqueue_indirect_dma source(%dma_start3A_225 : memref<10000x64xf32, #tpu.memory_space<hbm>>) target(%arg12 : memref<125x64xf32, #tpu.memory_space<vmem>>) offsets(%dma_start3A_222 : memref<125xi32, #tpu.memory_space<vmem>>) semaphore(%arg17 : memref<!tpu.dma_semaphore, #tpu.memory_space<semaphore_mem>>)
        } else {
        }
      } else {
      }
      %add3A_162 = arith.constant 4 : i32
      %add3A_163 = arith.addi %mul3A_93, %add3A_162 : i32
      %add3A_164 = arith.constant 1 : i32
      %add3A_165 = arith.addi %add3A_163, %add3A_164 : i32
      %dma_wait3A_166 = arith.constant 0 : i32
      %dma_wait3A_167 = arith.constant 0 : i32
      %dma_wait3A_168 = tpu.memref_slice %arg11[%dma_wait3A_166, %dma_wait3A_167] : memref<160x125xi32, #tpu.memory_space<vmem>> -> memref<1x125xi32, #tpu.memory_space<vmem>>
      %dma_wait3A_169 = tpu.memref_squeeze %dma_wait3A_168 : memref<1x125xi32, #tpu.memory_space<vmem>> -> memref<125xi32, #tpu.memory_space<vmem>>
      %dma_wait3A_170 = arith.constant 0 : i32
      %dma_wait3A_171 = arith.constant 0 : i32
      %dma_wait3A_172 = tpu.memref_slice %arg16[%dma_wait3A_170, %dma_wait3A_171] : memref<10240x64xf32, #tpu.memory_space<vmem_shared>> -> memref<10240x64xf32, #tpu.memory_space<vmem_shared>>
      tpu.wait_indirect_dma semaphore(%arg22 : memref<!tpu.dma_semaphore, #tpu.memory_space<semaphore_mem>>) src(%arg13 : memref<125x64xf32, #tpu.memory_space<vmem>>) dst(%dma_wait3A_172 : memref<10240x64xf32, #tpu.memory_space<vmem_shared>>)
      %lt3A_173 = arith.constant 160 : i32
      %lt3A_174 = arith.cmpi slt, %add3A_165, %lt3A_173 : i32
      %convert_element_type3A_175 = arith.extui %lt3A_174 : i1 to i32
      %cond3A_176 = arith.constant 0 : i32
      %cond3A_177 = arith.cmpi ne, %convert_element_type3A_175, %cond3A_176 : i32
      scf.if %cond3A_177 {
        %eq3A_210 = arith.constant 0 : i32
        %eq3A_211 = arith.cmpi eq, %arg0, %eq3A_210 : i32
        %convert_element_type3A_212 = arith.extui %eq3A_211 : i1 to i32
        %cond3A_213 = arith.constant 0 : i32
        %cond3A_214 = arith.cmpi ne, %convert_element_type3A_212, %cond3A_213 : i32
        scf.if %cond3A_214 {
          %dma_start3A_220 = arith.constant 0 : i32
          %dma_start3A_221 = tpu.memref_slice %arg10[%add3A_165, %dma_start3A_220] : memref<160x125xi32, #tpu.memory_space<vmem>> -> memref<1x125xi32, #tpu.memory_space<vmem>>
          %dma_start3A_222 = tpu.memref_squeeze %dma_start3A_221 : memref<1x125xi32, #tpu.memory_space<vmem>> -> memref<125xi32, #tpu.memory_space<vmem>>
          %dma_start3A_223 = arith.constant 0 : i32
          %dma_start3A_224 = arith.constant 0 : i32
          %dma_start3A_225 = tpu.memref_slice %arg2[%dma_start3A_223, %dma_start3A_224] : memref<10000x64xf32, #tpu.memory_space<hbm>> -> memref<10000x64xf32, #tpu.memory_space<hbm>>
          tpu.enqueue_indirect_dma source(%dma_start3A_225 : memref<10000x64xf32, #tpu.memory_space<hbm>>) target(%arg13 : memref<125x64xf32, #tpu.memory_space<vmem>>) offsets(%dma_start3A_222 : memref<125xi32, #tpu.memory_space<vmem>>) semaphore(%arg18 : memref<!tpu.dma_semaphore, #tpu.memory_space<semaphore_mem>>)
        } else {
        }
        %eq3A_215 = arith.constant 1 : i32
        %eq3A_216 = arith.cmpi eq, %arg0, %eq3A_215 : i32
        %convert_element_type3A_217 = arith.extui %eq3A_216 : i1 to i32
        %cond3A_218 = arith.constant 0 : i32
        %cond3A_219 = arith.cmpi ne, %convert_element_type3A_217, %cond3A_218 : i32
        scf.if %cond3A_219 {
          %dma_start3A_220 = arith.constant 0 : i32
          %dma_start3A_221 = tpu.memref_slice %arg10[%add3A_165, %dma_start3A_220] : memref<160x125xi32, #tpu.memory_space<vmem>> -> memref<1x125xi32, #tpu.memory_space<vmem>>
          %dma_start3A_222 = tpu.memref_squeeze %dma_start3A_221 : memref<1x125xi32, #tpu.memory_space<vmem>> -> memref<125xi32, #tpu.memory_space<vmem>>
          %dma_start3A_223 = arith.constant 0 : i32
          %dma_start3A_224 = arith.constant 0 : i32
          %dma_start3A_225 = tpu.memref_slice %arg3[%dma_start3A_223, %dma_start3A_224] : memref<10000x64xf32, #tpu.memory_space<hbm>> -> memref<10000x64xf32, #tpu.memory_space<hbm>>
          tpu.enqueue_indirect_dma source(%dma_start3A_225 : memref<10000x64xf32, #tpu.memory_space<hbm>>) target(%arg13 : memref<125x64xf32, #tpu.memory_space<vmem>>) offsets(%dma_start3A_222 : memref<125xi32, #tpu.memory_space<vmem>>) semaphore(%arg18 : memref<!tpu.dma_semaphore, #tpu.memory_space<semaphore_mem>>)
        } else {
        }
      } else {
      }
      %add3A_178 = arith.constant 4 : i32
      %add3A_179 = arith.addi %mul3A_93, %add3A_178 : i32
      %add3A_180 = arith.constant 2 : i32
      %add3A_181 = arith.addi %add3A_179, %add3A_180 : i32
      %dma_wait3A_182 = arith.constant 0 : i32
      %dma_wait3A_183 = arith.constant 0 : i32
      %dma_wait3A_184 = tpu.memref_slice %arg11[%dma_wait3A_182, %dma_wait3A_183] : memref<160x125xi32, #tpu.memory_space<vmem>> -> memref<1x125xi32, #tpu.memory_space<vmem>>
      %dma_wait3A_185 = tpu.memref_squeeze %dma_wait3A_184 : memref<1x125xi32, #tpu.memory_space<vmem>> -> memref<125xi32, #tpu.memory_space<vmem>>
      %dma_wait3A_186 = arith.constant 0 : i32
      %dma_wait3A_187 = arith.constant 0 : i32
      %dma_wait3A_188 = tpu.memref_slice %arg16[%dma_wait3A_186, %dma_wait3A_187] : memref<10240x64xf32, #tpu.memory_space<vmem_shared>> -> memref<10240x64xf32, #tpu.memory_space<vmem_shared>>
      tpu.wait_indirect_dma semaphore(%arg23 : memref<!tpu.dma_semaphore, #tpu.memory_space<semaphore_mem>>) src(%arg14 : memref<125x64xf32, #tpu.memory_space<vmem>>) dst(%dma_wait3A_188 : memref<10240x64xf32, #tpu.memory_space<vmem_shared>>)
      %lt3A_189 = arith.constant 160 : i32
      %lt3A_190 = arith.cmpi slt, %add3A_181, %lt3A_189 : i32
      %convert_element_type3A_191 = arith.extui %lt3A_190 : i1 to i32
      %cond3A_192 = arith.constant 0 : i32
      %cond3A_193 = arith.cmpi ne, %convert_element_type3A_191, %cond3A_192 : i32
      scf.if %cond3A_193 {
        %eq3A_210 = arith.constant 0 : i32
        %eq3A_211 = arith.cmpi eq, %arg0, %eq3A_210 : i32
        %convert_element_type3A_212 = arith.extui %eq3A_211 : i1 to i32
        %cond3A_213 = arith.constant 0 : i32
        %cond3A_214 = arith.cmpi ne, %convert_element_type3A_212, %cond3A_213 : i32
        scf.if %cond3A_214 {
          %dma_start3A_220 = arith.constant 0 : i32
          %dma_start3A_221 = tpu.memref_slice %arg10[%add3A_181, %dma_start3A_220] : memref<160x125xi32, #tpu.memory_space<vmem>> -> memref<1x125xi32, #tpu.memory_space<vmem>>
          %dma_start3A_222 = tpu.memref_squeeze %dma_start3A_221 : memref<1x125xi32, #tpu.memory_space<vmem>> -> memref<125xi32, #tpu.memory_space<vmem>>
          %dma_start3A_223 = arith.constant 0 : i32
          %dma_start3A_224 = arith.constant 0 : i32
          %dma_start3A_225 = tpu.memref_slice %arg2[%dma_start3A_223, %dma_start3A_224] : memref<10000x64xf32, #tpu.memory_space<hbm>> -> memref<10000x64xf32, #tpu.memory_space<hbm>>
          tpu.enqueue_indirect_dma source(%dma_start3A_225 : memref<10000x64xf32, #tpu.memory_space<hbm>>) target(%arg14 : memref<125x64xf32, #tpu.memory_space<vmem>>) offsets(%dma_start3A_222 : memref<125xi32, #tpu.memory_space<vmem>>) semaphore(%arg19 : memref<!tpu.dma_semaphore, #tpu.memory_space<semaphore_mem>>)
        } else {
        }
        %eq3A_215 = arith.constant 1 : i32
        %eq3A_216 = arith.cmpi eq, %arg0, %eq3A_215 : i32
        %convert_element_type3A_217 = arith.extui %eq3A_216 : i1 to i32
        %cond3A_218 = arith.constant 0 : i32
        %cond3A_219 = arith.cmpi ne, %convert_element_type3A_217, %cond3A_218 : i32
        scf.if %cond3A_219 {
          %dma_start3A_220 = arith.constant 0 : i32
          %dma_start3A_221 = tpu.memref_slice %arg10[%add3A_181, %dma_start3A_220] : memref<160x125xi32, #tpu.memory_space<vmem>> -> memref<1x125xi32, #tpu.memory_space<vmem>>
          %dma_start3A_222 = tpu.memref_squeeze %dma_start3A_221 : memref<1x125xi32, #tpu.memory_space<vmem>> -> memref<125xi32, #tpu.memory_space<vmem>>
          %dma_start3A_223 = arith.constant 0 : i32
          %dma_start3A_224 = arith.constant 0 : i32
          %dma_start3A_225 = tpu.memref_slice %arg3[%dma_start3A_223, %dma_start3A_224] : memref<10000x64xf32, #tpu.memory_space<hbm>> -> memref<10000x64xf32, #tpu.memory_space<hbm>>
          tpu.enqueue_indirect_dma source(%dma_start3A_225 : memref<10000x64xf32, #tpu.memory_space<hbm>>) target(%arg14 : memref<125x64xf32, #tpu.memory_space<vmem>>) offsets(%dma_start3A_222 : memref<125xi32, #tpu.memory_space<vmem>>) semaphore(%arg19 : memref<!tpu.dma_semaphore, #tpu.memory_space<semaphore_mem>>)
        } else {
        }
      } else {
      }
      %add3A_194 = arith.constant 4 : i32
      %add3A_195 = arith.addi %mul3A_93, %add3A_194 : i32
      %add3A_196 = arith.constant 3 : i32
      %add3A_197 = arith.addi %add3A_195, %add3A_196 : i32
      %dma_wait3A_198 = arith.constant 0 : i32
      %dma_wait3A_199 = arith.constant 0 : i32
      %dma_wait3A_200 = tpu.memref_slice %arg11[%dma_wait3A_198, %dma_wait3A_199] : memref<160x125xi32, #tpu.memory_space<vmem>> -> memref<1x125xi32, #tpu.memory_space<vmem>>
      %dma_wait3A_201 = tpu.memref_squeeze %dma_wait3A_200 : memref<1x125xi32, #tpu.memory_space<vmem>> -> memref<125xi32, #tpu.memory_space<vmem>>
      %dma_wait3A_202 = arith.constant 0 : i32
      %dma_wait3A_203 = arith.constant 0 : i32
      %dma_wait3A_204 = tpu.memref_slice %arg16[%dma_wait3A_202, %dma_wait3A_203] : memref<10240x64xf32, #tpu.memory_space<vmem_shared>> -> memref<10240x64xf32, #tpu.memory_space<vmem_shared>>
      tpu.wait_indirect_dma semaphore(%arg24 : memref<!tpu.dma_semaphore, #tpu.memory_space<semaphore_mem>>) src(%arg15 : memref<125x64xf32, #tpu.memory_space<vmem>>) dst(%dma_wait3A_204 : memref<10240x64xf32, #tpu.memory_space<vmem_shared>>)
      %lt3A_205 = arith.constant 160 : i32
      %lt3A_206 = arith.cmpi slt, %add3A_197, %lt3A_205 : i32
      %convert_element_type3A_207 = arith.extui %lt3A_206 : i1 to i32
      %cond3A_208 = arith.constant 0 : i32
      %cond3A_209 = arith.cmpi ne, %convert_element_type3A_207, %cond3A_208 : i32
      scf.if %cond3A_209 {
        %eq3A_210 = arith.constant 0 : i32
        %eq3A_211 = arith.cmpi eq, %arg0, %eq3A_210 : i32
        %convert_element_type3A_212 = arith.extui %eq3A_211 : i1 to i32
        %cond3A_213 = arith.constant 0 : i32
        %cond3A_214 = arith.cmpi ne, %convert_element_type3A_212, %cond3A_213 : i32
        scf.if %cond3A_214 {
          %dma_start3A_220 = arith.constant 0 : i32
          %dma_start3A_221 = tpu.memref_slice %arg10[%add3A_197, %dma_start3A_220] : memref<160x125xi32, #tpu.memory_space<vmem>> -> memref<1x125xi32, #tpu.memory_space<vmem>>
          %dma_start3A_222 = tpu.memref_squeeze %dma_start3A_221 : memref<1x125xi32, #tpu.memory_space<vmem>> -> memref<125xi32, #tpu.memory_space<vmem>>
          %dma_start3A_223 = arith.constant 0 : i32
          %dma_start3A_224 = arith.constant 0 : i32
          %dma_start3A_225 = tpu.memref_slice %arg2[%dma_start3A_223, %dma_start3A_224] : memref<10000x64xf32, #tpu.memory_space<hbm>> -> memref<10000x64xf32, #tpu.memory_space<hbm>>
          tpu.enqueue_indirect_dma source(%dma_start3A_225 : memref<10000x64xf32, #tpu.memory_space<hbm>>) target(%arg15 : memref<125x64xf32, #tpu.memory_space<vmem>>) offsets(%dma_start3A_222 : memref<125xi32, #tpu.memory_space<vmem>>) semaphore(%arg20 : memref<!tpu.dma_semaphore, #tpu.memory_space<semaphore_mem>>)
        } else {
        }
        %eq3A_215 = arith.constant 1 : i32
        %eq3A_216 = arith.cmpi eq, %arg0, %eq3A_215 : i32
        %convert_element_type3A_217 = arith.extui %eq3A_216 : i1 to i32
        %cond3A_218 = arith.constant 0 : i32
        %cond3A_219 = arith.cmpi ne, %convert_element_type3A_217, %cond3A_218 : i32
        scf.if %cond3A_219 {
          %dma_start3A_220 = arith.constant 0 : i32
          %dma_start3A_221 = tpu.memref_slice %arg10[%add3A_197, %dma_start3A_220] : memref<160x125xi32, #tpu.memory_space<vmem>> -> memref<1x125xi32, #tpu.memory_space<vmem>>
          %dma_start3A_222 = tpu.memref_squeeze %dma_start3A_221 : memref<1x125xi32, #tpu.memory_space<vmem>> -> memref<125xi32, #tpu.memory_space<vmem>>
          %dma_start3A_223 = arith.constant 0 : i32
          %dma_start3A_224 = arith.constant 0 : i32
          %dma_start3A_225 = tpu.memref_slice %arg3[%dma_start3A_223, %dma_start3A_224] : memref<10000x64xf32, #tpu.memory_space<hbm>> -> memref<10000x64xf32, #tpu.memory_space<hbm>>
          tpu.enqueue_indirect_dma source(%dma_start3A_225 : memref<10000x64xf32, #tpu.memory_space<hbm>>) target(%arg15 : memref<125x64xf32, #tpu.memory_space<vmem>>) offsets(%dma_start3A_222 : memref<125xi32, #tpu.memory_space<vmem>>) semaphore(%arg20 : memref<!tpu.dma_semaphore, #tpu.memory_space<semaphore_mem>>)
        } else {
        }
      } else {
      }
    }
    %scan3A_41 = arith.constant 40 : i32
    %barrier3A_42 = arith.constant 0 : index
    tpu.barrier barrier_id(%barrier3A_42)
    %run_scoped3A = arith.constant 0 : i32
    "tpu.region"() ({
      %run_scoped3A_91 = tpu.sem_alloc : memref<!tpu.dma_semaphore, #tpu.memory_space<semaphore_mem>>
      %dma_start3A = arith.constant 0 : i32
      %dma_start3A_92 = tpu.memref_slice %arg9[%run_scoped3A, %arg0, %mul3A_0, %dma_start3A] : memref<2x2x10240x64xf32, #tpu.memory_space<hbm>> -> memref<1x1x640x64xf32, #tpu.memory_space<hbm>>
      %dma_start3A_93 = tpu.memref_squeeze %dma_start3A_92 : memref<1x1x640x64xf32, #tpu.memory_space<hbm>> -> memref<640x64xf32, #tpu.memory_space<hbm>>
      %dma_start3A_94 = arith.constant 0 : i32
      %dma_start3A_95 = tpu.memref_slice %arg16[%mul3A_0, %dma_start3A_94] : memref<10240x64xf32, #tpu.memory_space<vmem_shared>> -> memref<640x64xf32, #tpu.memory_space<vmem_shared>>
      tpu.enqueue_dma source(%dma_start3A_95 : memref<640x64xf32, #tpu.memory_space<vmem_shared>>) target(%dma_start3A_93 : memref<640x64xf32, #tpu.memory_space<hbm>>) target_semaphore(%run_scoped3A_91 : memref<!tpu.dma_semaphore, #tpu.memory_space<semaphore_mem>>)
      %dma_wait3A = arith.constant 0 : i32
      %dma_wait3A_96 = tpu.memref_slice %arg9[%run_scoped3A, %arg0, %mul3A_0, %dma_wait3A] : memref<2x2x10240x64xf32, #tpu.memory_space<hbm>> -> memref<1x1x640x64xf32, #tpu.memory_space<hbm>>
      %dma_wait3A_97 = tpu.memref_squeeze %dma_wait3A_96 : memref<1x1x640x64xf32, #tpu.memory_space<hbm>> -> memref<640x64xf32, #tpu.memory_space<hbm>>
      %dma_wait3A_98 = arith.constant 0 : i32
      %dma_wait3A_99 = tpu.memref_slice %arg16[%mul3A_0, %dma_wait3A_98] : memref<10240x64xf32, #tpu.memory_space<vmem_shared>> -> memref<640x64xf32, #tpu.memory_space<vmem_shared>>
      tpu.wait_dma2 semaphore(%run_scoped3A_91 : memref<!tpu.dma_semaphore, #tpu.memory_space<semaphore_mem>>) src(%dma_wait3A_99 : memref<640x64xf32, #tpu.memory_space<vmem_shared>>) dst(%dma_wait3A_97 : memref<640x64xf32, #tpu.memory_space<hbm>>)
      tpu.yield
    }) : () -> ()
    "tpu.region"() ({
      %run_scoped3A_91 = tpu.sem_alloc : memref<!tpu.dma_semaphore, #tpu.memory_space<semaphore_mem>>
      %dma_start3A = arith.constant 0 : i32
      %dma_start3A_92 = tpu.memref_slice %arg16[%mul3A_0, %dma_start3A] : memref<10240x64xf32, #tpu.memory_space<vmem_shared>> -> memref<640x64xf32, #tpu.memory_space<vmem_shared>>
      tpu.enqueue_dma source(%arg8 : memref<640x64xf32, #tpu.memory_space<hbm>>) target(%dma_start3A_92 : memref<640x64xf32, #tpu.memory_space<vmem_shared>>) target_semaphore(%run_scoped3A_91 : memref<!tpu.dma_semaphore, #tpu.memory_space<semaphore_mem>>)
      %dma_wait3A = arith.constant 0 : i32
      %dma_wait3A_93 = tpu.memref_slice %arg16[%mul3A_0, %dma_wait3A] : memref<10240x64xf32, #tpu.memory_space<vmem_shared>> -> memref<640x64xf32, #tpu.memory_space<vmem_shared>>
      tpu.wait_dma2 semaphore(%run_scoped3A_91 : memref<!tpu.dma_semaphore, #tpu.memory_space<semaphore_mem>>) src(%arg8 : memref<640x64xf32, #tpu.memory_space<hbm>>) dst(%dma_wait3A_93 : memref<640x64xf32, #tpu.memory_space<vmem_shared>>)
      tpu.yield
    }) : () -> ()
    %barrier3A_43 = arith.constant 0 : index
    tpu.barrier barrier_id(%barrier3A_43)
    %eq3A_44 = arith.constant 0 : i32
    %eq3A_45 = arith.cmpi eq, %arg0, %eq3A_44 : i32
    %convert_element_type3A_46 = arith.extui %eq3A_45 : i1 to i32
    %cond3A_47 = arith.constant 0 : i32
    %cond3A_48 = arith.cmpi ne, %convert_element_type3A_46, %cond3A_47 : i32
    scf.if %cond3A_48 {
      %dma_start3A = arith.constant 0 : i32
      %dma_start3A_91 = arith.constant 0 : i32
      %dma_start3A_92 = tpu.memref_slice %arg10[%dma_start3A, %dma_start3A_91] : memref<160x125xi32, #tpu.memory_space<vmem>> -> memref<1x125xi32, #tpu.memory_space<vmem>>
      %dma_start3A_93 = tpu.memref_squeeze %dma_start3A_92 : memref<1x125xi32, #tpu.memory_space<vmem>> -> memref<125xi32, #tpu.memory_space<vmem>>
      %dma_start3A_94 = arith.constant 0 : i32
      %dma_start3A_95 = arith.constant 0 : i32
      %dma_start3A_96 = tpu.memref_slice %arg4[%dma_start3A_94, %dma_start3A_95] : memref<10000x64xf32, #tpu.memory_space<hbm>> -> memref<10000x64xf32, #tpu.memory_space<hbm>>
      tpu.enqueue_indirect_dma source(%dma_start3A_96 : memref<10000x64xf32, #tpu.memory_space<hbm>>) target(%arg12 : memref<125x64xf32, #tpu.memory_space<vmem>>) offsets(%dma_start3A_93 : memref<125xi32, #tpu.memory_space<vmem>>) semaphore(%arg17 : memref<!tpu.dma_semaphore, #tpu.memory_space<semaphore_mem>>)
    } else {
    }
    %eq3A_49 = arith.constant 1 : i32
    %eq3A_50 = arith.cmpi eq, %arg0, %eq3A_49 : i32
    %convert_element_type3A_51 = arith.extui %eq3A_50 : i1 to i32
    %cond3A_52 = arith.constant 0 : i32
    %cond3A_53 = arith.cmpi ne, %convert_element_type3A_51, %cond3A_52 : i32
    scf.if %cond3A_53 {
      %dma_start3A = arith.constant 0 : i32
      %dma_start3A_91 = arith.constant 0 : i32
      %dma_start3A_92 = tpu.memref_slice %arg10[%dma_start3A, %dma_start3A_91] : memref<160x125xi32, #tpu.memory_space<vmem>> -> memref<1x125xi32, #tpu.memory_space<vmem>>
      %dma_start3A_93 = tpu.memref_squeeze %dma_start3A_92 : memref<1x125xi32, #tpu.memory_space<vmem>> -> memref<125xi32, #tpu.memory_space<vmem>>
      %dma_start3A_94 = arith.constant 0 : i32
      %dma_start3A_95 = arith.constant 0 : i32
      %dma_start3A_96 = tpu.memref_slice %arg5[%dma_start3A_94, %dma_start3A_95] : memref<10000x64xf32, #tpu.memory_space<hbm>> -> memref<10000x64xf32, #tpu.memory_space<hbm>>
      tpu.enqueue_indirect_dma source(%dma_start3A_96 : memref<10000x64xf32, #tpu.memory_space<hbm>>) target(%arg12 : memref<125x64xf32, #tpu.memory_space<vmem>>) offsets(%dma_start3A_93 : memref<125xi32, #tpu.memory_space<vmem>>) semaphore(%arg17 : memref<!tpu.dma_semaphore, #tpu.memory_space<semaphore_mem>>)
    } else {
    }
    %eq3A_54 = arith.constant 0 : i32
    %eq3A_55 = arith.cmpi eq, %arg0, %eq3A_54 : i32
    %convert_element_type3A_56 = arith.extui %eq3A_55 : i1 to i32
    %cond3A_57 = arith.constant 0 : i32
    %cond3A_58 = arith.cmpi ne, %convert_element_type3A_56, %cond3A_57 : i32
    scf.if %cond3A_58 {
      %dma_start3A = arith.constant 1 : i32
      %dma_start3A_91 = arith.constant 0 : i32
      %dma_start3A_92 = tpu.memref_slice %arg10[%dma_start3A, %dma_start3A_91] : memref<160x125xi32, #tpu.memory_space<vmem>> -> memref<1x125xi32, #tpu.memory_space<vmem>>
      %dma_start3A_93 = tpu.memref_squeeze %dma_start3A_92 : memref<1x125xi32, #tpu.memory_space<vmem>> -> memref<125xi32, #tpu.memory_space<vmem>>
      %dma_start3A_94 = arith.constant 0 : i32
      %dma_start3A_95 = arith.constant 0 : i32
      %dma_start3A_96 = tpu.memref_slice %arg4[%dma_start3A_94, %dma_start3A_95] : memref<10000x64xf32, #tpu.memory_space<hbm>> -> memref<10000x64xf32, #tpu.memory_space<hbm>>
      tpu.enqueue_indirect_dma source(%dma_start3A_96 : memref<10000x64xf32, #tpu.memory_space<hbm>>) target(%arg13 : memref<125x64xf32, #tpu.memory_space<vmem>>) offsets(%dma_start3A_93 : memref<125xi32, #tpu.memory_space<vmem>>) semaphore(%arg18 : memref<!tpu.dma_semaphore, #tpu.memory_space<semaphore_mem>>)
    } else {
    }
    %eq3A_59 = arith.constant 1 : i32
    %eq3A_60 = arith.cmpi eq, %arg0, %eq3A_59 : i32
    %convert_element_type3A_61 = arith.extui %eq3A_60 : i1 to i32
    %cond3A_62 = arith.constant 0 : i32
    %cond3A_63 = arith.cmpi ne, %convert_element_type3A_61, %cond3A_62 : i32
    scf.if %cond3A_63 {
      %dma_start3A = arith.constant 1 : i32
      %dma_start3A_91 = arith.constant 0 : i32
      %dma_start3A_92 = tpu.memref_slice %arg10[%dma_start3A, %dma_start3A_91] : memref<160x125xi32, #tpu.memory_space<vmem>> -> memref<1x125xi32, #tpu.memory_space<vmem>>
      %dma_start3A_93 = tpu.memref_squeeze %dma_start3A_92 : memref<1x125xi32, #tpu.memory_space<vmem>> -> memref<125xi32, #tpu.memory_space<vmem>>
      %dma_start3A_94 = arith.constant 0 : i32
      %dma_start3A_95 = arith.constant 0 : i32
      %dma_start3A_96 = tpu.memref_slice %arg5[%dma_start3A_94, %dma_start3A_95] : memref<10000x64xf32, #tpu.memory_space<hbm>> -> memref<10000x64xf32, #tpu.memory_space<hbm>>
      tpu.enqueue_indirect_dma source(%dma_start3A_96 : memref<10000x64xf32, #tpu.memory_space<hbm>>) target(%arg13 : memref<125x64xf32, #tpu.memory_space<vmem>>) offsets(%dma_start3A_93 : memref<125xi32, #tpu.memory_space<vmem>>) semaphore(%arg18 : memref<!tpu.dma_semaphore, #tpu.memory_space<semaphore_mem>>)
    } else {
    }
    %eq3A_64 = arith.constant 0 : i32
    %eq3A_65 = arith.cmpi eq, %arg0, %eq3A_64 : i32
    %convert_element_type3A_66 = arith.extui %eq3A_65 : i1 to i32
    %cond3A_67 = arith.constant 0 : i32
    %cond3A_68 = arith.cmpi ne, %convert_element_type3A_66, %cond3A_67 : i32
    scf.if %cond3A_68 {
      %dma_start3A = arith.constant 2 : i32
      %dma_start3A_91 = arith.constant 0 : i32
      %dma_start3A_92 = tpu.memref_slice %arg10[%dma_start3A, %dma_start3A_91] : memref<160x125xi32, #tpu.memory_space<vmem>> -> memref<1x125xi32, #tpu.memory_space<vmem>>
      %dma_start3A_93 = tpu.memref_squeeze %dma_start3A_92 : memref<1x125xi32, #tpu.memory_space<vmem>> -> memref<125xi32, #tpu.memory_space<vmem>>
      %dma_start3A_94 = arith.constant 0 : i32
      %dma_start3A_95 = arith.constant 0 : i32
      %dma_start3A_96 = tpu.memref_slice %arg4[%dma_start3A_94, %dma_start3A_95] : memref<10000x64xf32, #tpu.memory_space<hbm>> -> memref<10000x64xf32, #tpu.memory_space<hbm>>
      tpu.enqueue_indirect_dma source(%dma_start3A_96 : memref<10000x64xf32, #tpu.memory_space<hbm>>) target(%arg14 : memref<125x64xf32, #tpu.memory_space<vmem>>) offsets(%dma_start3A_93 : memref<125xi32, #tpu.memory_space<vmem>>) semaphore(%arg19 : memref<!tpu.dma_semaphore, #tpu.memory_space<semaphore_mem>>)
    } else {
    }
    %eq3A_69 = arith.constant 1 : i32
    %eq3A_70 = arith.cmpi eq, %arg0, %eq3A_69 : i32
    %convert_element_type3A_71 = arith.extui %eq3A_70 : i1 to i32
    %cond3A_72 = arith.constant 0 : i32
    %cond3A_73 = arith.cmpi ne, %convert_element_type3A_71, %cond3A_72 : i32
    scf.if %cond3A_73 {
      %dma_start3A = arith.constant 2 : i32
      %dma_start3A_91 = arith.constant 0 : i32
      %dma_start3A_92 = tpu.memref_slice %arg10[%dma_start3A, %dma_start3A_91] : memref<160x125xi32, #tpu.memory_space<vmem>> -> memref<1x125xi32, #tpu.memory_space<vmem>>
      %dma_start3A_93 = tpu.memref_squeeze %dma_start3A_92 : memref<1x125xi32, #tpu.memory_space<vmem>> -> memref<125xi32, #tpu.memory_space<vmem>>
      %dma_start3A_94 = arith.constant 0 : i32
      %dma_start3A_95 = arith.constant 0 : i32
      %dma_start3A_96 = tpu.memref_slice %arg5[%dma_start3A_94, %dma_start3A_95] : memref<10000x64xf32, #tpu.memory_space<hbm>> -> memref<10000x64xf32, #tpu.memory_space<hbm>>
      tpu.enqueue_indirect_dma source(%dma_start3A_96 : memref<10000x64xf32, #tpu.memory_space<hbm>>) target(%arg14 : memref<125x64xf32, #tpu.memory_space<vmem>>) offsets(%dma_start3A_93 : memref<125xi32, #tpu.memory_space<vmem>>) semaphore(%arg19 : memref<!tpu.dma_semaphore, #tpu.memory_space<semaphore_mem>>)
    } else {
    }
    %eq3A_74 = arith.constant 0 : i32
    %eq3A_75 = arith.cmpi eq, %arg0, %eq3A_74 : i32
    %convert_element_type3A_76 = arith.extui %eq3A_75 : i1 to i32
    %cond3A_77 = arith.constant 0 : i32
    %cond3A_78 = arith.cmpi ne, %convert_element_type3A_76, %cond3A_77 : i32
    scf.if %cond3A_78 {
      %dma_start3A = arith.constant 3 : i32
      %dma_start3A_91 = arith.constant 0 : i32
      %dma_start3A_92 = tpu.memref_slice %arg10[%dma_start3A, %dma_start3A_91] : memref<160x125xi32, #tpu.memory_space<vmem>> -> memref<1x125xi32, #tpu.memory_space<vmem>>
      %dma_start3A_93 = tpu.memref_squeeze %dma_start3A_92 : memref<1x125xi32, #tpu.memory_space<vmem>> -> memref<125xi32, #tpu.memory_space<vmem>>
      %dma_start3A_94 = arith.constant 0 : i32
      %dma_start3A_95 = arith.constant 0 : i32
      %dma_start3A_96 = tpu.memref_slice %arg4[%dma_start3A_94, %dma_start3A_95] : memref<10000x64xf32, #tpu.memory_space<hbm>> -> memref<10000x64xf32, #tpu.memory_space<hbm>>
      tpu.enqueue_indirect_dma source(%dma_start3A_96 : memref<10000x64xf32, #tpu.memory_space<hbm>>) target(%arg15 : memref<125x64xf32, #tpu.memory_space<vmem>>) offsets(%dma_start3A_93 : memref<125xi32, #tpu.memory_space<vmem>>) semaphore(%arg20 : memref<!tpu.dma_semaphore, #tpu.memory_space<semaphore_mem>>)
    } else {
    }
    %eq3A_79 = arith.constant 1 : i32
    %eq3A_80 = arith.cmpi eq, %arg0, %eq3A_79 : i32
    %convert_element_type3A_81 = arith.extui %eq3A_80 : i1 to i32
    %cond3A_82 = arith.constant 0 : i32
    %cond3A_83 = arith.cmpi ne, %convert_element_type3A_81, %cond3A_82 : i32
    scf.if %cond3A_83 {
      %dma_start3A = arith.constant 3 : i32
      %dma_start3A_91 = arith.constant 0 : i32
      %dma_start3A_92 = tpu.memref_slice %arg10[%dma_start3A, %dma_start3A_91] : memref<160x125xi32, #tpu.memory_space<vmem>> -> memref<1x125xi32, #tpu.memory_space<vmem>>
      %dma_start3A_93 = tpu.memref_squeeze %dma_start3A_92 : memref<1x125xi32, #tpu.memory_space<vmem>> -> memref<125xi32, #tpu.memory_space<vmem>>
      %dma_start3A_94 = arith.constant 0 : i32
      %dma_start3A_95 = arith.constant 0 : i32
      %dma_start3A_96 = tpu.memref_slice %arg5[%dma_start3A_94, %dma_start3A_95] : memref<10000x64xf32, #tpu.memory_space<hbm>> -> memref<10000x64xf32, #tpu.memory_space<hbm>>
      tpu.enqueue_indirect_dma source(%dma_start3A_96 : memref<10000x64xf32, #tpu.memory_space<hbm>>) target(%arg15 : memref<125x64xf32, #tpu.memory_space<vmem>>) offsets(%dma_start3A_93 : memref<125xi32, #tpu.memory_space<vmem>>) semaphore(%arg20 : memref<!tpu.dma_semaphore, #tpu.memory_space<semaphore_mem>>)
    } else {
    }
    %scan3A_84 = arith.constant 0 : i32
    %scan3A_85 = arith.constant 40 : i32
    %scan3A_86 = arith.addi %scan3A_84, %scan3A_85 : i32
    %scan3A_87 = arith.constant 1 : i32
    scf.for %scan3A_91 = %scan3A_84 to %scan3A_86 step %scan3A_87  : i32 {
      %mul3A_92 = arith.constant 4 : i32
      %mul3A_93 = arith.muli %scan3A_91, %mul3A_92 : i32
      %add3A = arith.constant 0 : i32
      %add3A_94 = arith.addi %mul3A_93, %add3A : i32
      %dma_wait3A = arith.constant 0 : i32
      %dma_wait3A_95 = tpu.memref_slice %arg10[%add3A_94, %dma_wait3A] : memref<160x125xi32, #tpu.memory_space<vmem>> -> memref<1x125xi32, #tpu.memory_space<vmem>>
      %dma_wait3A_96 = tpu.memref_squeeze %dma_wait3A_95 : memref<1x125xi32, #tpu.memory_space<vmem>> -> memref<125xi32, #tpu.memory_space<vmem>>
      %dma_wait3A_97 = arith.constant 0 : i32
      %dma_wait3A_98 = arith.constant 0 : i32
      %dma_wait3A_99 = tpu.memref_slice %arg4[%dma_wait3A_97, %dma_wait3A_98] : memref<10000x64xf32, #tpu.memory_space<hbm>> -> memref<10000x64xf32, #tpu.memory_space<hbm>>
      tpu.wait_indirect_dma semaphore(%arg17 : memref<!tpu.dma_semaphore, #tpu.memory_space<semaphore_mem>>) src(%dma_wait3A_99 : memref<10000x64xf32, #tpu.memory_space<hbm>>) dst(%arg12 : memref<125x64xf32, #tpu.memory_space<vmem>>)
      %dma_start3A = arith.constant 0 : i32
      %dma_start3A_100 = tpu.memref_slice %arg11[%add3A_94, %dma_start3A] : memref<160x125xi32, #tpu.memory_space<vmem>> -> memref<1x125xi32, #tpu.memory_space<vmem>>
      %dma_start3A_101 = tpu.memref_squeeze %dma_start3A_100 : memref<1x125xi32, #tpu.memory_space<vmem>> -> memref<125xi32, #tpu.memory_space<vmem>>
      %dma_start3A_102 = arith.constant 0 : i32
      %dma_start3A_103 = arith.constant 0 : i32
      %dma_start3A_104 = tpu.memref_slice %arg16[%dma_start3A_102, %dma_start3A_103] : memref<10240x64xf32, #tpu.memory_space<vmem_shared>> -> memref<10240x64xf32, #tpu.memory_space<vmem_shared>>
      tpu.enqueue_indirect_dma source(%arg12 : memref<125x64xf32, #tpu.memory_space<vmem>>) target(%dma_start3A_104 : memref<10240x64xf32, #tpu.memory_space<vmem_shared>>) offsets(%dma_start3A_101 : memref<125xi32, #tpu.memory_space<vmem>>) semaphore(%arg21 : memref<!tpu.dma_semaphore, #tpu.memory_space<semaphore_mem>>) {add = true}
      %add3A_105 = arith.constant 1 : i32
      %add3A_106 = arith.addi %mul3A_93, %add3A_105 : i32
      %dma_wait3A_107 = arith.constant 0 : i32
      %dma_wait3A_108 = tpu.memref_slice %arg10[%add3A_106, %dma_wait3A_107] : memref<160x125xi32, #tpu.memory_space<vmem>> -> memref<1x125xi32, #tpu.memory_space<vmem>>
      %dma_wait3A_109 = tpu.memref_squeeze %dma_wait3A_108 : memref<1x125xi32, #tpu.memory_space<vmem>> -> memref<125xi32, #tpu.memory_space<vmem>>
      %dma_wait3A_110 = arith.constant 0 : i32
      %dma_wait3A_111 = arith.constant 0 : i32
      %dma_wait3A_112 = tpu.memref_slice %arg4[%dma_wait3A_110, %dma_wait3A_111] : memref<10000x64xf32, #tpu.memory_space<hbm>> -> memref<10000x64xf32, #tpu.memory_space<hbm>>
      tpu.wait_indirect_dma semaphore(%arg18 : memref<!tpu.dma_semaphore, #tpu.memory_space<semaphore_mem>>) src(%dma_wait3A_112 : memref<10000x64xf32, #tpu.memory_space<hbm>>) dst(%arg13 : memref<125x64xf32, #tpu.memory_space<vmem>>)
      %dma_start3A_113 = arith.constant 0 : i32
      %dma_start3A_114 = tpu.memref_slice %arg11[%add3A_106, %dma_start3A_113] : memref<160x125xi32, #tpu.memory_space<vmem>> -> memref<1x125xi32, #tpu.memory_space<vmem>>
      %dma_start3A_115 = tpu.memref_squeeze %dma_start3A_114 : memref<1x125xi32, #tpu.memory_space<vmem>> -> memref<125xi32, #tpu.memory_space<vmem>>
      %dma_start3A_116 = arith.constant 0 : i32
      %dma_start3A_117 = arith.constant 0 : i32
      %dma_start3A_118 = tpu.memref_slice %arg16[%dma_start3A_116, %dma_start3A_117] : memref<10240x64xf32, #tpu.memory_space<vmem_shared>> -> memref<10240x64xf32, #tpu.memory_space<vmem_shared>>
      tpu.enqueue_indirect_dma source(%arg13 : memref<125x64xf32, #tpu.memory_space<vmem>>) target(%dma_start3A_118 : memref<10240x64xf32, #tpu.memory_space<vmem_shared>>) offsets(%dma_start3A_115 : memref<125xi32, #tpu.memory_space<vmem>>) semaphore(%arg22 : memref<!tpu.dma_semaphore, #tpu.memory_space<semaphore_mem>>) {add = true}
      %add3A_119 = arith.constant 2 : i32
      %add3A_120 = arith.addi %mul3A_93, %add3A_119 : i32
      %dma_wait3A_121 = arith.constant 0 : i32
      %dma_wait3A_122 = tpu.memref_slice %arg10[%add3A_120, %dma_wait3A_121] : memref<160x125xi32, #tpu.memory_space<vmem>> -> memref<1x125xi32, #tpu.memory_space<vmem>>
      %dma_wait3A_123 = tpu.memref_squeeze %dma_wait3A_122 : memref<1x125xi32, #tpu.memory_space<vmem>> -> memref<125xi32, #tpu.memory_space<vmem>>
      %dma_wait3A_124 = arith.constant 0 : i32
      %dma_wait3A_125 = arith.constant 0 : i32
      %dma_wait3A_126 = tpu.memref_slice %arg4[%dma_wait3A_124, %dma_wait3A_125] : memref<10000x64xf32, #tpu.memory_space<hbm>> -> memref<10000x64xf32, #tpu.memory_space<hbm>>
      tpu.wait_indirect_dma semaphore(%arg19 : memref<!tpu.dma_semaphore, #tpu.memory_space<semaphore_mem>>) src(%dma_wait3A_126 : memref<10000x64xf32, #tpu.memory_space<hbm>>) dst(%arg14 : memref<125x64xf32, #tpu.memory_space<vmem>>)
      %dma_start3A_127 = arith.constant 0 : i32
      %dma_start3A_128 = tpu.memref_slice %arg11[%add3A_120, %dma_start3A_127] : memref<160x125xi32, #tpu.memory_space<vmem>> -> memref<1x125xi32, #tpu.memory_space<vmem>>
      %dma_start3A_129 = tpu.memref_squeeze %dma_start3A_128 : memref<1x125xi32, #tpu.memory_space<vmem>> -> memref<125xi32, #tpu.memory_space<vmem>>
      %dma_start3A_130 = arith.constant 0 : i32
      %dma_start3A_131 = arith.constant 0 : i32
      %dma_start3A_132 = tpu.memref_slice %arg16[%dma_start3A_130, %dma_start3A_131] : memref<10240x64xf32, #tpu.memory_space<vmem_shared>> -> memref<10240x64xf32, #tpu.memory_space<vmem_shared>>
      tpu.enqueue_indirect_dma source(%arg14 : memref<125x64xf32, #tpu.memory_space<vmem>>) target(%dma_start3A_132 : memref<10240x64xf32, #tpu.memory_space<vmem_shared>>) offsets(%dma_start3A_129 : memref<125xi32, #tpu.memory_space<vmem>>) semaphore(%arg23 : memref<!tpu.dma_semaphore, #tpu.memory_space<semaphore_mem>>) {add = true}
      %add3A_133 = arith.constant 3 : i32
      %add3A_134 = arith.addi %mul3A_93, %add3A_133 : i32
      %dma_wait3A_135 = arith.constant 0 : i32
      %dma_wait3A_136 = tpu.memref_slice %arg10[%add3A_134, %dma_wait3A_135] : memref<160x125xi32, #tpu.memory_space<vmem>> -> memref<1x125xi32, #tpu.memory_space<vmem>>
      %dma_wait3A_137 = tpu.memref_squeeze %dma_wait3A_136 : memref<1x125xi32, #tpu.memory_space<vmem>> -> memref<125xi32, #tpu.memory_space<vmem>>
      %dma_wait3A_138 = arith.constant 0 : i32
      %dma_wait3A_139 = arith.constant 0 : i32
      %dma_wait3A_140 = tpu.memref_slice %arg4[%dma_wait3A_138, %dma_wait3A_139] : memref<10000x64xf32, #tpu.memory_space<hbm>> -> memref<10000x64xf32, #tpu.memory_space<hbm>>
      tpu.wait_indirect_dma semaphore(%arg20 : memref<!tpu.dma_semaphore, #tpu.memory_space<semaphore_mem>>) src(%dma_wait3A_140 : memref<10000x64xf32, #tpu.memory_space<hbm>>) dst(%arg15 : memref<125x64xf32, #tpu.memory_space<vmem>>)
      %dma_start3A_141 = arith.constant 0 : i32
      %dma_start3A_142 = tpu.memref_slice %arg11[%add3A_134, %dma_start3A_141] : memref<160x125xi32, #tpu.memory_space<vmem>> -> memref<1x125xi32, #tpu.memory_space<vmem>>
      %dma_start3A_143 = tpu.memref_squeeze %dma_start3A_142 : memref<1x125xi32, #tpu.memory_space<vmem>> -> memref<125xi32, #tpu.memory_space<vmem>>
      %dma_start3A_144 = arith.constant 0 : i32
      %dma_start3A_145 = arith.constant 0 : i32
      %dma_start3A_146 = tpu.memref_slice %arg16[%dma_start3A_144, %dma_start3A_145] : memref<10240x64xf32, #tpu.memory_space<vmem_shared>> -> memref<10240x64xf32, #tpu.memory_space<vmem_shared>>
      tpu.enqueue_indirect_dma source(%arg15 : memref<125x64xf32, #tpu.memory_space<vmem>>) target(%dma_start3A_146 : memref<10240x64xf32, #tpu.memory_space<vmem_shared>>) offsets(%dma_start3A_143 : memref<125xi32, #tpu.memory_space<vmem>>) semaphore(%arg24 : memref<!tpu.dma_semaphore, #tpu.memory_space<semaphore_mem>>) {add = true}
      %add3A_147 = arith.constant 4 : i32
      %add3A_148 = arith.addi %mul3A_93, %add3A_147 : i32
      %add3A_149 = arith.constant 0 : i32
      %add3A_150 = arith.addi %add3A_148, %add3A_149 : i32
      %dma_wait3A_151 = arith.constant 0 : i32
      %dma_wait3A_152 = arith.constant 0 : i32
      %dma_wait3A_153 = tpu.memref_slice %arg11[%dma_wait3A_151, %dma_wait3A_152] : memref<160x125xi32, #tpu.memory_space<vmem>> -> memref<1x125xi32, #tpu.memory_space<vmem>>
      %dma_wait3A_154 = tpu.memref_squeeze %dma_wait3A_153 : memref<1x125xi32, #tpu.memory_space<vmem>> -> memref<125xi32, #tpu.memory_space<vmem>>
      %dma_wait3A_155 = arith.constant 0 : i32
      %dma_wait3A_156 = arith.constant 0 : i32
      %dma_wait3A_157 = tpu.memref_slice %arg16[%dma_wait3A_155, %dma_wait3A_156] : memref<10240x64xf32, #tpu.memory_space<vmem_shared>> -> memref<10240x64xf32, #tpu.memory_space<vmem_shared>>
      tpu.wait_indirect_dma semaphore(%arg21 : memref<!tpu.dma_semaphore, #tpu.memory_space<semaphore_mem>>) src(%arg12 : memref<125x64xf32, #tpu.memory_space<vmem>>) dst(%dma_wait3A_157 : memref<10240x64xf32, #tpu.memory_space<vmem_shared>>)
      %lt3A = arith.constant 160 : i32
      %lt3A_158 = arith.cmpi slt, %add3A_150, %lt3A : i32
      %convert_element_type3A_159 = arith.extui %lt3A_158 : i1 to i32
      %cond3A_160 = arith.constant 0 : i32
      %cond3A_161 = arith.cmpi ne, %convert_element_type3A_159, %cond3A_160 : i32
      scf.if %cond3A_161 {
        %eq3A_210 = arith.constant 0 : i32
        %eq3A_211 = arith.cmpi eq, %arg0, %eq3A_210 : i32
        %convert_element_type3A_212 = arith.extui %eq3A_211 : i1 to i32
        %cond3A_213 = arith.constant 0 : i32
        %cond3A_214 = arith.cmpi ne, %convert_element_type3A_212, %cond3A_213 : i32
        scf.if %cond3A_214 {
          %dma_start3A_220 = arith.constant 0 : i32
          %dma_start3A_221 = tpu.memref_slice %arg10[%add3A_150, %dma_start3A_220] : memref<160x125xi32, #tpu.memory_space<vmem>> -> memref<1x125xi32, #tpu.memory_space<vmem>>
          %dma_start3A_222 = tpu.memref_squeeze %dma_start3A_221 : memref<1x125xi32, #tpu.memory_space<vmem>> -> memref<125xi32, #tpu.memory_space<vmem>>
          %dma_start3A_223 = arith.constant 0 : i32
          %dma_start3A_224 = arith.constant 0 : i32
          %dma_start3A_225 = tpu.memref_slice %arg4[%dma_start3A_223, %dma_start3A_224] : memref<10000x64xf32, #tpu.memory_space<hbm>> -> memref<10000x64xf32, #tpu.memory_space<hbm>>
          tpu.enqueue_indirect_dma source(%dma_start3A_225 : memref<10000x64xf32, #tpu.memory_space<hbm>>) target(%arg12 : memref<125x64xf32, #tpu.memory_space<vmem>>) offsets(%dma_start3A_222 : memref<125xi32, #tpu.memory_space<vmem>>) semaphore(%arg17 : memref<!tpu.dma_semaphore, #tpu.memory_space<semaphore_mem>>)
        } else {
        }
        %eq3A_215 = arith.constant 1 : i32
        %eq3A_216 = arith.cmpi eq, %arg0, %eq3A_215 : i32
        %convert_element_type3A_217 = arith.extui %eq3A_216 : i1 to i32
        %cond3A_218 = arith.constant 0 : i32
        %cond3A_219 = arith.cmpi ne, %convert_element_type3A_217, %cond3A_218 : i32
        scf.if %cond3A_219 {
          %dma_start3A_220 = arith.constant 0 : i32
          %dma_start3A_221 = tpu.memref_slice %arg10[%add3A_150, %dma_start3A_220] : memref<160x125xi32, #tpu.memory_space<vmem>> -> memref<1x125xi32, #tpu.memory_space<vmem>>
          %dma_start3A_222 = tpu.memref_squeeze %dma_start3A_221 : memref<1x125xi32, #tpu.memory_space<vmem>> -> memref<125xi32, #tpu.memory_space<vmem>>
          %dma_start3A_223 = arith.constant 0 : i32
          %dma_start3A_224 = arith.constant 0 : i32
          %dma_start3A_225 = tpu.memref_slice %arg5[%dma_start3A_223, %dma_start3A_224] : memref<10000x64xf32, #tpu.memory_space<hbm>> -> memref<10000x64xf32, #tpu.memory_space<hbm>>
          tpu.enqueue_indirect_dma source(%dma_start3A_225 : memref<10000x64xf32, #tpu.memory_space<hbm>>) target(%arg12 : memref<125x64xf32, #tpu.memory_space<vmem>>) offsets(%dma_start3A_222 : memref<125xi32, #tpu.memory_space<vmem>>) semaphore(%arg17 : memref<!tpu.dma_semaphore, #tpu.memory_space<semaphore_mem>>)
        } else {
        }
      } else {
      }
      %add3A_162 = arith.constant 4 : i32
      %add3A_163 = arith.addi %mul3A_93, %add3A_162 : i32
      %add3A_164 = arith.constant 1 : i32
      %add3A_165 = arith.addi %add3A_163, %add3A_164 : i32
      %dma_wait3A_166 = arith.constant 0 : i32
      %dma_wait3A_167 = arith.constant 0 : i32
      %dma_wait3A_168 = tpu.memref_slice %arg11[%dma_wait3A_166, %dma_wait3A_167] : memref<160x125xi32, #tpu.memory_space<vmem>> -> memref<1x125xi32, #tpu.memory_space<vmem>>
      %dma_wait3A_169 = tpu.memref_squeeze %dma_wait3A_168 : memref<1x125xi32, #tpu.memory_space<vmem>> -> memref<125xi32, #tpu.memory_space<vmem>>
      %dma_wait3A_170 = arith.constant 0 : i32
      %dma_wait3A_171 = arith.constant 0 : i32
      %dma_wait3A_172 = tpu.memref_slice %arg16[%dma_wait3A_170, %dma_wait3A_171] : memref<10240x64xf32, #tpu.memory_space<vmem_shared>> -> memref<10240x64xf32, #tpu.memory_space<vmem_shared>>
      tpu.wait_indirect_dma semaphore(%arg22 : memref<!tpu.dma_semaphore, #tpu.memory_space<semaphore_mem>>) src(%arg13 : memref<125x64xf32, #tpu.memory_space<vmem>>) dst(%dma_wait3A_172 : memref<10240x64xf32, #tpu.memory_space<vmem_shared>>)
      %lt3A_173 = arith.constant 160 : i32
      %lt3A_174 = arith.cmpi slt, %add3A_165, %lt3A_173 : i32
      %convert_element_type3A_175 = arith.extui %lt3A_174 : i1 to i32
      %cond3A_176 = arith.constant 0 : i32
      %cond3A_177 = arith.cmpi ne, %convert_element_type3A_175, %cond3A_176 : i32
      scf.if %cond3A_177 {
        %eq3A_210 = arith.constant 0 : i32
        %eq3A_211 = arith.cmpi eq, %arg0, %eq3A_210 : i32
        %convert_element_type3A_212 = arith.extui %eq3A_211 : i1 to i32
        %cond3A_213 = arith.constant 0 : i32
        %cond3A_214 = arith.cmpi ne, %convert_element_type3A_212, %cond3A_213 : i32
        scf.if %cond3A_214 {
          %dma_start3A_220 = arith.constant 0 : i32
          %dma_start3A_221 = tpu.memref_slice %arg10[%add3A_165, %dma_start3A_220] : memref<160x125xi32, #tpu.memory_space<vmem>> -> memref<1x125xi32, #tpu.memory_space<vmem>>
          %dma_start3A_222 = tpu.memref_squeeze %dma_start3A_221 : memref<1x125xi32, #tpu.memory_space<vmem>> -> memref<125xi32, #tpu.memory_space<vmem>>
          %dma_start3A_223 = arith.constant 0 : i32
          %dma_start3A_224 = arith.constant 0 : i32
          %dma_start3A_225 = tpu.memref_slice %arg4[%dma_start3A_223, %dma_start3A_224] : memref<10000x64xf32, #tpu.memory_space<hbm>> -> memref<10000x64xf32, #tpu.memory_space<hbm>>
          tpu.enqueue_indirect_dma source(%dma_start3A_225 : memref<10000x64xf32, #tpu.memory_space<hbm>>) target(%arg13 : memref<125x64xf32, #tpu.memory_space<vmem>>) offsets(%dma_start3A_222 : memref<125xi32, #tpu.memory_space<vmem>>) semaphore(%arg18 : memref<!tpu.dma_semaphore, #tpu.memory_space<semaphore_mem>>)
        } else {
        }
        %eq3A_215 = arith.constant 1 : i32
        %eq3A_216 = arith.cmpi eq, %arg0, %eq3A_215 : i32
        %convert_element_type3A_217 = arith.extui %eq3A_216 : i1 to i32
        %cond3A_218 = arith.constant 0 : i32
        %cond3A_219 = arith.cmpi ne, %convert_element_type3A_217, %cond3A_218 : i32
        scf.if %cond3A_219 {
          %dma_start3A_220 = arith.constant 0 : i32
          %dma_start3A_221 = tpu.memref_slice %arg10[%add3A_165, %dma_start3A_220] : memref<160x125xi32, #tpu.memory_space<vmem>> -> memref<1x125xi32, #tpu.memory_space<vmem>>
          %dma_start3A_222 = tpu.memref_squeeze %dma_start3A_221 : memref<1x125xi32, #tpu.memory_space<vmem>> -> memref<125xi32, #tpu.memory_space<vmem>>
          %dma_start3A_223 = arith.constant 0 : i32
          %dma_start3A_224 = arith.constant 0 : i32
          %dma_start3A_225 = tpu.memref_slice %arg5[%dma_start3A_223, %dma_start3A_224] : memref<10000x64xf32, #tpu.memory_space<hbm>> -> memref<10000x64xf32, #tpu.memory_space<hbm>>
          tpu.enqueue_indirect_dma source(%dma_start3A_225 : memref<10000x64xf32, #tpu.memory_space<hbm>>) target(%arg13 : memref<125x64xf32, #tpu.memory_space<vmem>>) offsets(%dma_start3A_222 : memref<125xi32, #tpu.memory_space<vmem>>) semaphore(%arg18 : memref<!tpu.dma_semaphore, #tpu.memory_space<semaphore_mem>>)
        } else {
        }
      } else {
      }
      %add3A_178 = arith.constant 4 : i32
      %add3A_179 = arith.addi %mul3A_93, %add3A_178 : i32
      %add3A_180 = arith.constant 2 : i32
      %add3A_181 = arith.addi %add3A_179, %add3A_180 : i32
      %dma_wait3A_182 = arith.constant 0 : i32
      %dma_wait3A_183 = arith.constant 0 : i32
      %dma_wait3A_184 = tpu.memref_slice %arg11[%dma_wait3A_182, %dma_wait3A_183] : memref<160x125xi32, #tpu.memory_space<vmem>> -> memref<1x125xi32, #tpu.memory_space<vmem>>
      %dma_wait3A_185 = tpu.memref_squeeze %dma_wait3A_184 : memref<1x125xi32, #tpu.memory_space<vmem>> -> memref<125xi32, #tpu.memory_space<vmem>>
      %dma_wait3A_186 = arith.constant 0 : i32
      %dma_wait3A_187 = arith.constant 0 : i32
      %dma_wait3A_188 = tpu.memref_slice %arg16[%dma_wait3A_186, %dma_wait3A_187] : memref<10240x64xf32, #tpu.memory_space<vmem_shared>> -> memref<10240x64xf32, #tpu.memory_space<vmem_shared>>
      tpu.wait_indirect_dma semaphore(%arg23 : memref<!tpu.dma_semaphore, #tpu.memory_space<semaphore_mem>>) src(%arg14 : memref<125x64xf32, #tpu.memory_space<vmem>>) dst(%dma_wait3A_188 : memref<10240x64xf32, #tpu.memory_space<vmem_shared>>)
      %lt3A_189 = arith.constant 160 : i32
      %lt3A_190 = arith.cmpi slt, %add3A_181, %lt3A_189 : i32
      %convert_element_type3A_191 = arith.extui %lt3A_190 : i1 to i32
      %cond3A_192 = arith.constant 0 : i32
      %cond3A_193 = arith.cmpi ne, %convert_element_type3A_191, %cond3A_192 : i32
      scf.if %cond3A_193 {
        %eq3A_210 = arith.constant 0 : i32
        %eq3A_211 = arith.cmpi eq, %arg0, %eq3A_210 : i32
        %convert_element_type3A_212 = arith.extui %eq3A_211 : i1 to i32
        %cond3A_213 = arith.constant 0 : i32
        %cond3A_214 = arith.cmpi ne, %convert_element_type3A_212, %cond3A_213 : i32
        scf.if %cond3A_214 {
          %dma_start3A_220 = arith.constant 0 : i32
          %dma_start3A_221 = tpu.memref_slice %arg10[%add3A_181, %dma_start3A_220] : memref<160x125xi32, #tpu.memory_space<vmem>> -> memref<1x125xi32, #tpu.memory_space<vmem>>
          %dma_start3A_222 = tpu.memref_squeeze %dma_start3A_221 : memref<1x125xi32, #tpu.memory_space<vmem>> -> memref<125xi32, #tpu.memory_space<vmem>>
          %dma_start3A_223 = arith.constant 0 : i32
          %dma_start3A_224 = arith.constant 0 : i32
          %dma_start3A_225 = tpu.memref_slice %arg4[%dma_start3A_223, %dma_start3A_224] : memref<10000x64xf32, #tpu.memory_space<hbm>> -> memref<10000x64xf32, #tpu.memory_space<hbm>>
          tpu.enqueue_indirect_dma source(%dma_start3A_225 : memref<10000x64xf32, #tpu.memory_space<hbm>>) target(%arg14 : memref<125x64xf32, #tpu.memory_space<vmem>>) offsets(%dma_start3A_222 : memref<125xi32, #tpu.memory_space<vmem>>) semaphore(%arg19 : memref<!tpu.dma_semaphore, #tpu.memory_space<semaphore_mem>>)
        } else {
        }
        %eq3A_215 = arith.constant 1 : i32
        %eq3A_216 = arith.cmpi eq, %arg0, %eq3A_215 : i32
        %convert_element_type3A_217 = arith.extui %eq3A_216 : i1 to i32
        %cond3A_218 = arith.constant 0 : i32
        %cond3A_219 = arith.cmpi ne, %convert_element_type3A_217, %cond3A_218 : i32
        scf.if %cond3A_219 {
          %dma_start3A_220 = arith.constant 0 : i32
          %dma_start3A_221 = tpu.memref_slice %arg10[%add3A_181, %dma_start3A_220] : memref<160x125xi32, #tpu.memory_space<vmem>> -> memref<1x125xi32, #tpu.memory_space<vmem>>
          %dma_start3A_222 = tpu.memref_squeeze %dma_start3A_221 : memref<1x125xi32, #tpu.memory_space<vmem>> -> memref<125xi32, #tpu.memory_space<vmem>>
          %dma_start3A_223 = arith.constant 0 : i32
          %dma_start3A_224 = arith.constant 0 : i32
          %dma_start3A_225 = tpu.memref_slice %arg5[%dma_start3A_223, %dma_start3A_224] : memref<10000x64xf32, #tpu.memory_space<hbm>> -> memref<10000x64xf32, #tpu.memory_space<hbm>>
          tpu.enqueue_indirect_dma source(%dma_start3A_225 : memref<10000x64xf32, #tpu.memory_space<hbm>>) target(%arg14 : memref<125x64xf32, #tpu.memory_space<vmem>>) offsets(%dma_start3A_222 : memref<125xi32, #tpu.memory_space<vmem>>) semaphore(%arg19 : memref<!tpu.dma_semaphore, #tpu.memory_space<semaphore_mem>>)
        } else {
        }
      } else {
      }
      %add3A_194 = arith.constant 4 : i32
      %add3A_195 = arith.addi %mul3A_93, %add3A_194 : i32
      %add3A_196 = arith.constant 3 : i32
      %add3A_197 = arith.addi %add3A_195, %add3A_196 : i32
      %dma_wait3A_198 = arith.constant 0 : i32
      %dma_wait3A_199 = arith.constant 0 : i32
      %dma_wait3A_200 = tpu.memref_slice %arg11[%dma_wait3A_198, %dma_wait3A_199] : memref<160x125xi32, #tpu.memory_space<vmem>> -> memref<1x125xi32, #tpu.memory_space<vmem>>
      %dma_wait3A_201 = tpu.memref_squeeze %dma_wait3A_200 : memref<1x125xi32, #tpu.memory_space<vmem>> -> memref<125xi32, #tpu.memory_space<vmem>>
      %dma_wait3A_202 = arith.constant 0 : i32
      %dma_wait3A_203 = arith.constant 0 : i32
      %dma_wait3A_204 = tpu.memref_slice %arg16[%dma_wait3A_202, %dma_wait3A_203] : memref<10240x64xf32, #tpu.memory_space<vmem_shared>> -> memref<10240x64xf32, #tpu.memory_space<vmem_shared>>
      tpu.wait_indirect_dma semaphore(%arg24 : memref<!tpu.dma_semaphore, #tpu.memory_space<semaphore_mem>>) src(%arg15 : memref<125x64xf32, #tpu.memory_space<vmem>>) dst(%dma_wait3A_204 : memref<10240x64xf32, #tpu.memory_space<vmem_shared>>)
      %lt3A_205 = arith.constant 160 : i32
      %lt3A_206 = arith.cmpi slt, %add3A_197, %lt3A_205 : i32
      %convert_element_type3A_207 = arith.extui %lt3A_206 : i1 to i32
      %cond3A_208 = arith.constant 0 : i32
      %cond3A_209 = arith.cmpi ne, %convert_element_type3A_207, %cond3A_208 : i32
      scf.if %cond3A_209 {
        %eq3A_210 = arith.constant 0 : i32
        %eq3A_211 = arith.cmpi eq, %arg0, %eq3A_210 : i32
        %convert_element_type3A_212 = arith.extui %eq3A_211 : i1 to i32
        %cond3A_213 = arith.constant 0 : i32
        %cond3A_214 = arith.cmpi ne, %convert_element_type3A_212, %cond3A_213 : i32
        scf.if %cond3A_214 {
          %dma_start3A_220 = arith.constant 0 : i32
          %dma_start3A_221 = tpu.memref_slice %arg10[%add3A_197, %dma_start3A_220] : memref<160x125xi32, #tpu.memory_space<vmem>> -> memref<1x125xi32, #tpu.memory_space<vmem>>
          %dma_start3A_222 = tpu.memref_squeeze %dma_start3A_221 : memref<1x125xi32, #tpu.memory_space<vmem>> -> memref<125xi32, #tpu.memory_space<vmem>>
          %dma_start3A_223 = arith.constant 0 : i32
          %dma_start3A_224 = arith.constant 0 : i32
          %dma_start3A_225 = tpu.memref_slice %arg4[%dma_start3A_223, %dma_start3A_224] : memref<10000x64xf32, #tpu.memory_space<hbm>> -> memref<10000x64xf32, #tpu.memory_space<hbm>>
          tpu.enqueue_indirect_dma source(%dma_start3A_225 : memref<10000x64xf32, #tpu.memory_space<hbm>>) target(%arg15 : memref<125x64xf32, #tpu.memory_space<vmem>>) offsets(%dma_start3A_222 : memref<125xi32, #tpu.memory_space<vmem>>) semaphore(%arg20 : memref<!tpu.dma_semaphore, #tpu.memory_space<semaphore_mem>>)
        } else {
        }
        %eq3A_215 = arith.constant 1 : i32
        %eq3A_216 = arith.cmpi eq, %arg0, %eq3A_215 : i32
        %convert_element_type3A_217 = arith.extui %eq3A_216 : i1 to i32
        %cond3A_218 = arith.constant 0 : i32
        %cond3A_219 = arith.cmpi ne, %convert_element_type3A_217, %cond3A_218 : i32
        scf.if %cond3A_219 {
          %dma_start3A_220 = arith.constant 0 : i32
          %dma_start3A_221 = tpu.memref_slice %arg10[%add3A_197, %dma_start3A_220] : memref<160x125xi32, #tpu.memory_space<vmem>> -> memref<1x125xi32, #tpu.memory_space<vmem>>
          %dma_start3A_222 = tpu.memref_squeeze %dma_start3A_221 : memref<1x125xi32, #tpu.memory_space<vmem>> -> memref<125xi32, #tpu.memory_space<vmem>>
          %dma_start3A_223 = arith.constant 0 : i32
          %dma_start3A_224 = arith.constant 0 : i32
          %dma_start3A_225 = tpu.memref_slice %arg5[%dma_start3A_223, %dma_start3A_224] : memref<10000x64xf32, #tpu.memory_space<hbm>> -> memref<10000x64xf32, #tpu.memory_space<hbm>>
          tpu.enqueue_indirect_dma source(%dma_start3A_225 : memref<10000x64xf32, #tpu.memory_space<hbm>>) target(%arg15 : memref<125x64xf32, #tpu.memory_space<vmem>>) offsets(%dma_start3A_222 : memref<125xi32, #tpu.memory_space<vmem>>) semaphore(%arg20 : memref<!tpu.dma_semaphore, #tpu.memory_space<semaphore_mem>>)
        } else {
        }
      } else {
      }
    }
    %scan3A_88 = arith.constant 40 : i32
    %barrier3A_89 = arith.constant 0 : index
    tpu.barrier barrier_id(%barrier3A_89)
    %run_scoped3A_90 = arith.constant 1 : i32
    "tpu.region"() ({
      %run_scoped3A_91 = tpu.sem_alloc : memref<!tpu.dma_semaphore, #tpu.memory_space<semaphore_mem>>
      %dma_start3A = arith.constant 0 : i32
      %dma_start3A_92 = tpu.memref_slice %arg9[%run_scoped3A_90, %arg0, %mul3A_0, %dma_start3A] : memref<2x2x10240x64xf32, #tpu.memory_space<hbm>> -> memref<1x1x640x64xf32, #tpu.memory_space<hbm>>
      %dma_start3A_93 = tpu.memref_squeeze %dma_start3A_92 : memref<1x1x640x64xf32, #tpu.memory_space<hbm>> -> memref<640x64xf32, #tpu.memory_space<hbm>>
      %dma_start3A_94 = arith.constant 0 : i32
      %dma_start3A_95 = tpu.memref_slice %arg16[%mul3A_0, %dma_start3A_94] : memref<10240x64xf32, #tpu.memory_space<vmem_shared>> -> memref<640x64xf32, #tpu.memory_space<vmem_shared>>
      tpu.enqueue_dma source(%dma_start3A_95 : memref<640x64xf32, #tpu.memory_space<vmem_shared>>) target(%dma_start3A_93 : memref<640x64xf32, #tpu.memory_space<hbm>>) target_semaphore(%run_scoped3A_91 : memref<!tpu.dma_semaphore, #tpu.memory_space<semaphore_mem>>)
      %dma_wait3A = arith.constant 0 : i32
      %dma_wait3A_96 = tpu.memref_slice %arg9[%run_scoped3A_90, %arg0, %mul3A_0, %dma_wait3A] : memref<2x2x10240x64xf32, #tpu.memory_space<hbm>> -> memref<1x1x640x64xf32, #tpu.memory_space<hbm>>
      %dma_wait3A_97 = tpu.memref_squeeze %dma_wait3A_96 : memref<1x1x640x64xf32, #tpu.memory_space<hbm>> -> memref<640x64xf32, #tpu.memory_space<hbm>>
      %dma_wait3A_98 = arith.constant 0 : i32
      %dma_wait3A_99 = tpu.memref_slice %arg16[%mul3A_0, %dma_wait3A_98] : memref<10240x64xf32, #tpu.memory_space<vmem_shared>> -> memref<640x64xf32, #tpu.memory_space<vmem_shared>>
      tpu.wait_dma2 semaphore(%run_scoped3A_91 : memref<!tpu.dma_semaphore, #tpu.memory_space<semaphore_mem>>) src(%dma_wait3A_99 : memref<640x64xf32, #tpu.memory_space<vmem_shared>>) dst(%dma_wait3A_97 : memref<640x64xf32, #tpu.memory_space<hbm>>)
      tpu.yield
    }) : () -> ()
    return
  }
}

module attributes {stable_mosaic.version = 14 : i64} {
  func.func @_mid_body(%arg0: i32, %arg1: memref<2x2000x64xf32, #tpu.memory_space<vmem>>, %arg2: memref<2000x128xf32, #tpu.memory_space<vmem>>, %arg3: memref<128x256xf32, #tpu.memory_space<vmem>>, %arg4: memref<1x256xf32, #tpu.memory_space<vmem>>, %arg5: memref<128x256xf32, #tpu.memory_space<vmem>>, %arg6: memref<256x128xf32, #tpu.memory_space<vmem>>, %arg7: memref<2000x64xf32, #tpu.memory_space<vmem>>, %arg8: memref<2000x64xf32, #tpu.memory_space<vmem>>, %arg9: memref<2000x64xf32, #tpu.memory_space<vmem>>, %arg10: memref<2000x64xf32, #tpu.memory_space<vmem>>, %arg11: memref<2000x128xf32, #tpu.memory_space<vmem>>) attributes {dimension_semantics = [#tpu.dimension_semantics<arbitrary>], iteration_bounds = array<i64: 5>, scalar_prefetch = 0 : i64, scratch_operands = 0 : i64, tpu.core_type = #tpu.core_type<tc>, window_params = [{transform_indices = @transform_0, window_bounds = array<i64: 2, 2000, 64>}, {transform_indices = @transform_1, window_bounds = array<i64: 2000, 128>}, {pipeline_mode = #tpu.pipeline_mode<synchronous>, transform_indices = @transform_2, window_bounds = array<i64: 128, 256>}, {pipeline_mode = #tpu.pipeline_mode<synchronous>, transform_indices = @transform_3, window_bounds = array<i64: 1, 256>}, {pipeline_mode = #tpu.pipeline_mode<synchronous>, transform_indices = @transform_4, window_bounds = array<i64: 128, 256>}, {pipeline_mode = #tpu.pipeline_mode<synchronous>, transform_indices = @transform_5, window_bounds = array<i64: 256, 128>}, {transform_indices = @transform_6, window_bounds = array<i64: 2000, 64>}, {transform_indices = @transform_7, window_bounds = array<i64: 2000, 64>}, {transform_indices = @transform_8, window_bounds = array<i64: 2000, 64>}, {transform_indices = @transform_9, window_bounds = array<i64: 2000, 64>}, {transform_indices = @transform_10, window_bounds = array<i64: 2000, 128>}]} {
    %get3A = arith.constant 0 : index
    %get3A_0 = arith.constant 0 : index
    %get3A_1 = vector.load %arg3[%get3A, %get3A_0] : memref<128x256xf32, #tpu.memory_space<vmem>>, vector<128x256xf32>
    %get3A_2 = arith.constant 0 : index
    %get3A_3 = arith.constant 0 : index
    %get3A_4 = arith.constant 0 : index
    %get3A_5 = vector.load %arg1[%get3A_2, %get3A_3, %get3A_4] : memref<2x2000x64xf32, #tpu.memory_space<vmem>>, vector<1x2000x64xf32>
    %get3A_6 = vector.shape_cast %get3A_5 : vector<1x2000x64xf32> to vector<2000x64xf32>
    %slice3A = vector.extract_strided_slice %get3A_1 {offsets = [0, 0], sizes = [64, 256], strides = [1, 1]} : vector<128x256xf32> to vector<64x256xf32>
    %dot_general3A = arith.constant dense<0.000000e+00> : vector<2000x256xf32>
    %dot_general3A_7 = tpu.matmul %get3A_6, %slice3A, %dot_general3A {dimension_numbers = #tpu.dot_dimension_numbers<[1], [0], [0], [1], [0, 0, 1, 1], [], []>, transpose_lhs_hint = false} : vector<2000x64xf32>, vector<64x256xf32>, vector<2000x256xf32> -> vector<2000x256xf32>
    %get3A_8 = arith.constant 1 : index
    %get3A_9 = arith.constant 0 : index
    %get3A_10 = arith.constant 0 : index
    %get3A_11 = vector.load %arg1[%get3A_8, %get3A_9, %get3A_10] : memref<2x2000x64xf32, #tpu.memory_space<vmem>>, vector<1x2000x64xf32>
    %get3A_12 = vector.shape_cast %get3A_11 : vector<1x2000x64xf32> to vector<2000x64xf32>
    %slice3A_13 = vector.extract_strided_slice %get3A_1 {offsets = [64, 0], sizes = [64, 256], strides = [1, 1]} : vector<128x256xf32> to vector<64x256xf32>
    %dot_general3A_14 = arith.constant dense<0.000000e+00> : vector<2000x256xf32>
    %dot_general3A_15 = tpu.matmul %get3A_12, %slice3A_13, %dot_general3A_14 {dimension_numbers = #tpu.dot_dimension_numbers<[1], [0], [0], [1], [0, 0, 1, 1], [], []>, transpose_lhs_hint = false} : vector<2000x64xf32>, vector<64x256xf32>, vector<2000x256xf32> -> vector<2000x256xf32>
    %add3A = arith.addf %dot_general3A_7, %dot_general3A_15 : vector<2000x256xf32>
    %get3A_16 = arith.constant 0 : index
    %get3A_17 = arith.constant 0 : index
    %get3A_18 = vector.load %arg4[%get3A_16, %get3A_17] : memref<1x256xf32, #tpu.memory_space<vmem>>, vector<1x256xf32>
    %add3A_19 = vector.broadcast %get3A_18 : vector<1x256xf32> to vector<2000x256xf32>
    %add3A_20 = arith.addf %add3A, %add3A_19 : vector<2000x256xf32>
    %get3A_21 = arith.constant 0 : index
    %get3A_22 = arith.constant 0 : index
    %get3A_23 = vector.load %arg2[%get3A_21, %get3A_22] : memref<2000x128xf32, #tpu.memory_space<vmem>>, vector<2000x128xf32>
    %get3A_24 = arith.constant 0 : index
    %get3A_25 = arith.constant 0 : index
    %get3A_26 = vector.load %arg5[%get3A_24, %get3A_25] : memref<128x256xf32, #tpu.memory_space<vmem>>, vector<128x256xf32>
    %dot_general3A_27 = arith.constant dense<0.000000e+00> : vector<2000x256xf32>
    %dot_general3A_28 = tpu.matmul %get3A_23, %get3A_26, %dot_general3A_27 {dimension_numbers = #tpu.dot_dimension_numbers<[1], [0], [0], [1], [0, 0, 1, 1], [], []>, transpose_lhs_hint = false} : vector<2000x128xf32>, vector<128x256xf32>, vector<2000x256xf32> -> vector<2000x256xf32>
    %add3A_29 = arith.addf %add3A_20, %dot_general3A_28 : vector<2000x256xf32>
    %max3A = arith.constant 0.000000e+00 : f32
    %max3A_30 = vector.broadcast %max3A : f32 to vector<2000x256xf32>
    %max3A_31 = arith.maximumf %add3A_29, %max3A_30 : vector<2000x256xf32>
    %slice3A_32 = vector.extract_strided_slice %max3A_31 {offsets = [0, 0], sizes = [2000, 64], strides = [1, 1]} : vector<2000x256xf32> to vector<2000x64xf32>
    %swap3A = arith.constant 0 : index
    %swap3A_33 = arith.constant 0 : index
    %swap3A_34 = vector.load %arg7[%swap3A, %swap3A_33] : memref<2000x64xf32, #tpu.memory_space<vmem>>, vector<2000x64xf32>
    tpu.vector_store %arg7[%swap3A, %swap3A_33], %slice3A_32 {strides = array<i32>} : memref<2000x64xf32, #tpu.memory_space<vmem>>, vector<2000x64xf32>,
    %slice3A_35 = vector.extract_strided_slice %max3A_31 {offsets = [0, 64], sizes = [2000, 64], strides = [1, 1]} : vector<2000x256xf32> to vector<2000x64xf32>
    %swap3A_36 = arith.constant 0 : index
    %swap3A_37 = arith.constant 0 : index
    %swap3A_38 = vector.load %arg8[%swap3A_36, %swap3A_37] : memref<2000x64xf32, #tpu.memory_space<vmem>>, vector<2000x64xf32>
    tpu.vector_store %arg8[%swap3A_36, %swap3A_37], %slice3A_35 {strides = array<i32>} : memref<2000x64xf32, #tpu.memory_space<vmem>>, vector<2000x64xf32>,
    %slice3A_39 = vector.extract_strided_slice %max3A_31 {offsets = [0, 128], sizes = [2000, 64], strides = [1, 1]} : vector<2000x256xf32> to vector<2000x64xf32>
    %swap3A_40 = arith.constant 0 : index
    %swap3A_41 = arith.constant 0 : index
    %swap3A_42 = vector.load %arg9[%swap3A_40, %swap3A_41] : memref<2000x64xf32, #tpu.memory_space<vmem>>, vector<2000x64xf32>
    tpu.vector_store %arg9[%swap3A_40, %swap3A_41], %slice3A_39 {strides = array<i32>} : memref<2000x64xf32, #tpu.memory_space<vmem>>, vector<2000x64xf32>,
    %slice3A_43 = vector.extract_strided_slice %max3A_31 {offsets = [0, 192], sizes = [2000, 64], strides = [1, 1]} : vector<2000x256xf32> to vector<2000x64xf32>
    %swap3A_44 = arith.constant 0 : index
    %swap3A_45 = arith.constant 0 : index
    %swap3A_46 = vector.load %arg10[%swap3A_44, %swap3A_45] : memref<2000x64xf32, #tpu.memory_space<vmem>>, vector<2000x64xf32>
    tpu.vector_store %arg10[%swap3A_44, %swap3A_45], %slice3A_43 {strides = array<i32>} : memref<2000x64xf32, #tpu.memory_space<vmem>>, vector<2000x64xf32>,
    %get3A_47 = arith.constant 0 : index
    %get3A_48 = arith.constant 0 : index
    %get3A_49 = vector.load %arg6[%get3A_47, %get3A_48] : memref<256x128xf32, #tpu.memory_space<vmem>>, vector<256x128xf32>
    %dot_general3A_50 = arith.constant dense<0.000000e+00> : vector<2000x128xf32>
    %dot_general3A_51 = tpu.matmul %max3A_31, %get3A_49, %dot_general3A_50 {dimension_numbers = #tpu.dot_dimension_numbers<[1], [0], [0], [1], [0, 0, 1, 1], [], []>, transpose_lhs_hint = false} : vector<2000x256xf32>, vector<256x128xf32>, vector<2000x128xf32> -> vector<2000x128xf32>
    %swap3A_52 = arith.constant 0 : index
    %swap3A_53 = arith.constant 0 : index
    %swap3A_54 = vector.load %arg11[%swap3A_52, %swap3A_53] : memref<2000x128xf32, #tpu.memory_space<vmem>>, vector<2000x128xf32>
    tpu.vector_store %arg11[%swap3A_52, %swap3A_53], %dot_general3A_51 {strides = array<i32>} : memref<2000x128xf32, #tpu.memory_space<vmem>>, vector<2000x128xf32>,
    return
  }
  func.func @transform_0(%arg0: i32) -> (i32, i32, i32) {
    %c0_i32 = arith.constant 0 : i32
    %c0_i32_0 = arith.constant 0 : i32
    %c0_i32_1 = arith.constant 0 : i32
    return %c0_i32, %arg0, %c0_i32_0 : i32, i32, i32
  }
  func.func @transform_1(%arg0: i32) -> (i32, i32) {
    %c0_i32 = arith.constant 0 : i32
    %c0_i32_0 = arith.constant 0 : i32
    return %arg0, %c0_i32 : i32, i32
  }
  func.func @transform_2(%arg0: i32) -> (i32, i32) {
    %c0_i32 = arith.constant 0 : i32
    %c0_i32_0 = arith.constant 0 : i32
    %c0_i32_1 = arith.constant 0 : i32
    return %c0_i32, %c0_i32_0 : i32, i32
  }
  func.func @transform_3(%arg0: i32) -> (i32, i32) {
    %c0_i32 = arith.constant 0 : i32
    %c0_i32_0 = arith.constant 0 : i32
    %c0_i32_1 = arith.constant 0 : i32
    return %c0_i32, %c0_i32_0 : i32, i32
  }
  func.func @transform_4(%arg0: i32) -> (i32, i32) {
    %c0_i32 = arith.constant 0 : i32
    %c0_i32_0 = arith.constant 0 : i32
    %c0_i32_1 = arith.constant 0 : i32
    return %c0_i32, %c0_i32_0 : i32, i32
  }
  func.func @transform_5(%arg0: i32) -> (i32, i32) {
    %c0_i32 = arith.constant 0 : i32
    %c0_i32_0 = arith.constant 0 : i32
    %c0_i32_1 = arith.constant 0 : i32
    return %c0_i32, %c0_i32_0 : i32, i32
  }
  func.func @transform_6(%arg0: i32) -> (i32, i32) {
    %c0_i32 = arith.constant 0 : i32
    %c0_i32_0 = arith.constant 0 : i32
    return %arg0, %c0_i32 : i32, i32
  }
  func.func @transform_7(%arg0: i32) -> (i32, i32) {
    %c0_i32 = arith.constant 0 : i32
    %c0_i32_0 = arith.constant 0 : i32
    return %arg0, %c0_i32 : i32, i32
  }
  func.func @transform_8(%arg0: i32) -> (i32, i32) {
    %c0_i32 = arith.constant 0 : i32
    %c0_i32_0 = arith.constant 0 : i32
    return %arg0, %c0_i32 : i32, i32
  }
  func.func @transform_9(%arg0: i32) -> (i32, i32) {
    %c0_i32 = arith.constant 0 : i32
    %c0_i32_0 = arith.constant 0 : i32
    return %arg0, %c0_i32 : i32, i32
  }
  func.func @transform_10(%arg0: i32) -> (i32, i32) {
    %c0_i32 = arith.constant 0 : i32
    %c0_i32_0 = arith.constant 0 : i32
    return %arg0, %c0_i32 : i32, i32
  }
}

module attributes {stable_mosaic.version = 14 : i64} {
  func.func @_final_body(%arg0: i32, %arg1: memref<2x2x2000x64xf32, #tpu.memory_space<vmem>>, %arg2: memref<2000x128xf32, #tpu.memory_space<vmem>>, %arg3: memref<256x128xf32, #tpu.memory_space<vmem>>, %arg4: memref<1x128xf32, #tpu.memory_space<vmem>>, %arg5: memref<1x1x2000xi32, #tpu.memory_space<vmem>>, %arg6: memref<128x8xf32, #tpu.memory_space<vmem>>, %arg7: memref<1x8xf32, #tpu.memory_space<vmem>>, %arg8: memref<8x4xf32, #tpu.memory_space<vmem>>, %arg9: memref<1x4xf32, #tpu.memory_space<vmem>>, %arg10: memref<4x1xf32, #tpu.memory_space<vmem>>, %arg11: memref<1x1xf32, #tpu.memory_space<vmem>>, %arg12: memref<1x4xf32, #tpu.memory_space<vmem>>, %arg13: memref<1x4xf32, #tpu.memory_space<vmem>>, %arg14: memref<4x8xf32, #tpu.memory_space<vmem>>, %arg15: memref<1x8xf32, #tpu.memory_space<vmem>>, %arg16: memref<8x128xf32, #tpu.memory_space<vmem>>, %arg17: memref<1x128xf32, #tpu.memory_space<vmem>>, %arg18: memref<64x128xf32, #tpu.memory_space<vmem>>, %arg19: memref<64x128xf32, #tpu.memory_space<vmem>>, %arg20: memref<64x128xf32, #tpu.memory_space<vmem>>, %arg21: memref<64x128xf32, #tpu.memory_space<vmem>>) attributes {dimension_semantics = [#tpu.dimension_semantics<arbitrary>], iteration_bounds = array<i64: 5>, scalar_prefetch = 0 : i64, scratch_operands = 2 : i64, tpu.core_type = #tpu.core_type<tc>, window_params = [{transform_indices = @transform_0, window_bounds = array<i64: 2, 2, 2000, 64>}, {transform_indices = @transform_1, window_bounds = array<i64: 2000, 128>}, {pipeline_mode = #tpu.pipeline_mode<synchronous>, transform_indices = @transform_2, window_bounds = array<i64: 256, 128>}, {pipeline_mode = #tpu.pipeline_mode<synchronous>, transform_indices = @transform_3, window_bounds = array<i64: 1, 128>}, {transform_indices = @transform_4, window_bounds = array<i64: 1, 1, 2000>}, {pipeline_mode = #tpu.pipeline_mode<synchronous>, transform_indices = @transform_5, window_bounds = array<i64: 128, 8>}, {pipeline_mode = #tpu.pipeline_mode<synchronous>, transform_indices = @transform_6, window_bounds = array<i64: 1, 8>}, {pipeline_mode = #tpu.pipeline_mode<synchronous>, transform_indices = @transform_7, window_bounds = array<i64: 8, 4>}, {pipeline_mode = #tpu.pipeline_mode<synchronous>, transform_indices = @transform_8, window_bounds = array<i64: 1, 4>}, {pipeline_mode = #tpu.pipeline_mode<synchronous>, transform_indices = @transform_9, window_bounds = array<i64: 4, 1>}, {pipeline_mode = #tpu.pipeline_mode<synchronous>, transform_indices = @transform_10, window_bounds = array<i64: 1, 1>}, {pipeline_mode = #tpu.pipeline_mode<synchronous>, transform_indices = @transform_11, window_bounds = array<i64: 1, 4>}, {pipeline_mode = #tpu.pipeline_mode<synchronous>, transform_indices = @transform_12, window_bounds = array<i64: 1, 4>}, {pipeline_mode = #tpu.pipeline_mode<synchronous>, transform_indices = @transform_13, window_bounds = array<i64: 4, 8>}, {pipeline_mode = #tpu.pipeline_mode<synchronous>, transform_indices = @transform_14, window_bounds = array<i64: 1, 8>}, {pipeline_mode = #tpu.pipeline_mode<synchronous>, transform_indices = @transform_15, window_bounds = array<i64: 8, 128>}, {pipeline_mode = #tpu.pipeline_mode<synchronous>, transform_indices = @transform_16, window_bounds = array<i64: 1, 128>}, {pipeline_mode = #tpu.pipeline_mode<synchronous>, transform_indices = @transform_17, window_bounds = array<i64: 64, 128>}, {pipeline_mode = #tpu.pipeline_mode<synchronous>, transform_indices = @transform_18, window_bounds = array<i64: 64, 128>}]} {
    %eq3A = arith.constant 0 : i32
    %eq3A_0 = arith.cmpi eq, %arg0, %eq3A : i32
    %convert_element_type3A = arith.extui %eq3A_0 : i1 to i32
    %cond3A = arith.constant 0 : i32
    %cond3A_1 = arith.cmpi ne, %convert_element_type3A, %cond3A : i32
    scf.if %cond3A_1 {
      %broadcast_in_dim3A_71 = arith.constant 0.000000e+00 : f32
      %broadcast_in_dim3A_72 = vector.broadcast %broadcast_in_dim3A_71 : f32 to vector<64x128xf32>
      %swap3A_73 = arith.constant 0 : index
      %swap3A_74 = arith.constant 0 : index
      %swap3A_75 = vector.load %arg20[%swap3A_73, %swap3A_74] : memref<64x128xf32, #tpu.memory_space<vmem>>, vector<64x128xf32>
      tpu.vector_store %arg20[%swap3A_73, %swap3A_74], %broadcast_in_dim3A_72 {strides = array<i32>} : memref<64x128xf32, #tpu.memory_space<vmem>>, vector<64x128xf32>,
      %broadcast_in_dim3A_76 = arith.constant 0.000000e+00 : f32
      %broadcast_in_dim3A_77 = vector.broadcast %broadcast_in_dim3A_76 : f32 to vector<64x128xf32>
      %swap3A_78 = arith.constant 0 : index
      %swap3A_79 = arith.constant 0 : index
      %swap3A_80 = vector.load %arg21[%swap3A_78, %swap3A_79] : memref<64x128xf32, #tpu.memory_space<vmem>>, vector<64x128xf32>
      tpu.vector_store %arg21[%swap3A_78, %swap3A_79], %broadcast_in_dim3A_77 {strides = array<i32>} : memref<64x128xf32, #tpu.memory_space<vmem>>, vector<64x128xf32>,
    } else {
    }
    %get3A = arith.constant 0 : index
    %get3A_2 = arith.constant 0 : index
    %get3A_3 = arith.constant 0 : index
    %get3A_4 = arith.constant 0 : index
    %get3A_5 = vector.load %arg1[%get3A, %get3A_2, %get3A_3, %get3A_4] : memref<2x2x2000x64xf32, #tpu.memory_space<vmem>>, vector<1x1x2000x64xf32>
    %get3A_6 = vector.shape_cast %get3A_5 : vector<1x1x2000x64xf32> to vector<2000x64xf32>
    %get3A_7 = arith.constant 0 : index
    %get3A_8 = arith.constant 1 : index
    %get3A_9 = arith.constant 0 : index
    %get3A_10 = arith.constant 0 : index
    %get3A_11 = vector.load %arg1[%get3A_7, %get3A_8, %get3A_9, %get3A_10] : memref<2x2x2000x64xf32, #tpu.memory_space<vmem>>, vector<1x1x2000x64xf32>
    %get3A_12 = vector.shape_cast %get3A_11 : vector<1x1x2000x64xf32> to vector<2000x64xf32>
    %get3A_13 = arith.constant 1 : index
    %get3A_14 = arith.constant 0 : index
    %get3A_15 = arith.constant 0 : index
    %get3A_16 = arith.constant 0 : index
    %get3A_17 = vector.load %arg1[%get3A_13, %get3A_14, %get3A_15, %get3A_16] : memref<2x2x2000x64xf32, #tpu.memory_space<vmem>>, vector<1x1x2000x64xf32>
    %get3A_18 = vector.shape_cast %get3A_17 : vector<1x1x2000x64xf32> to vector<2000x64xf32>
    %get3A_19 = arith.constant 1 : index
    %get3A_20 = arith.constant 1 : index
    %get3A_21 = arith.constant 0 : index
    %get3A_22 = arith.constant 0 : index
    %get3A_23 = vector.load %arg1[%get3A_19, %get3A_20, %get3A_21, %get3A_22] : memref<2x2x2000x64xf32, #tpu.memory_space<vmem>>, vector<1x1x2000x64xf32>
    %get3A_24 = vector.shape_cast %get3A_23 : vector<1x1x2000x64xf32> to vector<2000x64xf32>
    %concatenate3A = tpu.concatenate %get3A_6, %get3A_12, %get3A_18, %get3A_24 in 1 : vector<2000x64xf32>, vector<2000x64xf32>, vector<2000x64xf32>, vector<2000x64xf32> -> vector<2000x256xf32>
    %get3A_25 = arith.constant 0 : index
    %get3A_26 = arith.constant 0 : index
    %get3A_27 = vector.load %arg3[%get3A_25, %get3A_26] : memref<256x128xf32, #tpu.memory_space<vmem>>, vector<256x128xf32>
    %dot_general3A = arith.constant dense<0.000000e+00> : vector<2000x128xf32>
    %dot_general3A_28 = tpu.matmul %concatenate3A, %get3A_27, %dot_general3A {dimension_numbers = #tpu.dot_dimension_numbers<[1], [0], [0], [1], [0, 0, 1, 1], [], []>, transpose_lhs_hint = false} : vector<2000x256xf32>, vector<256x128xf32>, vector<2000x128xf32> -> vector<2000x128xf32>
    %get3A_29 = arith.constant 0 : index
    %get3A_30 = arith.constant 0 : index
    %get3A_31 = vector.load %arg4[%get3A_29, %get3A_30] : memref<1x128xf32, #tpu.memory_space<vmem>>, vector<1x128xf32>
    %add3A = vector.broadcast %get3A_31 : vector<1x128xf32> to vector<2000x128xf32>
    %add3A_32 = arith.addf %dot_general3A_28, %add3A : vector<2000x128xf32>
    %get3A_33 = arith.constant 0 : index
    %get3A_34 = arith.constant 0 : index
    %get3A_35 = vector.load %arg2[%get3A_33, %get3A_34] : memref<2000x128xf32, #tpu.memory_space<vmem>>, vector<2000x128xf32>
    %add3A_36 = arith.addf %add3A_32, %get3A_35 : vector<2000x128xf32>
    %max3A = arith.constant 0.000000e+00 : f32
    %max3A_37 = vector.broadcast %max3A : f32 to vector<2000x128xf32>
    %max3A_38 = arith.maximumf %add3A_36, %max3A_37 : vector<2000x128xf32>
    %iota3A = tpu.iota {dimensions = array<i32: 0>} : vector<64x2000xi32>
    %get3A_39 = arith.constant 0 : index
    %get3A_40 = arith.constant 0 : index
    %get3A_41 = arith.constant 0 : index
    %get3A_42 = vector.load %arg5[%get3A_39, %get3A_40, %get3A_41] : memref<1x1x2000xi32, #tpu.memory_space<vmem>>, vector<1x1x2000xi32>
    %get3A_43 = vector.shape_cast %get3A_42 : vector<1x1x2000xi32> to vector<1x2000xi32>
    %eq3A_44 = vector.broadcast %get3A_43 : vector<1x2000xi32> to vector<64x2000xi32>
    %eq3A_45 = arith.cmpi eq, %iota3A, %eq3A_44 : vector<64x2000xi32>
    %convert_element_type3A_46 = arith.extui %eq3A_45 : vector<64x2000xi1> to vector<64x2000xi32>
    %convert_element_type3A_47 = arith.sitofp %convert_element_type3A_46 : vector<64x2000xi32> to vector<64x2000xf32>
    %get3A_48 = arith.constant 0 : index
    %get3A_49 = arith.constant 0 : index
    %get3A_50 = vector.load %arg20[%get3A_48, %get3A_49] : memref<64x128xf32, #tpu.memory_space<vmem>>, vector<64x128xf32>
    %dot_general3A_51 = arith.constant dense<0.000000e+00> : vector<64x128xf32>
    %dot_general3A_52 = tpu.matmul %convert_element_type3A_47, %max3A_38, %dot_general3A_51 {dimension_numbers = #tpu.dot_dimension_numbers<[1], [0], [0], [1], [0, 0, 1, 1], [], []>, precision = #tpu.contract_precision<fp32>, transpose_lhs_hint = false} : vector<64x2000xf32>, vector<2000x128xf32>, vector<64x128xf32> -> vector<64x128xf32>
    %add3A_53 = arith.addf %get3A_50, %dot_general3A_52 : vector<64x128xf32>
    %swap3A = arith.constant 0 : index
    %swap3A_54 = arith.constant 0 : index
    %swap3A_55 = vector.load %arg20[%swap3A, %swap3A_54] : memref<64x128xf32, #tpu.memory_space<vmem>>, vector<64x128xf32>
    tpu.vector_store %arg20[%swap3A, %swap3A_54], %add3A_53 {strides = array<i32>} : memref<64x128xf32, #tpu.memory_space<vmem>>, vector<64x128xf32>,
    %get3A_56 = arith.constant 0 : index
    %get3A_57 = arith.constant 0 : index
    %get3A_58 = vector.load %arg21[%get3A_56, %get3A_57] : memref<64x128xf32, #tpu.memory_space<vmem>>, vector<64x128xf32>
    %reduce_sum3A = arith.constant dense<0.000000e+00> : vector<64xf32>
    %reduce_sum3A_59 = vector.multi_reduction <add>, %convert_element_type3A_47, %reduce_sum3A [1] : vector<64x2000xf32> to vector<64xf32>
    %broadcast_in_dim3A = vector.shape_cast %reduce_sum3A_59 : vector<64xf32> to vector<64x1xf32>
    %broadcast_in_dim3A_60 = vector.shape_cast %broadcast_in_dim3A : vector<64x1xf32> to vector<64x1xf32>
    %broadcast_in_dim3A_61 = vector.broadcast %broadcast_in_dim3A_60 : vector<64x1xf32> to vector<64x128xf32>
    %add3A_62 = arith.addf %get3A_58, %broadcast_in_dim3A_61 : vector<64x128xf32>
    %swap3A_63 = arith.constant 0 : index
    %swap3A_64 = arith.constant 0 : index
    %swap3A_65 = vector.load %arg21[%swap3A_63, %swap3A_64] : memref<64x128xf32, #tpu.memory_space<vmem>>, vector<64x128xf32>
    tpu.vector_store %arg21[%swap3A_63, %swap3A_64], %add3A_62 {strides = array<i32>} : memref<64x128xf32, #tpu.memory_space<vmem>>, vector<64x128xf32>,
    %eq3A_66 = arith.constant 4 : i32
    %eq3A_67 = arith.cmpi eq, %arg0, %eq3A_66 : i32
    %convert_element_type3A_68 = arith.extui %eq3A_67 : i1 to i32
    %cond3A_69 = arith.constant 0 : i32
    %cond3A_70 = arith.cmpi ne, %convert_element_type3A_68, %cond3A_69 : i32
    scf.if %cond3A_70 {
      %get3A_71 = arith.constant 0 : index
      %get3A_72 = arith.constant 0 : index
      %get3A_73 = vector.load %arg20[%get3A_71, %get3A_72] : memref<64x128xf32, #tpu.memory_space<vmem>>, vector<64x128xf32>
      %get3A_74 = arith.constant 0 : index
      %get3A_75 = arith.constant 0 : index
      %get3A_76 = vector.load %arg21[%get3A_74, %get3A_75] : memref<64x128xf32, #tpu.memory_space<vmem>>, vector<64x128xf32>
      %max3A_77 = arith.constant 1.000000e+00 : f32
      %max3A_78 = vector.broadcast %max3A_77 : f32 to vector<64x128xf32>
      %max3A_79 = arith.maximumf %get3A_76, %max3A_78 : vector<64x128xf32>
      %div3A = arith.divf %get3A_73, %max3A_79 : vector<64x128xf32>
      %swap3A_80 = arith.constant 0 : index
      %swap3A_81 = arith.constant 0 : index
      %swap3A_82 = vector.load %arg18[%swap3A_80, %swap3A_81] : memref<64x128xf32, #tpu.memory_space<vmem>>, vector<64x128xf32>
      tpu.vector_store %arg18[%swap3A_80, %swap3A_81], %div3A {strides = array<i32>} : memref<64x128xf32, #tpu.memory_space<vmem>>, vector<64x128xf32>,
      %get3A_83 = arith.constant 0 : index
      %get3A_84 = arith.constant 0 : index
      %get3A_85 = vector.load %arg6[%get3A_83, %get3A_84] : memref<128x8xf32, #tpu.memory_space<vmem>>, vector<128x8xf32>
      %dot_general3A_86 = arith.constant dense<0.000000e+00> : vector<64x8xf32>
      %dot_general3A_87 = tpu.matmul %div3A, %get3A_85, %dot_general3A_86 {dimension_numbers = #tpu.dot_dimension_numbers<[1], [0], [0], [1], [0, 0, 1, 1], [], []>, transpose_lhs_hint = false} : vector<64x128xf32>, vector<128x8xf32>, vector<64x8xf32> -> vector<64x8xf32>
      %get3A_88 = arith.constant 0 : index
      %get3A_89 = arith.constant 0 : index
      %get3A_90 = vector.load %arg7[%get3A_88, %get3A_89] : memref<1x8xf32, #tpu.memory_space<vmem>>, vector<1x8xf32>
      %add3A_91 = vector.broadcast %get3A_90 : vector<1x8xf32> to vector<64x8xf32>
      %add3A_92 = arith.addf %dot_general3A_87, %add3A_91 : vector<64x8xf32>
      %max3A_93 = arith.constant 0.000000e+00 : f32
      %max3A_94 = vector.broadcast %max3A_93 : f32 to vector<64x8xf32>
      %max3A_95 = arith.maximumf %add3A_92, %max3A_94 : vector<64x8xf32>
      %get3A_96 = arith.constant 0 : index
      %get3A_97 = arith.constant 0 : index
      %get3A_98 = vector.load %arg8[%get3A_96, %get3A_97] : memref<8x4xf32, #tpu.memory_space<vmem>>, vector<8x4xf32>
      %dot_general3A_99 = arith.constant dense<0.000000e+00> : vector<64x4xf32>
      %dot_general3A_100 = tpu.matmul %max3A_95, %get3A_98, %dot_general3A_99 {dimension_numbers = #tpu.dot_dimension_numbers<[1], [0], [0], [1], [0, 0, 1, 1], [], []>, transpose_lhs_hint = false} : vector<64x8xf32>, vector<8x4xf32>, vector<64x4xf32> -> vector<64x4xf32>
      %get3A_101 = arith.constant 0 : index
      %get3A_102 = arith.constant 0 : index
      %get3A_103 = vector.load %arg9[%get3A_101, %get3A_102] : memref<1x4xf32, #tpu.memory_space<vmem>>, vector<1x4xf32>
      %add3A_104 = vector.broadcast %get3A_103 : vector<1x4xf32> to vector<64x4xf32>
      %add3A_105 = arith.addf %dot_general3A_100, %add3A_104 : vector<64x4xf32>
      %max3A_106 = arith.constant 0.000000e+00 : f32
      %max3A_107 = vector.broadcast %max3A_106 : f32 to vector<64x4xf32>
      %max3A_108 = arith.maximumf %add3A_105, %max3A_107 : vector<64x4xf32>
      %get3A_109 = arith.constant 0 : index
      %get3A_110 = arith.constant 0 : index
      %get3A_111 = vector.load %arg10[%get3A_109, %get3A_110] : memref<4x1xf32, #tpu.memory_space<vmem>>, vector<4x1xf32>
      %dot_general3A_112 = arith.constant dense<0.000000e+00> : vector<64x1xf32>
      %dot_general3A_113 = tpu.matmul %max3A_108, %get3A_111, %dot_general3A_112 {dimension_numbers = #tpu.dot_dimension_numbers<[1], [0], [0], [1], [0, 0, 1, 1], [], []>, transpose_lhs_hint = false} : vector<64x4xf32>, vector<4x1xf32>, vector<64x1xf32> -> vector<64x1xf32>
      %get3A_114 = arith.constant 0 : index
      %get3A_115 = arith.constant 0 : index
      %get3A_116 = vector.load %arg11[%get3A_114, %get3A_115] : memref<1x1xf32, #tpu.memory_space<vmem>>, vector<1x1xf32>
      %add3A_117 = vector.broadcast %get3A_116 : vector<1x1xf32> to vector<64x1xf32>
      %add3A_118 = arith.addf %dot_general3A_113, %add3A_117 : vector<64x1xf32>
      %get3A_119 = arith.constant 0 : index
      %get3A_120 = arith.constant 0 : index
      %get3A_121 = vector.load %arg12[%get3A_119, %get3A_120] : memref<1x4xf32, #tpu.memory_space<vmem>>, vector<1x4xf32>
      %dot_general3A_122 = arith.constant dense<0.000000e+00> : vector<64x4xf32>
      %dot_general3A_123 = tpu.matmul %add3A_118, %get3A_121, %dot_general3A_122 {dimension_numbers = #tpu.dot_dimension_numbers<[1], [0], [0], [1], [0, 0, 1, 1], [], []>, transpose_lhs_hint = false} : vector<64x1xf32>, vector<1x4xf32>, vector<64x4xf32> -> vector<64x4xf32>
      %get3A_124 = arith.constant 0 : index
      %get3A_125 = arith.constant 0 : index
      %get3A_126 = vector.load %arg13[%get3A_124, %get3A_125] : memref<1x4xf32, #tpu.memory_space<vmem>>, vector<1x4xf32>
      %add3A_127 = vector.broadcast %get3A_126 : vector<1x4xf32> to vector<64x4xf32>
      %add3A_128 = arith.addf %dot_general3A_123, %add3A_127 : vector<64x4xf32>
      %max3A_129 = arith.constant 0.000000e+00 : f32
      %max3A_130 = vector.broadcast %max3A_129 : f32 to vector<64x4xf32>
      %max3A_131 = arith.maximumf %add3A_128, %max3A_130 : vector<64x4xf32>
      %get3A_132 = arith.constant 0 : index
      %get3A_133 = arith.constant 0 : index
      %get3A_134 = vector.load %arg14[%get3A_132, %get3A_133] : memref<4x8xf32, #tpu.memory_space<vmem>>, vector<4x8xf32>
      %dot_general3A_135 = arith.constant dense<0.000000e+00> : vector<64x8xf32>
      %dot_general3A_136 = tpu.matmul %max3A_131, %get3A_134, %dot_general3A_135 {dimension_numbers = #tpu.dot_dimension_numbers<[1], [0], [0], [1], [0, 0, 1, 1], [], []>, transpose_lhs_hint = false} : vector<64x4xf32>, vector<4x8xf32>, vector<64x8xf32> -> vector<64x8xf32>
      %get3A_137 = arith.constant 0 : index
      %get3A_138 = arith.constant 0 : index
      %get3A_139 = vector.load %arg15[%get3A_137, %get3A_138] : memref<1x8xf32, #tpu.memory_space<vmem>>, vector<1x8xf32>
      %add3A_140 = vector.broadcast %get3A_139 : vector<1x8xf32> to vector<64x8xf32>
      %add3A_141 = arith.addf %dot_general3A_136, %add3A_140 : vector<64x8xf32>
      %max3A_142 = arith.constant 0.000000e+00 : f32
      %max3A_143 = vector.broadcast %max3A_142 : f32 to vector<64x8xf32>
      %max3A_144 = arith.maximumf %add3A_141, %max3A_143 : vector<64x8xf32>
      %get3A_145 = arith.constant 0 : index
      %get3A_146 = arith.constant 0 : index
      %get3A_147 = vector.load %arg16[%get3A_145, %get3A_146] : memref<8x128xf32, #tpu.memory_space<vmem>>, vector<8x128xf32>
      %dot_general3A_148 = arith.constant dense<0.000000e+00> : vector<64x128xf32>
      %dot_general3A_149 = tpu.matmul %max3A_144, %get3A_147, %dot_general3A_148 {dimension_numbers = #tpu.dot_dimension_numbers<[1], [0], [0], [1], [0, 0, 1, 1], [], []>, transpose_lhs_hint = false} : vector<64x8xf32>, vector<8x128xf32>, vector<64x128xf32> -> vector<64x128xf32>
      %get3A_150 = arith.constant 0 : index
      %get3A_151 = arith.constant 0 : index
      %get3A_152 = vector.load %arg17[%get3A_150, %get3A_151] : memref<1x128xf32, #tpu.memory_space<vmem>>, vector<1x128xf32>
      %add3A_153 = vector.broadcast %get3A_152 : vector<1x128xf32> to vector<64x128xf32>
      %add3A_154 = arith.addf %dot_general3A_149, %add3A_153 : vector<64x128xf32>
      %swap3A_155 = arith.constant 0 : index
      %swap3A_156 = arith.constant 0 : index
      %swap3A_157 = vector.load %arg19[%swap3A_155, %swap3A_156] : memref<64x128xf32, #tpu.memory_space<vmem>>, vector<64x128xf32>
      tpu.vector_store %arg19[%swap3A_155, %swap3A_156], %add3A_154 {strides = array<i32>} : memref<64x128xf32, #tpu.memory_space<vmem>>, vector<64x128xf32>,
    } else {
    }
    return
  }
  func.func @transform_0(%arg0: i32) -> (i32, i32, i32, i32) {
    %c0_i32 = arith.constant 0 : i32
    %c0_i32_0 = arith.constant 0 : i32
    %c0_i32_1 = arith.constant 0 : i32
    %c0_i32_2 = arith.constant 0 : i32
    return %c0_i32, %c0_i32_0, %arg0, %c0_i32_1 : i32, i32, i32, i32
  }
  func.func @transform_1(%arg0: i32) -> (i32, i32) {
    %c0_i32 = arith.constant 0 : i32
    %c0_i32_0 = arith.constant 0 : i32
    return %arg0, %c0_i32 : i32, i32
  }
  func.func @transform_2(%arg0: i32) -> (i32, i32) {
    %c0_i32 = arith.constant 0 : i32
    %c0_i32_0 = arith.constant 0 : i32
    %c0_i32_1 = arith.constant 0 : i32
    return %c0_i32, %c0_i32_0 : i32, i32
  }
  func.func @transform_3(%arg0: i32) -> (i32, i32) {
    %c0_i32 = arith.constant 0 : i32
    %c0_i32_0 = arith.constant 0 : i32
    %c0_i32_1 = arith.constant 0 : i32
    return %c0_i32, %c0_i32_0 : i32, i32
  }
  func.func @transform_4(%arg0: i32) -> (i32, i32, i32) {
    %c0_i32 = arith.constant 0 : i32
    %c0_i32_0 = arith.constant 0 : i32
    %c0_i32_1 = arith.constant 0 : i32
    return %arg0, %c0_i32, %c0_i32_0 : i32, i32, i32
  }
  func.func @transform_5(%arg0: i32) -> (i32, i32) {
    %c0_i32 = arith.constant 0 : i32
    %c0_i32_0 = arith.constant 0 : i32
    %c0_i32_1 = arith.constant 0 : i32
    return %c0_i32, %c0_i32_0 : i32, i32
  }
  func.func @transform_6(%arg0: i32) -> (i32, i32) {
    %c0_i32 = arith.constant 0 : i32
    %c0_i32_0 = arith.constant 0 : i32
    %c0_i32_1 = arith.constant 0 : i32
    return %c0_i32, %c0_i32_0 : i32, i32
  }
  func.func @transform_7(%arg0: i32) -> (i32, i32) {
    %c0_i32 = arith.constant 0 : i32
    %c0_i32_0 = arith.constant 0 : i32
    %c0_i32_1 = arith.constant 0 : i32
    return %c0_i32, %c0_i32_0 : i32, i32
  }
  func.func @transform_8(%arg0: i32) -> (i32, i32) {
    %c0_i32 = arith.constant 0 : i32
    %c0_i32_0 = arith.constant 0 : i32
    %c0_i32_1 = arith.constant 0 : i32
    return %c0_i32, %c0_i32_0 : i32, i32
  }
  func.func @transform_9(%arg0: i32) -> (i32, i32) {
    %c0_i32 = arith.constant 0 : i32
    %c0_i32_0 = arith.constant 0 : i32
    %c0_i32_1 = arith.constant 0 : i32
    return %c0_i32, %c0_i32_0 : i32, i32
  }
  func.func @transform_10(%arg0: i32) -> (i32, i32) {
    %c0_i32 = arith.constant 0 : i32
    %c0_i32_0 = arith.constant 0 : i32
    %c0_i32_1 = arith.constant 0 : i32
    return %c0_i32, %c0_i32_0 : i32, i32
  }
  func.func @transform_11(%arg0: i32) -> (i32, i32) {
    %c0_i32 = arith.constant 0 : i32
    %c0_i32_0 = arith.constant 0 : i32
    %c0_i32_1 = arith.constant 0 : i32
    return %c0_i32, %c0_i32_0 : i32, i32
  }
  func.func @transform_12(%arg0: i32) -> (i32, i32) {
    %c0_i32 = arith.constant 0 : i32
    %c0_i32_0 = arith.constant 0 : i32
    %c0_i32_1 = arith.constant 0 : i32
    return %c0_i32, %c0_i32_0 : i32, i32
  }
  func.func @transform_13(%arg0: i32) -> (i32, i32) {
    %c0_i32 = arith.constant 0 : i32
    %c0_i32_0 = arith.constant 0 : i32
    %c0_i32_1 = arith.constant 0 : i32
    return %c0_i32, %c0_i32_0 : i32, i32
  }
  func.func @transform_14(%arg0: i32) -> (i32, i32) {
    %c0_i32 = arith.constant 0 : i32
    %c0_i32_0 = arith.constant 0 : i32
    %c0_i32_1 = arith.constant 0 : i32
    return %c0_i32, %c0_i32_0 : i32, i32
  }
  func.func @transform_15(%arg0: i32) -> (i32, i32) {
    %c0_i32 = arith.constant 0 : i32
    %c0_i32_0 = arith.constant 0 : i32
    %c0_i32_1 = arith.constant 0 : i32
    return %c0_i32, %c0_i32_0 : i32, i32
  }
  func.func @transform_16(%arg0: i32) -> (i32, i32) {
    %c0_i32 = arith.constant 0 : i32
    %c0_i32_0 = arith.constant 0 : i32
    %c0_i32_1 = arith.constant 0 : i32
    return %c0_i32, %c0_i32_0 : i32, i32
  }
  func.func @transform_17(%arg0: i32) -> (i32, i32) {
    %c0_i32 = arith.constant 0 : i32
    %c0_i32_0 = arith.constant 0 : i32
    %c0_i32_1 = arith.constant 0 : i32
    return %c0_i32, %c0_i32_0 : i32, i32
  }
  func.func @transform_18(%arg0: i32) -> (i32, i32) {
    %c0_i32 = arith.constant 0 : i32
    %c0_i32_0 = arith.constant 0 : i32
    %c0_i32_1 = arith.constant 0 : i32
    return %c0_i32, %c0_i32_0 : i32, i32
  }
}

</mosaic_0001>

<sc_bundles>
// kernel: kernel.6.cloned.1.call-start
scs
__scs_entry_jumppad:
0x0: {  	(pc) =	sbr.rel $0x88, $3  }
0x1: {  	(tag) =	ssettag $0x0;
	lr =	simm.s32 $0x1  }
0x2: {  	[smem:$0x3F8C] =	sst lr;
	_ =	strace $0xD0000000  }
0x3: {  	_ = 	snop  }
0x4: {  	_ = 	snop  }
0x5: {  	_ = 	snop  }
0x6: {  	_ = 	snop  }
0x7: {  	_ = 	snop  }
__scs_overlays_trampoline_lowered:
0x8: {  	[smem:$0x3F9B] =	sst s0  }
0x9: {  	[smem:$0x3F9C] =	sst s1  }
0xa: {  	[smem:$0x3F9D] =	sst s2  }
0xb: {  	[smem:$0x3F9E] =	sst s3  }
0xc: {  	[smem:$0x3F9F] =	sst s4  }
0xd: {  	[smem:$0x3FA0] =	sst s5  }
0xe: {  	[smem:$0x3FA1] =	sst s6  }
0xf: {  	[smem:$0x3FA2] =	sst s7  }
0x10: {  	[smem:$0x3FA3] =	sst s8  }
0x11: {  	[smem:$0x3FA4] =	sst s9;
	s0 =	simm.s32 @!p0 $0x0  }
0x12: {  	s1 =	sld [smem:$0x3F8A];
	s0 =	simm.s32 @p0 $0x1  }
0x13: {  	[smem:$0x3FA5] =	sst s0;
	s0 =	simm.s32 @!p1 $0x0  }
0x14: {  	s2 =	sld [smem:$0x3F89];
	s0 =	simm.s32 @p1 $0x1  }
0x15: {  	[smem:$0x3FA6] =	sst s0;
	s0 =	simm.s32 @!p2 $0x0  }
0x16: {  	s3 =	sld [smem:$0x3FDB];
	s0 =	simm.s32 @p2 $0x1  }
0x17: {  	s4 =	simm.s32 $0x1BF5;
	[smem:$0x3FA8] =	sst s0  }
0x18: {  	s0 =	sld [smem:$0x3F8B];
	_ =	swait.ge [sflag:s4], $0x0  }
0x19: {  	s7 =	sld [smem:$0x3F8C]  }
0x1a: {  	s8 =	sadd.s32 $0xFFFFE003, lr  }
0x1b: {  	s9 =	sadd.s32 $0xFFFFFEF7, lr;
	s5 =	simm.s32 $0xFFFFFFFF;
	p2 =	slt.u32 s8, $0xFFFFF086  }
0x1c: {  	p1 =	slt.u32 s9, $0xF7A;
	s5 =	simm.s32 @!p2 $0x0  }
0x1d: {  	s5 =	simm.s32 @p1 $0x1;
	p0 =	seq.s32 s7, s2  }
0x1e: {  	s7 =	smul.u32 @!p0 $0xF7A, s2;
	p2 =	seq.s32 @!p0 s5, $0x0  }
0x1f: {  	s9 =	smul.u32 $0xF7A, s1;
	s8 =	simm.s32 @!p0 $0x1BF5;
	p2 =	por !p2, p0  }
0x20: {  	[sflag:s8] =	ssyncset.s32 @!p0 $0xFFFFF086;
	s6 =	sadd.s32 @!p0 s3, s7;
	s7 =	simm.s32 @!p0 $0x108  }
0x21: {  	s3 =	sadd.s32 s3, s9;
	s6 =	sadd.s32 @!p0 $0x88, s6;
	s7 =	simm.s32 @p2 $0x1082  }
0x22: {  	[simem:s7], [sflag:s8] =	dma.local @!p0 [hbm:s6], $0xF7A  }
0x23: {  	s9 =	sor.u32 $0xD0000000, s2;
	s6 =	simm.s32 $0x108;
	_ =	swait.ge @!p0 [sflag:s8], $0x0  }
0x24: {  	s3 =	sadd.s32 $0x88, s3;
	s6 =	simm.s32 @!p1 $0x1082;
	[sflag:s4] =	ssyncset.s32 $0xFFFFF086  }
0x25: {  	[simem:s6], [sflag:s4] =	dma.local [hbm:s3], $0xF7A  }
0x26: {  	[smem:$0x3F8C] =	sst s1;
	(tag) =	ssettag s2;
	_ =	strace s9  }
0x27: {  	s1 =	sld [smem:$0x3F9C]  }
0x28: {  	s2 =	sld [smem:$0x3F9D]  }
0x29: {  	s4 =	sld [smem:$0x3F9F]  }
0x2a: {  	p0 =	seq.s32 s5, $0x0;
	s5 =	sld [smem:$0x3FA0]  }
0x2b: {  	s6 =	sld [smem:$0x3FA1]  }
0x2c: {  	s7 =	sld [smem:$0x3FA2]  }
0x2d: {  	s3 =	simm.s32 $0x108;
	s8 =	sld [smem:$0x3FA3]  }
0x2e: {  	s3 =	simm.s32 @!p0 $0x1082;
	s9 =	sld [smem:$0x3FA4]  }
0x2f: {  	lr =	sadd.s32 s0, s3;
	s0 =	sld [smem:$0x3F9B]  }
0x30: {  	s3 =	sld [smem:$0x3F9E]  }
0x31: {  	[smem:$0x3FA7] =	sst s10  }
0x32: {  	s10 =	sld [smem:$0x3FA5];
	_ =	sdelay $0x3  }
0x33: {  	p0 =	seq.s32 s10, $0x1;
	s10 =	sld [smem:$0x3FA7];
	_ =	sdelay $0x3  }
0x34: {  	[smem:$0x3FA7] =	sst s10  }
0x35: {  	s10 =	sld [smem:$0x3FA6];
	_ =	sdelay $0x3  }
0x36: {  	p1 =	seq.s32 s10, $0x1;
	s10 =	sld [smem:$0x3FA7];
	_ =	sdelay $0x3  }
0x37: {  	[smem:$0x3FA7] =	sst s10  }
0x38: {  	s10 =	sld [smem:$0x3FA8]  }
0x39: {  	_ = 	snop;
	(pc) =	sbr.ind lr, $3  }
0x3a: {  	_ = 	snop  }
0x3b: {  	_ = 	snop  }
0x3c: {  	p2 =	seq.s32 s10, $0x1;
	s10 =	sld [smem:$0x3FA7]  }
0x3d: {  	_ =	shalt  }
0x3e: {  	_ =	shalt  }
0x3f: {  	_ =	shalt  }
0x40: {  	_ =	shalt  }
0x41: {  	_ =	shalt  }
0x42: {  	_ =	shalt  }
0x43: {  	_ =	shalt  }
0x44: {  	_ =	shalt  }
0x45: {  	_ =	shalt  }
0x46: {  	_ =	shalt  }
0x47: {  	_ =	shalt  }
0x48: {  	_ =	shalt  }
0x49: {  	_ =	shalt  }
0x4a: {  	_ =	shalt  }
0x4b: {  	_ =	shalt  }
0x4c: {  	_ =	shalt  }
0x4d: {  	_ =	shalt  }
0x4e: {  	_ =	shalt  }
0x4f: {  	_ =	shalt  }
0x50: {  	_ =	shalt  }
0x51: {  	_ =	shalt  }
0x52: {  	_ =	shalt  }
0x53: {  	_ =	shalt  }
0x54: {  	_ =	shalt  }
0x55: {  	_ =	shalt  }
0x56: {  	_ =	shalt  }
0x57: {  	_ =	shalt  }
0x58: {  	_ =	shalt  }
0x59: {  	_ =	shalt  }
0x5a: {  	_ =	shalt  }
0x5b: {  	_ =	shalt  }
0x5c: {  	_ =	shalt  }
0x5d: {  	_ =	shalt  }
0x5e: {  	_ =	shalt  }
0x5f: {  	_ =	shalt  }
0x60: {  	_ =	shalt  }
0x61: {  	_ =	shalt  }
0x62: {  	_ =	shalt  }
0x63: {  	_ =	shalt  }
0x64: {  	_ =	shalt  }
0x65: {  	_ =	shalt  }
0x66: {  	_ =	shalt  }
0x67: {  	_ =	shalt  }
0x68: {  	_ =	shalt  }
0x69: {  	_ =	shalt  }
0x6a: {  	_ =	shalt  }
0x6b: {  	_ =	shalt  }
0x6c: {  	_ =	shalt  }
0x6d: {  	_ =	shalt  }
0x6e: {  	_ =	shalt  }
0x6f: {  	_ =	shalt  }
0x70: {  	_ =	shalt  }
0x71: {  	_ =	shalt  }
0x72: {  	_ =	shalt  }
0x73: {  	_ =	shalt  }
0x74: {  	_ =	shalt  }
0x75: {  	_ =	shalt  }
0x76: {  	_ =	shalt  }
0x77: {  	_ =	shalt  }
0x78: {  	_ =	shalt  }
0x79: {  	_ =	shalt  }
0x7a: {  	_ =	shalt  }
0x7b: {  	_ =	shalt  }
0x7c: {  	_ =	shalt  }
0x7d: {  	_ =	shalt  }
0x7e: {  	_ =	shalt  }
0x7f: {  	_ =	shalt  }
0x80: {  	_ =	shalt  }
0x81: {  	_ =	shalt  }
0x82: {  	_ =	shalt  }
0x83: {  	_ =	shalt  }
0x84: {  	_ =	shalt  }
0x85: {  	_ =	shalt  }
0x86: {  	_ =	shalt  }
0x87: {  	_ =	shalt  }
.Lfunc_end0:
.L_simem_size_0:
called_computation_lowered:
.L_overlay_start_0:
0x88: {  	s2 =	sld [smem:$0x3FD9]  }
0x89: {  	s3 =	sld [smem:$0x3FFE];
	_ =	sdelay $0x1  }
0x8a: {  	s1 =	srdreg.scid  }
0x8b: {  	s0 =	sand.u32 $0x1, s1  }
0x8c: {  	s16 =	sshll.u32 s0, $0xA;
	s2 =	sadd.s32 s3, s2  }
0x8d: {  	s2 =	sadd.s32 s2, s16  }
0x8e: {  	[smem:$0x3FB3] =	sst s2  }
0x8f: {  	_ = 	snop  }
0x90: {  	(tm) =	ssettm $0x1  }
0x91: {  	s17 =	sld [smem:$0x3FFB];
	_ =	sdelay $0x3  }
0x92: {  	_ =	strace s17  }
0x93: {  	s2 =	sld [smem:$0x3FFC];
	_ =	sdelay $0x3  }
0x94: {  	_ =	strace s2  }
0x95: {  	s2 =	sld [smem:$0x3FFD];
	_ =	sdelay $0x3  }
0x96: {  	_ =	strace s2  }
0x97: {  	_ =	strace $0x8FFFFFFF  }
0x98: {  	s18 =	sld [smem:$0x3FDB];
	_ =	sdelay $0x1  }
0x99: {  	s19 =	simm.s32 $_scs_section_size  }
0x9a: {  	s4 =	simm.s32 $_size__tile_overlayer_lowered;
	s5 =	simm.s32 $_tile_overlayer_lowered  }
0x9b: {  	s22 =	simm.s32 $0x1BFF;
	s21 =	sshll.u32 s5, $0x1;
	s2 =	sadd.s32 s19, s18  }
0x9c: {  	s6 =	simm.s32 $0x0;
	s20 =	sshll.u32 s4, $0x1;
	s4 =	sadd.s32 s21, s2  }
0x9d: {  	[timem:s6], [sflag:s22] =	dma.local [hbm:s4], s20  }
0x9e: {  	_ =	swait.ge [sflag:s22], s20  }
0x9f: {  	s3 =	ssub.s32 $0x0, s20;
	[sflag:s22] =	ssyncset.done $0x0  }
0xa0: {  	[sflag:s22] =	ssyncadd.s32 s3;
	_ =	sdelay $0x1  }
0xa1: {  	s23 =	simm.s32 $0x1B8B  }
0xa2: {  	_ =	swait.ge [sflag:s23], $0x1  }
0xa3: {  	[sflag:s23] =	ssyncset.done $0x0  }
0xa4: {  	s25 =	simm.s32 $0x1B8E;
	s24 =	sld [smem:$0x3FFE];
	[sflag:s23] =	ssyncadd.s32 $0xFFFFFFFF  }
0xa5: {  	s26 =	simm.s32 $execute0_lowered;
	[smem:$0x3FD2] =	sst s25  }
0xa6: {  	s4 =	sshll.u32 s26, $0x1;
	_ =	strace $0x80000046;
	[dreg:$0x1] =	wrdreg $0xFFFFFFFF  }
0xa7: {  	s28 =	simm.s32 $_size_execute0_lowered;
	s2 =	sadd.s32 s2, s4;
	[dreg:$0x0] =	wrdreg $0x0  }
0xa8: {  	s4 =	sshll.u32 s28, $0x1;
	[dreg:$0x2] =	wrdreg s2  }
0xa9: {  	[dreg:$0x3] =	wrdreg s4  }
0xaa: {  	[dreg:$0x4] =	wrdreg $0xC0  }
0xab: {  	_ =	task [dreg:s6], $0x5FFFF  }
0xac: {  	[dreg:$0x1] =	wrdreg $0xFFFFFFFF  }
0xad: {  	[dreg:$0x0] =	wrdreg $0x60  }
0xae: {  	[dreg:$0x2] =	wrdreg s24  }
0xaf: {  	[dreg:$0x3] =	wrdreg $0x11D000  }
0xb0: {  	[dreg:$0x4] =	wrdreg $0x9  }
0xb1: {  	_ =	task.clear_ibuf [dreg:s6], $0x5FFFF;
	_ =	strace $0x90000046  }
0xb2: {  	s29 =	simm.s32 $0x9;
	_ =	strace $0x80000048  }
0xb3: {  	_ =	swait.ge [sflag:s29], $0x1  }
0xb4: {  	[sflag:s29] =	ssyncadd.s32 $0xFFFFFFFF  }
0xb5: {  	_ =	strace $0x90000048  }
0xb6: {  	_ =	sfence  }
0xb7: {  	s30 =	sld [smem:$0x0];
	_ =	sdelay $0x2  }
0xb8: {  	s31 =	sshll.u32 s1, $0xD;
	s1 =	sshrl.u32 s1, $0x2  }
0xb9: {  	s3 =	sand.u32 $0x4000, s31;
	s1 =	sadd.s32 s1, s30  }
0xba: {  	s0 =	sor.u32 s3, s0;
	s1 =	sshll.u32 s1, $0x11  }
0xbb: {  	s0 =	sor.u32 s1, s0  }
0xbc: {  	s0 =	sadd.s32 $0x8F2B, s0  }
0xbd: {  	[sflag:s0] =	ssyncadd.remote.s32 $0x1  }
0xbe: {  	_ =	sfence.sel $0xFFFF  }
0xbf: {  	[dreg:$0x0] =	wrdreg $0xFFFFFFFF;
	(pc) =	sbr.abs _section_cstart, $3  }
0xc0: {  	[dreg:$0x1] =	wrdreg $0xFFFFFFFF  }
0xc1: {  	_ =	task.clear_ibuf [dreg:s6], $0x2FFFF;
	_ =	strace $0x9FFFFFFF  }
0xc2: {  	(tm) =	ssettm $0x7FFFFFFF  }
0xc3: {  	_ =	shalt  }
tec
execute0_lowered:
.L_overlay_start_1:
0x0: {  	(tag) =	ssettag $0x1  }
0x1: {  	s0 =	rddreg [dreg:$0x0]  }
0x2: {  	s2 =	rddreg [dreg:$0x1]  }
0x3: {  	s14 =	stileid.u32;
	s4 =	srdreg.scid  }
0x4: {  	s3 =	simm.s32 $0x0;
	s13 =	simm.s32 $0x9;
	s17 =	simm.s32 $0x7D  }
0x5: {  	s18 =	simm.s32 $0xA000;
	s20 =	simm.s32 $0xBF40;
	s22 =	simm.s32 $0xDE80  }
0x6: {  	s28 =	simm.s32 $0x3;
	s29 =	simm.s32 $0x4;
	s30 =	simm.s32 $0x5  }
0x7: {  	s31 =	simm.s32 $0x7;
	s1 =	smul.u32 $0xA00, s14;
	s4 =	sand.u32 $0x1, s4  }
0x8: {  	s10 =	smul.u32 $0xA000, s14;
	[smem:$0x7FF] =	sst s3;
	s5 =	sadd.s32 $0x2B200, s0  }
0x9: {  	s6 =	sadd.s32 $0x17800, s0;
	s23 =	sadd.s32 $0x3EC00, s0;
	s26 =	sshll.u32 s14, $0x6  }
0xa: {  	s7 =	smul.u32 $0xA0000, s4;
	_ =	strace $0x80000047;
	s9 =	ssub.s32 $0x2, s4  }
0xb: {  	[dreg:$0x3] =	wrdreg s23;
	p0 =	seq.s32 s4, $0x0;
	s15 =	sor.u32 $0x1C09, s26  }
0xc: {  	s26 =	simm.s32 $0x2;
	s1 =	sadd.s32 s1, s0;
	s11 =	sshrl.u32 s9, $0x1  }
0xd: {  	s25 =	sadd.s32 s10, s2;
	s8 =	sadd.s32 s10, s7;
	s12 =	ssub.s32 s9, s11  }
.Ltmp0:
0xe: {  	s24 =	sadd.s32 $0xD800, s1;
	s9 =	sadd.s32 $0x3800, s1;
	(pc) =	sbr.rel .LBB2_1-.Ltmp0, $4  }
0xf: {  	s10 =	smov.u32 s6;
	s16 =	sshrl.u32 s25, $0x3;
	s25 =	simm.s32 $0x1  }
0x10: {  	s1 =	simm.s32 $0x0;
	s8 =	sshrl.u32 s8, $0x3;
	[dreg:$0x4] =	wrdreg s24  }
0x11: {  	s12 =	smax.u32 s12, $0x1;
	s10 =	smov.u32 @p0 s5;
	s0 =	sadd.s32 s8, s0  }
0x12: {  	s24 =	simm.s32 $0xFDC0;
	s11 =	sadd.s32 $0x40000, s0;
	s0 =	simm.s32 $0x8  }
.LBB2_4:
0x13: {  	_ =	swait.ge [sflag:s0], $0x1F40  }
0x14: {  	s1 =	sadd.s32 $0x1, s1;
	[sflag:s0] =	ssyncset.done $0x0  }
0x15: {  	p0 =	sne.s32 s1, s12;
	[sflag:s0] =	ssyncadd.s32 $0xFFFFE0C0  }
.Ltmp1:
0x16: {  	[bflag:$0x0] =	sbarrier.arrive $0xFFFF;
	(pc) =	sbr.rel @!p0 .LBB2_5-.Ltmp1, $4  }
0x17: {  	[hbm:s11], [sflag:s15] =	dma.local [spmem:s16], $0x1400  }
0x18: {  	_ =	swait.ge [sflag:s13], $0x1400  }
0x19: {  	[sflag:s13] =	ssyncset.done $0x0  }
0x1a: {  	[sflag:s13] =	ssyncadd.s32 $0xFFFFEC00  }
.LBB2_1:
0x1b: {  	s7 =	rddreg [dreg:$0x4]  }
0x1c: {  	[tilespmem:s3], [sflag:$0x9] =	stream.linear.gather [hbm4b:s7+s3], $0x5000, $0x38;
	[tilespmem:$0x1BD00] =	vst v63  }
0x1d: {  	_ =	swait.ge [sflag:s13], $0x5000  }
0x1e: {  	[sflag:s13] =	ssyncset.done $0x0  }
0x1f: {  	s8 =	simm.s32 $0x5000;
	[sflag:s13] =	ssyncadd.s32 $0xFFFFB000  }
0x20: {  	[tilespmem:s8], [sflag:$0x9] =	stream.linear.gather [hbm4b:s9+s3], $0x5000, $0x38;
	[tilespmem:$0x1BD00] =	vst v63  }
0x21: {  	_ =	swait.ge [sflag:s13], $0x5000  }
0x22: {  	[sflag:s13] =	ssyncset.done $0x0  }
0x23: {  	s14 =	rddreg [dreg:$0x3];
	[sflag:s13] =	ssyncadd.s32 $0xFFFFB000  }
0x24: {  	[spmem:s16], [sflag:s15] =	dma.local [hbm:s14], $0x1400  }
0x25: {  	_ =	swait.ge [sflag:s13], $0x1400  }
0x26: {  	[sflag:s13] =	ssyncset.done $0x0  }
0x27: {  	[sflag:s13] =	ssyncadd.s32 $0xFFFFEC00  }
0x28: {  	[bflag:$0x0] =	sbarrier.arrive $0xFFFF  }
0x29: {  	[tilespmem:s18], [sflag:$0x1] =	stream.indirect.gather [hbm4b:s10+s17], $0x40, s3, s17, $0xb8;
	[tilespmem:$0x1BD00] =	vst v63  }
0x2a: {  	s19 =	simm.s32 $0x80  }
0x2b: {  	[tilespmem:s20], [sflag:$0x2] =	stream.indirect.gather [hbm4b:s10+s17], $0x40, s19, s17, $0xb8;
	[tilespmem:$0x1BD00] =	vst v63  }
0x2c: {  	s21 =	simm.s32 $0x100  }
0x2d: {  	[tilespmem:s22], [sflag:$0x3] =	stream.indirect.gather [hbm4b:s10+s17], $0x40, s21, s17, $0xb8;
	[tilespmem:$0x1BD00] =	vst v63  }
0x2e: {  	s23 =	simm.s32 $0x180;
	s14 =	simm.s32 $0x0  }
0x2f: {  	[tilespmem:s24], [sflag:$0x4] =	stream.indirect.gather [hbm4b:s10+s17], $0x40, s23, s17, $0xb8;
	[tilespmem:$0x1BD00] =	vst v63  }
.LBB2_2:
0x30: {  	_ =	swait.ge [sflag:s25], $0x1F40  }
0x31: {  	s19 =	sshra.s32 s14, $0x2;
	[sflag:s25] =	ssyncset.done $0x0  }
0x32: {  	s21 =	sadd.s32 $0x5000, s19;
	[sflag:s25] =	ssyncadd.s32 $0xFFFFE0C0  }
0x33: {  	[spmem:s2] =	stream.indirect.scatter.add.f32 [tilespmem:s18], [sflag:$0x5], $0x40, s21, s17, $0xb8;
	[tilespmem:$0x1BD00] =	vst v63  }
0x34: {  	_ =	swait.ge [sflag:s26], $0x1F40  }
0x35: {  	[sflag:s26] =	ssyncset.done $0x0  }
0x36: {  	s7 =	sadd.s32 $0x5080, s19;
	[sflag:s26] =	ssyncadd.s32 $0xFFFFE0C0  }
0x37: {  	[spmem:s2] =	stream.indirect.scatter.add.f32 [tilespmem:s20], [sflag:$0x6], $0x40, s7, s17, $0xb8;
	[tilespmem:$0x1BD00] =	vst v63  }
0x38: {  	_ =	swait.ge [sflag:s28], $0x1F40  }
0x39: {  	[sflag:s28] =	ssyncset.done $0x0  }
0x3a: {  	s8 =	sadd.s32 $0x5100, s19;
	[sflag:s28] =	ssyncadd.s32 $0xFFFFE0C0  }
0x3b: {  	[spmem:s2] =	stream.indirect.scatter.add.f32 [tilespmem:s22], [sflag:$0x7], $0x40, s8, s17, $0xb8;
	[tilespmem:$0x1BD00] =	vst v63  }
0x3c: {  	_ =	swait.ge [sflag:s29], $0x1F40  }
0x3d: {  	[sflag:s29] =	ssyncset.done $0x0  }
0x3e: {  	s23 =	sadd.s32 $0x5180, s19;
	[sflag:s29] =	ssyncadd.s32 $0xFFFFE0C0  }
0x3f: {  	[spmem:s2] =	stream.indirect.scatter.add.f32 [tilespmem:s24], [sflag:$0x8], $0x40, s23, s17, $0xb8;
	[tilespmem:$0x1BD00] =	vst v63  }
0x40: {  	_ =	swait.ge [sflag:s30], $0x1F40  }
0x41: {  	p0 =	seq.s32 s14, $0x13800;
	[sflag:s30] =	ssyncset.done $0x0  }
0x42: {  	s21 =	simm.s32 @p0 $0x6;
	[sflag:s30] =	ssyncadd.s32 $0xFFFFE0C0  }
0x43: {  	_ =	swait.ge @p0 [sflag:s21], $0x1F40  }
0x44: {  	[sflag:s21] =	ssyncset.done @p0 $0x0  }
0x45: {  	[sflag:s21] =	ssyncadd.s32 @p0 $0xFFFFE0C0;
	s21 =	sshra.s32 @!p0 s14, $0x2  }
0x46: {  	s7 =	simm.s32 @!p0 $0x7D;
	s8 =	simm.s32 @!p0 $0xA000;
	s23 =	sadd.s32 @!p0 $0x200, s21  }
0x47: {  	[tilespmem:s8], [sflag:$0x1] =	stream.indirect.gather @!p0 [hbm4b:s10+s7], $0x40, s23, s7, $0xb8;
	[tilespmem:$0x1BD00] =	vst v63  }
0x48: {  	p1 =	sne.s32 @!p0 s4, $0x0;
	s7 =	simm.s32 @!p0 $0x6  }
0x49: {  	p2 =	por !p1, p0;
	_ =	swait.ge @!p0 [sflag:s7], $0x1F40  }
0x4a: {  	p1 =	por p1, p0;
	s8 =	simm.s32 @!p2 $0x7D;
	[sflag:s7] =	ssyncset.done @!p0 $0x0  }
0x4b: {  	[sflag:s7] =	ssyncadd.s32 @!p0 $0xFFFFE0C0;
	s7 =	sadd.s32 @!p0 $0x280, s21;
	s21 =	simm.s32 @!p2 $0xBF40  }
0x4c: {  	[tilespmem:s21], [sflag:$0x2] =	stream.indirect.gather @!p2 [hbm4b:s6+s8], $0x40, s7, s8, $0xb8;
	[tilespmem:$0x1BD00] =	vst v63  }
.Ltmp2:
0x4d: {  	s8 =	simm.s32 @!p1 $0x7D;
	s21 =	simm.s32 @!p1 $0xBF40;
	(pc) =	sbr.rel @p0 .LBB2_4-.Ltmp2, $4  }
0x4e: {  	[tilespmem:s21], [sflag:$0x2] =	stream.indirect.gather @!p1 [hbm4b:s5+s8], $0x40, s7, s8, $0xb8;
	[tilespmem:$0x1BD00] =	vst v63  }
0x4f: {  	_ =	swait.ge [sflag:s31], $0x1F40  }
0x50: {  	[sflag:s31] =	ssyncset.done $0x0  }
0x51: {  	[sflag:s31] =	ssyncadd.s32 $0xFFFFE0C0  }
0x52: {  	s7 =	sadd.s32 $0x300, s19  }
0x53: {  	[tilespmem:s22], [sflag:$0x3] =	stream.indirect.gather [hbm4b:s10+s17], $0x40, s7, s17, $0xb8;
	[tilespmem:$0x1BD00] =	vst v63  }
.Ltmp3:
0x54: {  	_ = 	snop;
	(pc) =	sbr.rel .LBB2_2-.Ltmp3, $4  }
0x55: {  	_ =	swait.ge [sflag:s0], $0x1F40  }
0x56: {  	[sflag:s0] =	ssyncset.done $0x0  }
0x57: {  	s23 =	sadd.s32 $0x380, s19;
	s14 =	sadd.s32 $0x800, s14;
	[sflag:s0] =	ssyncadd.s32 $0xFFFFE0C0  }
0x58: {  	[tilespmem:s24], [sflag:$0x4] =	stream.indirect.gather [hbm4b:s10+s17], $0x40, s23, s17, $0xb8;
	[tilespmem:$0x1BD00] =	vst v63  }
.LBB2_5:
0x59: {  	_ =	sfence.sel $0x180000  }
0x5a: {  	[bflag:$0x0] =	sbarrier.arrive $0xFFFF  }
0x5b: {  	_ =	strace $0x90000047  }
0x5c: {  	s0 =	stileid.u32;
	[bflag:$0x2] =	sbarrier.arrive $0xFFFF  }
0x5d: {  	p0 =	sne.s32 s0, $0x0;
	s0 =	rddreg [dreg:$0x2]  }
0x5e: {  	s0 =	sadd.s32 @!p0 $0x100000, s0  }
0x5f: {  	[sflag:s0] =	ssyncadd.tile.s32 @!p0 $0x1;
	_ =	shalt  }
.Lfunc_end2:
_tile_overlayer_lowered:
.L_overlay_start_2:
0x60: {  	(tag) =	ssettag $0x2  }
0x61: {  	s0 =	rddreg [dreg:$0x0];
	s2 =	stileid.u32  }
0x62: {  	s1 =	rddreg [dreg:$0x1];
	p0 =	sne.s32 s2, $0x0  }
0x63: {  	s3 =	rddreg [dreg:$0x2];
	[bflag:$0x3] =	sbarrier.arrive $0xFFFF;
	s2 =	simm.s32 @!p0 $0x1C09  }
0x64: {  	[timem:s3], [sflag:s2] =	dma.local @!p0 [hbm:s0], s1  }
0x65: {  	s0 =	simm.s32 @!p0 $0x9  }
0x66: {  	_ =	swait.ge @!p0 [sflag:s0], s1  }
0x67: {  	s1 =	ssub.s32 @!p0 $0x0, s1;
	[sflag:s0] =	ssyncset.done @!p0 $0x0  }
0x68: {  	[sflag:s0] =	ssyncadd.s32 @!p0 s1  }
0x69: {  	[bflag:$0x3] =	sbarrier.arrive $0xFFFF  }
0x6a: {  	_ =	shalt  }

// kernel: kernel.9.cloned.1.call-start
scs
__scs_entry_jumppad:
0x0: {  	(pc) =	sbr.rel $0x88, $3  }
0x1: {  	(tag) =	ssettag $0x0;
	lr =	simm.s32 $0x1  }
0x2: {  	[smem:$0x3F8C] =	sst lr;
	_ =	strace $0xD0000000  }
0x3: {  	_ = 	snop  }
0x4: {  	_ = 	snop  }
0x5: {  	_ = 	snop  }
0x6: {  	_ = 	snop  }
0x7: {  	_ = 	snop  }
__scs_overlays_trampoline_lowered:
0x8: {  	[smem:$0x3F9B] =	sst s0  }
0x9: {  	[smem:$0x3F9C] =	sst s1  }
0xa: {  	[smem:$0x3F9D] =	sst s2  }
0xb: {  	[smem:$0x3F9E] =	sst s3  }
0xc: {  	[smem:$0x3F9F] =	sst s4  }
0xd: {  	[smem:$0x3FA0] =	sst s5  }
0xe: {  	[smem:$0x3FA1] =	sst s6  }
0xf: {  	[smem:$0x3FA2] =	sst s7  }
0x10: {  	[smem:$0x3FA3] =	sst s8  }
0x11: {  	[smem:$0x3FA4] =	sst s9;
	s0 =	simm.s32 @!p0 $0x0  }
0x12: {  	s1 =	sld [smem:$0x3F8A];
	s0 =	simm.s32 @p0 $0x1  }
0x13: {  	[smem:$0x3FA5] =	sst s0;
	s0 =	simm.s32 @!p1 $0x0  }
0x14: {  	s2 =	sld [smem:$0x3F89];
	s0 =	simm.s32 @p1 $0x1  }
0x15: {  	[smem:$0x3FA6] =	sst s0;
	s0 =	simm.s32 @!p2 $0x0  }
0x16: {  	s3 =	sld [smem:$0x3FDB];
	s0 =	simm.s32 @p2 $0x1  }
0x17: {  	s4 =	simm.s32 $0x1BF5;
	[smem:$0x3FA8] =	sst s0  }
0x18: {  	s0 =	sld [smem:$0x3F8B];
	_ =	swait.ge [sflag:s4], $0x0  }
0x19: {  	s7 =	sld [smem:$0x3F8C]  }
0x1a: {  	s8 =	sadd.s32 $0xFFFFE003, lr  }
0x1b: {  	s9 =	sadd.s32 $0xFFFFFEF7, lr;
	s5 =	simm.s32 $0xFFFFFFFF;
	p2 =	slt.u32 s8, $0xFFFFF086  }
0x1c: {  	p1 =	slt.u32 s9, $0xF7A;
	s5 =	simm.s32 @!p2 $0x0  }
0x1d: {  	s5 =	simm.s32 @p1 $0x1;
	p0 =	seq.s32 s7, s2  }
0x1e: {  	s7 =	smul.u32 @!p0 $0xF7A, s2;
	p2 =	seq.s32 @!p0 s5, $0x0  }
0x1f: {  	s9 =	smul.u32 $0xF7A, s1;
	s8 =	simm.s32 @!p0 $0x1BF5;
	p2 =	por !p2, p0  }
0x20: {  	[sflag:s8] =	ssyncset.s32 @!p0 $0xFFFFF086;
	s6 =	sadd.s32 @!p0 s3, s7;
	s7 =	simm.s32 @!p0 $0x108  }
0x21: {  	s3 =	sadd.s32 s3, s9;
	s6 =	sadd.s32 @!p0 $0x88, s6;
	s7 =	simm.s32 @p2 $0x1082  }
0x22: {  	[simem:s7], [sflag:s8] =	dma.local @!p0 [hbm:s6], $0xF7A  }
0x23: {  	s9 =	sor.u32 $0xD0000000, s2;
	s6 =	simm.s32 $0x108;
	_ =	swait.ge @!p0 [sflag:s8], $0x0  }
0x24: {  	s3 =	sadd.s32 $0x88, s3;
	s6 =	simm.s32 @!p1 $0x1082;
	[sflag:s4] =	ssyncset.s32 $0xFFFFF086  }
0x25: {  	[simem:s6], [sflag:s4] =	dma.local [hbm:s3], $0xF7A  }
0x26: {  	[smem:$0x3F8C] =	sst s1;
	(tag) =	ssettag s2;
	_ =	strace s9  }
0x27: {  	s1 =	sld [smem:$0x3F9C]  }
0x28: {  	s2 =	sld [smem:$0x3F9D]  }
0x29: {  	s4 =	sld [smem:$0x3F9F]  }
0x2a: {  	p0 =	seq.s32 s5, $0x0;
	s5 =	sld [smem:$0x3FA0]  }
0x2b: {  	s6 =	sld [smem:$0x3FA1]  }
0x2c: {  	s7 =	sld [smem:$0x3FA2]  }
0x2d: {  	s3 =	simm.s32 $0x108;
	s8 =	sld [smem:$0x3FA3]  }
0x2e: {  	s3 =	simm.s32 @!p0 $0x1082;
	s9 =	sld [smem:$0x3FA4]  }
0x2f: {  	lr =	sadd.s32 s0, s3;
	s0 =	sld [smem:$0x3F9B]  }
0x30: {  	s3 =	sld [smem:$0x3F9E]  }
0x31: {  	[smem:$0x3FA7] =	sst s10  }
0x32: {  	s10 =	sld [smem:$0x3FA5];
	_ =	sdelay $0x3  }
0x33: {  	p0 =	seq.s32 s10, $0x1;
	s10 =	sld [smem:$0x3FA7];
	_ =	sdelay $0x3  }
0x34: {  	[smem:$0x3FA7] =	sst s10  }
0x35: {  	s10 =	sld [smem:$0x3FA6];
	_ =	sdelay $0x3  }
0x36: {  	p1 =	seq.s32 s10, $0x1;
	s10 =	sld [smem:$0x3FA7];
	_ =	sdelay $0x3  }
0x37: {  	[smem:$0x3FA7] =	sst s10  }
0x38: {  	s10 =	sld [smem:$0x3FA8]  }
0x39: {  	_ = 	snop;
	(pc) =	sbr.ind lr, $3  }
0x3a: {  	_ = 	snop  }
0x3b: {  	_ = 	snop  }
0x3c: {  	p2 =	seq.s32 s10, $0x1;
	s10 =	sld [smem:$0x3FA7]  }
0x3d: {  	_ =	shalt  }
0x3e: {  	_ =	shalt  }
0x3f: {  	_ =	shalt  }
0x40: {  	_ =	shalt  }
0x41: {  	_ =	shalt  }
0x42: {  	_ =	shalt  }
0x43: {  	_ =	shalt  }
0x44: {  	_ =	shalt  }
0x45: {  	_ =	shalt  }
0x46: {  	_ =	shalt  }
0x47: {  	_ =	shalt  }
0x48: {  	_ =	shalt  }
0x49: {  	_ =	shalt  }
0x4a: {  	_ =	shalt  }
0x4b: {  	_ =	shalt  }
0x4c: {  	_ =	shalt  }
0x4d: {  	_ =	shalt  }
0x4e: {  	_ =	shalt  }
0x4f: {  	_ =	shalt  }
0x50: {  	_ =	shalt  }
0x51: {  	_ =	shalt  }
0x52: {  	_ =	shalt  }
0x53: {  	_ =	shalt  }
0x54: {  	_ =	shalt  }
0x55: {  	_ =	shalt  }
0x56: {  	_ =	shalt  }
0x57: {  	_ =	shalt  }
0x58: {  	_ =	shalt  }
0x59: {  	_ =	shalt  }
0x5a: {  	_ =	shalt  }
0x5b: {  	_ =	shalt  }
0x5c: {  	_ =	shalt  }
0x5d: {  	_ =	shalt  }
0x5e: {  	_ =	shalt  }
0x5f: {  	_ =	shalt  }
0x60: {  	_ =	shalt  }
0x61: {  	_ =	shalt  }
0x62: {  	_ =	shalt  }
0x63: {  	_ =	shalt  }
0x64: {  	_ =	shalt  }
0x65: {  	_ =	shalt  }
0x66: {  	_ =	shalt  }
0x67: {  	_ =	shalt  }
0x68: {  	_ =	shalt  }
0x69: {  	_ =	shalt  }
0x6a: {  	_ =	shalt  }
0x6b: {  	_ =	shalt  }
0x6c: {  	_ =	shalt  }
0x6d: {  	_ =	shalt  }
0x6e: {  	_ =	shalt  }
0x6f: {  	_ =	shalt  }
0x70: {  	_ =	shalt  }
0x71: {  	_ =	shalt  }
0x72: {  	_ =	shalt  }
0x73: {  	_ =	shalt  }
0x74: {  	_ =	shalt  }
0x75: {  	_ =	shalt  }
0x76: {  	_ =	shalt  }
0x77: {  	_ =	shalt  }
0x78: {  	_ =	shalt  }
0x79: {  	_ =	shalt  }
0x7a: {  	_ =	shalt  }
0x7b: {  	_ =	shalt  }
0x7c: {  	_ =	shalt  }
0x7d: {  	_ =	shalt  }
0x7e: {  	_ =	shalt  }
0x7f: {  	_ =	shalt  }
0x80: {  	_ =	shalt  }
0x81: {  	_ =	shalt  }
0x82: {  	_ =	shalt  }
0x83: {  	_ =	shalt  }
0x84: {  	_ =	shalt  }
0x85: {  	_ =	shalt  }
0x86: {  	_ =	shalt  }
0x87: {  	_ =	shalt  }
.Lfunc_end0:
.L_simem_size_0:
called_computation.1_lowered:
.L_overlay_start_0:
0x88: {  	s2 =	sld [smem:$0x3FD9]  }
0x89: {  	s3 =	sld [smem:$0x3FFE];
	_ =	sdelay $0x1  }
0x8a: {  	s1 =	srdreg.scid  }
0x8b: {  	s0 =	sand.u32 $0x1, s1  }
0x8c: {  	s16 =	sshll.u32 s0, $0xA;
	s2 =	sadd.s32 s3, s2  }
0x8d: {  	s2 =	sadd.s32 s2, s16  }
0x8e: {  	[smem:$0x3FB3] =	sst s2  }
0x8f: {  	_ = 	snop  }
0x90: {  	(tm) =	ssettm $0x1  }
0x91: {  	s17 =	sld [smem:$0x3FFB];
	_ =	sdelay $0x3  }
0x92: {  	_ =	strace s17  }
0x93: {  	s2 =	sld [smem:$0x3FFC];
	_ =	sdelay $0x3  }
0x94: {  	_ =	strace s2  }
0x95: {  	s2 =	sld [smem:$0x3FFD];
	_ =	sdelay $0x3  }
0x96: {  	_ =	strace s2  }
0x97: {  	_ =	strace $0x8FFFFFFF  }
0x98: {  	s18 =	sld [smem:$0x3FDB];
	_ =	sdelay $0x1  }
0x99: {  	s19 =	simm.s32 $_scs_section_size  }
0x9a: {  	s4 =	simm.s32 $_size__tile_overlayer_lowered;
	s5 =	simm.s32 $_tile_overlayer_lowered  }
0x9b: {  	s22 =	simm.s32 $0x1BFF;
	s21 =	sshll.u32 s5, $0x1;
	s2 =	sadd.s32 s19, s18  }
0x9c: {  	s6 =	simm.s32 $0x0;
	s20 =	sshll.u32 s4, $0x1;
	s4 =	sadd.s32 s21, s2  }
0x9d: {  	[timem:s6], [sflag:s22] =	dma.local [hbm:s4], s20  }
0x9e: {  	_ =	swait.ge [sflag:s22], s20  }
0x9f: {  	s3 =	ssub.s32 $0x0, s20;
	[sflag:s22] =	ssyncset.done $0x0  }
0xa0: {  	[sflag:s22] =	ssyncadd.s32 s3;
	_ =	sdelay $0x1  }
0xa1: {  	s23 =	simm.s32 $0x1B8B  }
0xa2: {  	_ =	swait.ge [sflag:s23], $0x1  }
0xa3: {  	[sflag:s23] =	ssyncset.done $0x0  }
0xa4: {  	s25 =	simm.s32 $0x1B8E;
	s24 =	sld [smem:$0x3FFE];
	[sflag:s23] =	ssyncadd.s32 $0xFFFFFFFF  }
0xa5: {  	s26 =	simm.s32 $execute0_lowered;
	[smem:$0x3FD2] =	sst s25  }
0xa6: {  	s4 =	sshll.u32 s26, $0x1;
	_ =	strace $0x80000049;
	[dreg:$0x1] =	wrdreg $0xFFFFFFFF  }
0xa7: {  	s28 =	simm.s32 $_size_execute0_lowered;
	s2 =	sadd.s32 s2, s4;
	[dreg:$0x0] =	wrdreg $0x0  }
0xa8: {  	s4 =	sshll.u32 s28, $0x1;
	[dreg:$0x2] =	wrdreg s2  }
0xa9: {  	[dreg:$0x3] =	wrdreg s4  }
0xaa: {  	[dreg:$0x4] =	wrdreg $0xC0  }
0xab: {  	_ =	task [dreg:s6], $0x5FFFF  }
0xac: {  	[dreg:$0x1] =	wrdreg $0xFFFFFFFF  }
0xad: {  	[dreg:$0x0] =	wrdreg $0x60  }
0xae: {  	[dreg:$0x2] =	wrdreg s24  }
0xaf: {  	[dreg:$0x3] =	wrdreg $0x11D000  }
0xb0: {  	[dreg:$0x4] =	wrdreg $0x9  }
0xb1: {  	_ =	task.clear_ibuf [dreg:s6], $0x5FFFF;
	_ =	strace $0x90000049  }
0xb2: {  	s29 =	simm.s32 $0x9;
	_ =	strace $0x8000004B  }
0xb3: {  	_ =	swait.ge [sflag:s29], $0x1  }
0xb4: {  	[sflag:s29] =	ssyncadd.s32 $0xFFFFFFFF  }
0xb5: {  	_ =	strace $0x9000004B  }
0xb6: {  	_ =	sfence  }
0xb7: {  	s30 =	sld [smem:$0x0];
	_ =	sdelay $0x2  }
0xb8: {  	s31 =	sshll.u32 s1, $0xD;
	s1 =	sshrl.u32 s1, $0x2  }
0xb9: {  	s3 =	sand.u32 $0x4000, s31;
	s1 =	sadd.s32 s1, s30  }
0xba: {  	s0 =	sor.u32 s3, s0;
	s1 =	sshll.u32 s1, $0x11  }
0xbb: {  	s0 =	sor.u32 s1, s0  }
0xbc: {  	s0 =	sadd.s32 $0x8F2B, s0  }
0xbd: {  	[sflag:s0] =	ssyncadd.remote.s32 $0x1  }
0xbe: {  	_ =	sfence.sel $0xFFFF  }
0xbf: {  	[dreg:$0x0] =	wrdreg $0xFFFFFFFF;
	(pc) =	sbr.abs _section_cstart, $3  }
0xc0: {  	[dreg:$0x1] =	wrdreg $0xFFFFFFFF  }
0xc1: {  	_ =	task.clear_ibuf [dreg:s6], $0x2FFFF;
	_ =	strace $0x9FFFFFFF  }
0xc2: {  	(tm) =	ssettm $0x7FFFFFFF  }
0xc3: {  	_ =	shalt  }
tec
execute0_lowered:
.L_overlay_start_1:
0x0: {  	(tag) =	ssettag $0x1  }
0x1: {  	s0 =	rddreg [dreg:$0x0]  }
0x2: {  	s2 =	rddreg [dreg:$0x1];
	s4 =	simm.s32 $0x0  }
0x3: {  	s3 =	stileid.u32;
	s1 =	srdreg.scid;
	s17 =	simm.s32 $0x9  }
0x4: {  	s21 =	simm.s32 $0x7D;
	s22 =	simm.s32 $0xA000;
	s29 =	simm.s32 $0xFDC0  }
0x5: {  	s30 =	simm.s32 $0x1;
	s31 =	simm.s32 $0x2;
	s18 =	simm.s32 $0x5  }
0x6: {  	[smem:$0x7FF] =	sst s4;
	s4 =	sand.u32 $0x1, s1;
	s23 =	smul.u32 $0xA000, s3  }
0x7: {  	s5 =	sadd.s32 $0x7AE00, s0;
	s6 =	sadd.s32 $0x67400, s0;
	s7 =	sadd.s32 $0x53A00, s0  }
0x8: {  	s10 =	smul.u32 $0xA00, s3;
	s8 =	sadd.s32 $0x40000, s0;
	s28 =	sshll.u32 s3, $0x6  }
0x9: {  	_ =	strace $0x8000004A;
	s9 =	smul.u32 $0xA0000, s4;
	s11 =	ssub.s32 $0x2, s4  }
0xa: {  	p0 =	seq.s32 s4, $0x0;
	s14 =	smov.u32 s6;
	s15 =	smov.u32 s8  }
0xb: {  	s19 =	sor.u32 $0x1C09, s28;
	s10 =	sadd.s32 s10, s0;
	s13 =	sshrl.u32 s11, $0x1  }
0xc: {  	s1 =	sadd.s32 s23, s2;
	s14 =	smov.u32 @p0 s5;
	s15 =	smov.u32 @p0 s7  }
0xd: {  	s9 =	sadd.s32 s23, s9;
	s11 =	ssub.s32 s11, s13;
	s24 =	sadd.s32 $0xD800, s10  }
0xe: {  	s10 =	sadd.s32 $0x3800, s10;
	s20 =	sshrl.u32 s1, $0x3;
	s1 =	simm.s32 $0x4  }
0xf: {  	s12 =	sshrl.u32 s9, $0x3;
	s9 =	sadd.s32 $0x3EC00, s0;
	[dreg:$0x3] =	wrdreg s24  }
.Ltmp0:
0x10: {  	[dreg:$0x4] =	wrdreg s10;
	s26 =	smax.u32 s11, $0x1;
	(pc) =	sbr.rel .LBB2_1-.Ltmp0, $4  }
0x11: {  	s24 =	simm.s32 $0xBF40;
	s10 =	simm.s32 $0x7;
	s0 =	sadd.s32 s12, s0  }
0x12: {  	s11 =	simm.s32 $0x8;
	[dreg:$0x7] =	wrdreg s26;
	s25 =	sadd.s32 $0x8E800, s0  }
0x13: {  	s26 =	simm.s32 $0xDE80;
	s0 =	sadd.s32 $0xB6800, s0;
	[dreg:$0x5] =	wrdreg s25  }
0x14: {  	s12 =	simm.s32 $0x0;
	[dreg:$0x6] =	wrdreg s0;
	s0 =	simm.s32 $0x3  }
.LBB2_7:
0x15: {  	_ =	swait.ge [sflag:s11], $0x1F40  }
0x16: {  	[sflag:s11] =	ssyncset.done $0x0  }
0x17: {  	[sflag:s11] =	ssyncadd.s32 $0xFFFFE0C0  }
0x18: {  	[bflag:$0x0] =	sbarrier.arrive $0xFFFF  }
0x19: {  	s3 =	rddreg [dreg:$0x6]  }
0x1a: {  	[hbm:s3], [sflag:s19] =	dma.local [spmem:s20], $0x1400  }
0x1b: {  	_ =	swait.ge [sflag:s17], $0x1400  }
0x1c: {  	s12 =	sadd.s32 $0x1, s12;
	s28 =	rddreg [dreg:$0x7]  }
0x1d: {  	p0 =	sne.s32 s12, s28  }
.Ltmp1:
0x1e: {  	_ = 	snop;
	(pc) =	sbr.rel @!p0 .LBB2_8-.Ltmp1, $3  }
0x1f: {  	_ =	sdelay $0x1  }
0x20: {  	[sflag:s17] =	ssyncset.done $0x0  }
0x21: {  	[sflag:s17] =	ssyncadd.s32 $0xFFFFEC00  }
.LBB2_1:
0x22: {  	s3 =	simm.s32 $0x0;
	s13 =	rddreg [dreg:$0x3]  }
0x23: {  	[tilespmem:s3], [sflag:$0x9] =	stream.linear.gather [hbm4b:s13+s3], $0x5000, $0x38;
	[tilespmem:$0x1BD00] =	vst v63  }
0x24: {  	_ =	swait.ge [sflag:s17], $0x5000  }
0x25: {  	[sflag:s17] =	ssyncset.done $0x0  }
0x26: {  	s16 =	simm.s32 $0x5000;
	s28 =	rddreg [dreg:$0x4];
	[sflag:s17] =	ssyncadd.s32 $0xFFFFB000  }
0x27: {  	[tilespmem:s16], [sflag:$0x9] =	stream.linear.gather [hbm4b:s28+s3], $0x5000, $0x38;
	[tilespmem:$0x1BD00] =	vst v63  }
0x28: {  	_ =	swait.ge [sflag:s17], $0x5000  }
0x29: {  	[sflag:s17] =	ssyncset.done $0x0  }
0x2a: {  	[sflag:s17] =	ssyncadd.s32 $0xFFFFB000  }
0x2b: {  	[spmem:s20], [sflag:s19] =	dma.local [hbm:s9], $0x1400  }
0x2c: {  	_ =	swait.ge [sflag:s17], $0x1400  }
0x2d: {  	[sflag:s17] =	ssyncset.done $0x0  }
0x2e: {  	[sflag:s17] =	ssyncadd.s32 $0xFFFFEC00  }
0x2f: {  	[bflag:$0x0] =	sbarrier.arrive $0xFFFF  }
0x30: {  	[tilespmem:s22], [sflag:$0x1] =	stream.indirect.gather [hbm4b:s14+s21], $0x40, s3, s21, $0xb8;
	[tilespmem:$0x1BD00] =	vst v63  }
0x31: {  	s23 =	simm.s32 $0x80  }
0x32: {  	[tilespmem:s24], [sflag:$0x2] =	stream.indirect.gather [hbm4b:s14+s21], $0x40, s23, s21, $0xb8;
	[tilespmem:$0x1BD00] =	vst v63  }
0x33: {  	s25 =	simm.s32 $0x100  }
0x34: {  	[tilespmem:s26], [sflag:$0x3] =	stream.indirect.gather [hbm4b:s14+s21], $0x40, s25, s21, $0xb8;
	[tilespmem:$0x1BD00] =	vst v63  }
0x35: {  	s13 =	simm.s32 $0x0;
	s28 =	simm.s32 $0x180  }
0x36: {  	[tilespmem:s29], [sflag:$0x4] =	stream.indirect.gather [hbm4b:s14+s21], $0x40, s28, s21, $0xb8;
	[tilespmem:$0x1BD00] =	vst v63  }
.LBB2_2:
0x37: {  	_ =	swait.ge [sflag:s30], $0x1F40  }
0x38: {  	s16 =	sshra.s32 s13, $0x2;
	[sflag:s30] =	ssyncset.done $0x0  }
0x39: {  	s23 =	sadd.s32 $0x5000, s16;
	[sflag:s30] =	ssyncadd.s32 $0xFFFFE0C0  }
0x3a: {  	[spmem:s2] =	stream.indirect.scatter.add.f32 [tilespmem:s22], [sflag:$0x5], $0x40, s23, s21, $0xb8;
	[tilespmem:$0x1BD00] =	vst v63  }
0x3b: {  	_ =	swait.ge [sflag:s31], $0x1F40  }
0x3c: {  	[sflag:s31] =	ssyncset.done $0x0  }
0x3d: {  	s3 =	sadd.s32 $0x5080, s16;
	[sflag:s31] =	ssyncadd.s32 $0xFFFFE0C0  }
0x3e: {  	[spmem:s2] =	stream.indirect.scatter.add.f32 [tilespmem:s24], [sflag:$0x6], $0x40, s3, s21, $0xb8;
	[tilespmem:$0x1BD00] =	vst v63  }
0x3f: {  	_ =	swait.ge [sflag:s0], $0x1F40  }
0x40: {  	[sflag:s0] =	ssyncset.done $0x0  }
0x41: {  	s25 =	sadd.s32 $0x5100, s16;
	[sflag:s0] =	ssyncadd.s32 $0xFFFFE0C0  }
0x42: {  	[spmem:s2] =	stream.indirect.scatter.add.f32 [tilespmem:s26], [sflag:$0x7], $0x40, s25, s21, $0xb8;
	[tilespmem:$0x1BD00] =	vst v63  }
0x43: {  	_ =	swait.ge [sflag:s1], $0x1F40  }
0x44: {  	[sflag:s1] =	ssyncset.done $0x0  }
0x45: {  	s28 =	sadd.s32 $0x5180, s16;
	[sflag:s1] =	ssyncadd.s32 $0xFFFFE0C0  }
0x46: {  	[spmem:s2] =	stream.indirect.scatter.add.f32 [tilespmem:s29], [sflag:$0x8], $0x40, s28, s21, $0xb8;
	[tilespmem:$0x1BD00] =	vst v63  }
0x47: {  	_ =	swait.ge [sflag:s18], $0x1F40  }
0x48: {  	p0 =	seq.s32 s13, $0x13800;
	[sflag:s18] =	ssyncset.done $0x0  }
0x49: {  	s23 =	simm.s32 @p0 $0x6;
	[sflag:s18] =	ssyncadd.s32 $0xFFFFE0C0  }
0x4a: {  	_ =	swait.ge @p0 [sflag:s23], $0x1F40  }
0x4b: {  	[sflag:s23] =	ssyncset.done @p0 $0x0  }
0x4c: {  	[sflag:s23] =	ssyncadd.s32 @p0 $0xFFFFE0C0;
	s23 =	sshra.s32 @!p0 s13, $0x2  }
0x4d: {  	s3 =	simm.s32 @!p0 $0xA000;
	s28 =	simm.s32 @!p0 $0x7D;
	s25 =	sadd.s32 @!p0 $0x200, s23  }
0x4e: {  	[tilespmem:s3], [sflag:$0x1] =	stream.indirect.gather @!p0 [hbm4b:s14+s28], $0x40, s25, s28, $0xb8;
	[tilespmem:$0x1BD00] =	vst v63  }
0x4f: {  	p1 =	sne.s32 @!p0 s4, $0x0;
	s3 =	simm.s32 @!p0 $0x6  }
0x50: {  	p2 =	por !p1, p0;
	_ =	swait.ge @!p0 [sflag:s3], $0x1F40  }
0x51: {  	p1 =	por p1, p0;
	s25 =	simm.s32 @!p2 $0xBF40;
	[sflag:s3] =	ssyncset.done @!p0 $0x0  }
0x52: {  	[sflag:s3] =	ssyncadd.s32 @!p0 $0xFFFFE0C0;
	s3 =	sadd.s32 @!p0 $0x280, s23;
	s23 =	simm.s32 @!p2 $0x7D  }
0x53: {  	[tilespmem:s25], [sflag:$0x2] =	stream.indirect.gather @!p2 [hbm4b:s6+s23], $0x40, s3, s23, $0xb8;
	[tilespmem:$0x1BD00] =	vst v63  }
.Ltmp2:
0x54: {  	s23 =	simm.s32 @!p1 $0x7D;
	s25 =	simm.s32 @!p1 $0xBF40;
	(pc) =	sbr.rel @p0 .LBB2_4-.Ltmp2, $4  }
0x55: {  	[tilespmem:s25], [sflag:$0x2] =	stream.indirect.gather @!p1 [hbm4b:s5+s23], $0x40, s3, s23, $0xb8;
	[tilespmem:$0x1BD00] =	vst v63  }
0x56: {  	_ =	swait.ge [sflag:s10], $0x1F40  }
0x57: {  	[sflag:s10] =	ssyncset.done $0x0  }
0x58: {  	[sflag:s10] =	ssyncadd.s32 $0xFFFFE0C0  }
0x59: {  	s3 =	sadd.s32 $0x300, s16  }
0x5a: {  	[tilespmem:s26], [sflag:$0x3] =	stream.indirect.gather [hbm4b:s14+s21], $0x40, s3, s21, $0xb8;
	[tilespmem:$0x1BD00] =	vst v63  }
.Ltmp3:
0x5b: {  	_ = 	snop;
	(pc) =	sbr.rel .LBB2_2-.Ltmp3, $4  }
0x5c: {  	_ =	swait.ge [sflag:s11], $0x1F40  }
0x5d: {  	[sflag:s11] =	ssyncset.done $0x0  }
0x5e: {  	s28 =	sadd.s32 $0x380, s16;
	s13 =	sadd.s32 $0x800, s13;
	[sflag:s11] =	ssyncadd.s32 $0xFFFFE0C0  }
0x5f: {  	[tilespmem:s29], [sflag:$0x4] =	stream.indirect.gather [hbm4b:s14+s21], $0x40, s28, s21, $0xb8;
	[tilespmem:$0x1BD00] =	vst v63  }
.LBB2_4:
0x60: {  	_ =	swait.ge [sflag:s11], $0x1F40  }
0x61: {  	[sflag:s11] =	ssyncset.done $0x0  }
0x62: {  	[sflag:s11] =	ssyncadd.s32 $0xFFFFE0C0  }
0x63: {  	[bflag:$0x0] =	sbarrier.arrive $0xFFFF  }
0x64: {  	s3 =	rddreg [dreg:$0x5]  }
0x65: {  	[hbm:s3], [sflag:s19] =	dma.local [spmem:s20], $0x1400  }
0x66: {  	_ =	swait.ge [sflag:s17], $0x1400  }
0x67: {  	[sflag:s17] =	ssyncset.done $0x0  }
0x68: {  	[sflag:s17] =	ssyncadd.s32 $0xFFFFEC00  }
0x69: {  	[spmem:s20], [sflag:s19] =	dma.local [hbm:s9], $0x1400  }
0x6a: {  	_ =	swait.ge [sflag:s17], $0x1400  }
0x6b: {  	[sflag:s17] =	ssyncset.done $0x0  }
0x6c: {  	[sflag:s17] =	ssyncadd.s32 $0xFFFFEC00  }
0x6d: {  	s13 =	simm.s32 $0x0;
	[bflag:$0x0] =	sbarrier.arrive $0xFFFF  }
0x6e: {  	[tilespmem:s22], [sflag:$0x1] =	stream.indirect.gather [hbm4b:s15+s21], $0x40, s13, s21, $0xb8;
	[tilespmem:$0x1BD00] =	vst v63  }
0x6f: {  	s23 =	simm.s32 $0x80  }
0x70: {  	[tilespmem:s24], [sflag:$0x2] =	stream.indirect.gather [hbm4b:s15+s21], $0x40, s23, s21, $0xb8;
	[tilespmem:$0x1BD00] =	vst v63  }
0x71: {  	s25 =	simm.s32 $0x100  }
0x72: {  	[tilespmem:s26], [sflag:$0x3] =	stream.indirect.gather [hbm4b:s15+s21], $0x40, s25, s21, $0xb8;
	[tilespmem:$0x1BD00] =	vst v63  }
0x73: {  	s28 =	simm.s32 $0x180  }
0x74: {  	[tilespmem:s29], [sflag:$0x4] =	stream.indirect.gather [hbm4b:s15+s21], $0x40, s28, s21, $0xb8;
	[tilespmem:$0x1BD00] =	vst v63  }
.LBB2_5:
0x75: {  	_ =	swait.ge [sflag:s30], $0x1F40  }
0x76: {  	s16 =	sshra.s32 s13, $0x2;
	[sflag:s30] =	ssyncset.done $0x0  }
0x77: {  	s3 =	sadd.s32 $0x5000, s16;
	[sflag:s30] =	ssyncadd.s32 $0xFFFFE0C0  }
0x78: {  	[spmem:s2] =	stream.indirect.scatter.add.f32 [tilespmem:s22], [sflag:$0x5], $0x40, s3, s21, $0xb8;
	[tilespmem:$0x1BD00] =	vst v63  }
0x79: {  	_ =	swait.ge [sflag:s31], $0x1F40  }
0x7a: {  	[sflag:s31] =	ssyncset.done $0x0  }
0x7b: {  	s23 =	sadd.s32 $0x5080, s16;
	[sflag:s31] =	ssyncadd.s32 $0xFFFFE0C0  }
0x7c: {  	[spmem:s2] =	stream.indirect.scatter.add.f32 [tilespmem:s24], [sflag:$0x6], $0x40, s23, s21, $0xb8;
	[tilespmem:$0x1BD00] =	vst v63  }
0x7d: {  	_ =	swait.ge [sflag:s0], $0x1F40  }
0x7e: {  	[sflag:s0] =	ssyncset.done $0x0  }
0x7f: {  	s25 =	sadd.s32 $0x5100, s16;
	[sflag:s0] =	ssyncadd.s32 $0xFFFFE0C0  }
0x80: {  	[spmem:s2] =	stream.indirect.scatter.add.f32 [tilespmem:s26], [sflag:$0x7], $0x40, s25, s21, $0xb8;
	[tilespmem:$0x1BD00] =	vst v63  }
0x81: {  	_ =	swait.ge [sflag:s1], $0x1F40  }
0x82: {  	[sflag:s1] =	ssyncset.done $0x0  }
0x83: {  	s28 =	sadd.s32 $0x5180, s16;
	[sflag:s1] =	ssyncadd.s32 $0xFFFFE0C0  }
0x84: {  	[spmem:s2] =	stream.indirect.scatter.add.f32 [tilespmem:s29], [sflag:$0x8], $0x40, s28, s21, $0xb8;
	[tilespmem:$0x1BD00] =	vst v63  }
0x85: {  	_ =	swait.ge [sflag:s18], $0x1F40  }
0x86: {  	p0 =	seq.s32 s13, $0x13800;
	[sflag:s18] =	ssyncset.done $0x0  }
0x87: {  	s3 =	simm.s32 @p0 $0x6;
	[sflag:s18] =	ssyncadd.s32 $0xFFFFE0C0  }
0x88: {  	_ =	swait.ge @p0 [sflag:s3], $0x1F40  }
0x89: {  	[sflag:s3] =	ssyncset.done @p0 $0x0  }
0x8a: {  	[sflag:s3] =	ssyncadd.s32 @p0 $0xFFFFE0C0;
	s3 =	sshra.s32 @!p0 s13, $0x2  }
0x8b: {  	s25 =	simm.s32 @!p0 $0x7D;
	s28 =	simm.s32 @!p0 $0xA000;
	s23 =	sadd.s32 @!p0 $0x200, s3  }
0x8c: {  	[tilespmem:s28], [sflag:$0x1] =	stream.indirect.gather @!p0 [hbm4b:s15+s25], $0x40, s23, s25, $0xb8;
	[tilespmem:$0x1BD00] =	vst v63  }
0x8d: {  	p1 =	sne.s32 @!p0 s4, $0x0;
	s23 =	simm.s32 @!p0 $0x6  }
0x8e: {  	p2 =	por !p1, p0;
	_ =	swait.ge @!p0 [sflag:s23], $0x1F40  }
0x8f: {  	p1 =	por p1, p0;
	s3 =	sadd.s32 @!p0 $0x280, s3;
	[sflag:s23] =	ssyncset.done @!p0 $0x0  }
0x90: {  	s25 =	simm.s32 @!p2 $0xBF40;
	[sflag:s23] =	ssyncadd.s32 @!p0 $0xFFFFE0C0;
	s23 =	simm.s32 @!p2 $0x7D  }
0x91: {  	[tilespmem:s25], [sflag:$0x2] =	stream.indirect.gather @!p2 [hbm4b:s8+s23], $0x40, s3, s23, $0xb8;
	[tilespmem:$0x1BD00] =	vst v63  }
.Ltmp4:
0x92: {  	s23 =	simm.s32 @!p1 $0x7D;
	s25 =	simm.s32 @!p1 $0xBF40;
	(pc) =	sbr.rel @p0 .LBB2_7-.Ltmp4, $4  }
0x93: {  	[tilespmem:s25], [sflag:$0x2] =	stream.indirect.gather @!p1 [hbm4b:s7+s23], $0x40, s3, s23, $0xb8;
	[tilespmem:$0x1BD00] =	vst v63  }
0x94: {  	_ =	swait.ge [sflag:s10], $0x1F40  }
0x95: {  	[sflag:s10] =	ssyncset.done $0x0  }
0x96: {  	[sflag:s10] =	ssyncadd.s32 $0xFFFFE0C0  }
0x97: {  	s3 =	sadd.s32 $0x300, s16  }
0x98: {  	[tilespmem:s26], [sflag:$0x3] =	stream.indirect.gather [hbm4b:s15+s21], $0x40, s3, s21, $0xb8;
	[tilespmem:$0x1BD00] =	vst v63  }
.Ltmp5:
0x99: {  	_ = 	snop;
	(pc) =	sbr.rel .LBB2_5-.Ltmp5, $4  }
0x9a: {  	_ =	swait.ge [sflag:s11], $0x1F40  }
0x9b: {  	[sflag:s11] =	ssyncset.done $0x0  }
0x9c: {  	s28 =	sadd.s32 $0x380, s16;
	s13 =	sadd.s32 $0x800, s13;
	[sflag:s11] =	ssyncadd.s32 $0xFFFFE0C0  }
0x9d: {  	[tilespmem:s29], [sflag:$0x4] =	stream.indirect.gather [hbm4b:s15+s21], $0x40, s28, s21, $0xb8;
	[tilespmem:$0x1BD00] =	vst v63  }
.LBB2_8:
0x9e: {  	_ =	sfence.sel $0x180000  }
0x9f: {  	[bflag:$0x0] =	sbarrier.arrive $0xFFFF  }
0xa0: {  	_ =	strace $0x9000004A  }
0xa1: {  	s0 =	stileid.u32;
	[bflag:$0x2] =	sbarrier.arrive $0xFFFF  }
0xa2: {  	p0 =	sne.s32 s0, $0x0;
	s0 =	rddreg [dreg:$0x2]  }
0xa3: {  	s0 =	sadd.s32 @!p0 $0x100000, s0  }
0xa4: {  	[sflag:s0] =	ssyncadd.tile.s32 @!p0 $0x1;
	_ =	shalt  }
.Lfunc_end2:
_tile_overlayer_lowered:
.L_overlay_start_2:
0xa5: {  	(tag) =	ssettag $0x2  }
0xa6: {  	s0 =	rddreg [dreg:$0x0];
	s2 =	stileid.u32  }
0xa7: {  	s1 =	rddreg [dreg:$0x1];
	p0 =	sne.s32 s2, $0x0  }
0xa8: {  	s3 =	rddreg [dreg:$0x2];
	[bflag:$0x3] =	sbarrier.arrive $0xFFFF;
	s2 =	simm.s32 @!p0 $0x1C09  }
0xa9: {  	[timem:s3], [sflag:s2] =	dma.local @!p0 [hbm:s0], s1  }
0xaa: {  	s0 =	simm.s32 @!p0 $0x9  }
0xab: {  	_ =	swait.ge @!p0 [sflag:s0], s1  }
0xac: {  	s1 =	ssub.s32 @!p0 $0x0, s1;
	[sflag:s0] =	ssyncset.done @!p0 $0x0  }
0xad: {  	[sflag:s0] =	ssyncadd.s32 @!p0 s1  }
0xae: {  	[bflag:$0x3] =	sbarrier.arrive $0xFFFF  }
0xaf: {  	_ =	shalt  }

</sc_bundles>
